<compile_context>
chip_gen: v7x
topology: tpu7x:2x2x1
jax: 0.10.2.dev20260603
libtpu: 0.0.44.dev20260713+nightly
codegen_flags: <defaults>
</compile_context>

<pallas_src>
import jax
import jax.numpy as jnp
from jax.experimental import pallas as pl
from jax.experimental.pallas import tpu as pltpu
from jax.experimental.pallas import tpu_sc as plsc

B = 8
N = 64
K = 16
T = 128
D = 768


def _topk_mask_body(ro_ref, mask_ref, idx_ref, selmask_ref):
    scores = ro_ref[:, :, 1]
    s_i = scores[:, :, None]
    s_j = scores[:, None, :]
    j_iota = jax.lax.broadcasted_iota(jnp.int32, (B, N, N), 2)
    i_iota = jax.lax.broadcasted_iota(jnp.int32, (B, N, N), 1)
    beats = (s_j > s_i) | ((s_j == s_i) & (j_iota < i_iota))
    rank = beats.astype(jnp.int32).sum(axis=2)
    k_iota = jax.lax.broadcasted_iota(jnp.int32, (B, K, N), 1)
    eq = rank[:, None, :] == k_iota
    n_iota = jax.lax.broadcasted_iota(jnp.int32, (B, K, N), 2)
    idx_ref[:, :] = jnp.where(eq, n_iota, 0).sum(axis=2)
    eqf = eq.astype(jnp.float32)
    for b in range(B):
        selmask_ref[b] = jnp.dot(
            eqf[b], mask_ref[b], preferred_element_type=jnp.float32
        )


def _topk_and_mask(rationale_out, token_mask):
    return pl.pallas_call(
        _topk_mask_body,
        out_shape=(
            jax.ShapeDtypeStruct((B, K), jnp.int32),
            jax.ShapeDtypeStruct((B, K, T), jnp.float32),
        ),
    )(rationale_out, token_mask)


def _sc_gather(token_reps, top_idx):
    mesh = plsc.ScalarSubcoreMesh(axis_name="core")
    n_cores = mesh.num_cores
    per_core = B // n_cores

    @pl.kernel(
        out_type=jax.ShapeDtypeStruct((B, K, T, D), jnp.float32),
        mesh=mesh,
        scratch_types=[
            pltpu.SMEM((B, K), jnp.int32),
            pltpu.SemaphoreType.DMA,
        ],
    )
    def gather_kernel(reps_ref, idx_ref, out_ref, idx_smem, sem):
        core = jax.lax.axis_index("core")
        pltpu.async_copy(idx_ref, idx_smem, sem).wait()
        handles = []
        for bi in range(per_core):
            b = core * per_core + bi
            for k in range(K):
                i = idx_smem[b, k]
                handles.append(
                    pltpu.async_copy(reps_ref.at[b, i], out_ref.at[b, k], sem)
                )
        for h in handles:
            h.wait()

    return gather_kernel(token_reps, top_idx)


def kernel(token_reps, token_mask, rationale_out):
    top_idx, sel_mask = _topk_and_mask(rationale_out, token_mask)
    sel_reps = _sc_gather(token_reps, top_idx)
    return (sel_reps, sel_mask)

# --- scband reference (transcript-rebuilt; emitter-appended) ---
"""Pipeline reference for scband-select-rationale-38156489458415 (READ-ONLY COPY).

The authoritative reference and input builder live on the scoring server;
editing this copy changes nothing except your own understanding.
"""

import jax, jax.numpy as jnp
import numpy as np

HARD_K = 16

def setup_inputs(seed: int = 0) -> dict:
    key = jax.random.key(seed)
    k1, k2 = jax.random.split(key)
    token_reps = jax.random.normal(k1, (8, 64, 128, 768), dtype=jnp.float32)
    token_mask = jnp.ones((8, 64, 128), dtype=jnp.float32)
    rationale_out = jax.random.normal(k2, (8, 64, 2), dtype=jnp.float32)
    return {"token_reps": token_reps, "token_mask": token_mask, "rationale_out": rationale_out}

def reference(token_reps, token_mask, rationale_out):
    # att_scores = rationale_out[:, :, 1]  -> (B, N_sentence)
    att_scores = rationale_out[:, :, 1]
    # hard_k > 0 and hard_k <= N_sentence holds for these shapes
    top_vals, top_idx = jax.lax.top_k(att_scores, HARD_K)  # (B, k)
    # token_reps[batch_indices, top_idx, :, :] -> gather along sentence axis
    sel_reps = jnp.take_along_axis(token_reps, top_idx[:, :, None, None], axis=1)
    # token_mask[batch_indices, top_idx, :]
    sel_mask = jnp.take_along_axis(token_mask, top_idx[:, :, None], axis=1)
    return (sel_reps, sel_mask)

if __name__ == "__main__":
    import jax
    _d = setup_inputs()
    print(jax.jit(kernel)(*tuple(_d.values())))

</pallas_src>

<mosaic_0001>
#map = affine_map<(d0) -> (0, 0, 0, 0)>
#map1 = affine_map<(d0) -> (0, 0)>
module attributes {stable_mosaic.version = 14 : i64} {
  func.func @gather_kernel(%arg0: i32, %arg1: memref<8x64x128x768xf32, #tpu.memory_space<hbm>>, %arg2: memref<8x16xi32, #tpu.memory_space<hbm>>, %arg3: memref<8x16x128x768xf32, #tpu.memory_space<hbm>>, %arg4: memref<8x16xi32, #tpu.memory_space<smem>>, %arg5: memref<!tpu.dma_semaphore, #tpu.memory_space<semaphore_mem>>) attributes {dimension_semantics = [#tpu.dimension_semantics<core_parallel>], iteration_bounds = array<i64: 2>, scalar_prefetch = 0 : i64, scratch_operands = 2 : i64, tpu.core_type = #tpu.core_type<sc_scalar_subcore>, window_params = [{transform_indices = #map}, {transform_indices = #map1}, {transform_indices = #map}]} {
    tpu.enqueue_dma source(%arg2 : memref<8x16xi32, #tpu.memory_space<hbm>>) target(%arg4 : memref<8x16xi32, #tpu.memory_space<smem>>) target_semaphore(%arg5 : memref<!tpu.dma_semaphore, #tpu.memory_space<semaphore_mem>>)
    tpu.wait_dma2 semaphore(%arg5 : memref<!tpu.dma_semaphore, #tpu.memory_space<semaphore_mem>>) src(%arg2 : memref<8x16xi32, #tpu.memory_space<hbm>>) dst(%arg4 : memref<8x16xi32, #tpu.memory_space<smem>>)
    %mul3A = arith.constant 4 : i32
    %mul3A_0 = arith.muli %arg0, %mul3A : i32
    %add3A = arith.constant 0 : i32
    %add3A_1 = arith.addi %mul3A_0, %add3A : i32
    %get3A = arith.constant 0 : i32
    %get3A_2 = arith.index_cast %add3A_1 : i32 to index
    %get3A_3 = arith.index_cast %get3A : i32 to index
    %get3A_4 = memref.load %arg4[%get3A_2, %get3A_3] : memref<8x16xi32, #tpu.memory_space<smem>>
    %dma_start3A = arith.constant 0 : i32
    %dma_start3A_5 = arith.constant 0 : i32
    %dma_start3A_6 = arith.constant 0 : i32
    %dma_start3A_7 = tpu.memref_slice %arg3[%add3A_1, %dma_start3A, %dma_start3A_5, %dma_start3A_6] : memref<8x16x128x768xf32, #tpu.memory_space<hbm>> -> memref<1x1x128x768xf32, #tpu.memory_space<hbm>>
    %dma_start3A_8 = tpu.memref_squeeze %dma_start3A_7 : memref<1x1x128x768xf32, #tpu.memory_space<hbm>> -> memref<128x768xf32, #tpu.memory_space<hbm>>
    %dma_start3A_9 = arith.constant 0 : i32
    %dma_start3A_10 = arith.constant 0 : i32
    %dma_start3A_11 = tpu.memref_slice %arg1[%add3A_1, %get3A_4, %dma_start3A_9, %dma_start3A_10] : memref<8x64x128x768xf32, #tpu.memory_space<hbm>> -> memref<1x1x128x768xf32, #tpu.memory_space<hbm>>
    %dma_start3A_12 = tpu.memref_squeeze %dma_start3A_11 : memref<1x1x128x768xf32, #tpu.memory_space<hbm>> -> memref<128x768xf32, #tpu.memory_space<hbm>>
    tpu.enqueue_dma source(%dma_start3A_12 : memref<128x768xf32, #tpu.memory_space<hbm>>) target(%dma_start3A_8 : memref<128x768xf32, #tpu.memory_space<hbm>>) target_semaphore(%arg5 : memref<!tpu.dma_semaphore, #tpu.memory_space<semaphore_mem>>)
    %get3A_13 = arith.constant 1 : i32
    %get3A_14 = arith.index_cast %add3A_1 : i32 to index
    %get3A_15 = arith.index_cast %get3A_13 : i32 to index
    %get3A_16 = memref.load %arg4[%get3A_14, %get3A_15] : memref<8x16xi32, #tpu.memory_space<smem>>
    %dma_start3A_17 = arith.constant 1 : i32
    %dma_start3A_18 = arith.constant 0 : i32
    %dma_start3A_19 = arith.constant 0 : i32
    %dma_start3A_20 = tpu.memref_slice %arg3[%add3A_1, %dma_start3A_17, %dma_start3A_18, %dma_start3A_19] : memref<8x16x128x768xf32, #tpu.memory_space<hbm>> -> memref<1x1x128x768xf32, #tpu.memory_space<hbm>>
    %dma_start3A_21 = tpu.memref_squeeze %dma_start3A_20 : memref<1x1x128x768xf32, #tpu.memory_space<hbm>> -> memref<128x768xf32, #tpu.memory_space<hbm>>
    %dma_start3A_22 = arith.constant 0 : i32
    %dma_start3A_23 = arith.constant 0 : i32
    %dma_start3A_24 = tpu.memref_slice %arg1[%add3A_1, %get3A_16, %dma_start3A_22, %dma_start3A_23] : memref<8x64x128x768xf32, #tpu.memory_space<hbm>> -> memref<1x1x128x768xf32, #tpu.memory_space<hbm>>
    %dma_start3A_25 = tpu.memref_squeeze %dma_start3A_24 : memref<1x1x128x768xf32, #tpu.memory_space<hbm>> -> memref<128x768xf32, #tpu.memory_space<hbm>>
    tpu.enqueue_dma source(%dma_start3A_25 : memref<128x768xf32, #tpu.memory_space<hbm>>) target(%dma_start3A_21 : memref<128x768xf32, #tpu.memory_space<hbm>>) target_semaphore(%arg5 : memref<!tpu.dma_semaphore, #tpu.memory_space<semaphore_mem>>)
    %get3A_26 = arith.constant 2 : i32
    %get3A_27 = arith.index_cast %add3A_1 : i32 to index
    %get3A_28 = arith.index_cast %get3A_26 : i32 to index
    %get3A_29 = memref.load %arg4[%get3A_27, %get3A_28] : memref<8x16xi32, #tpu.memory_space<smem>>
    %dma_start3A_30 = arith.constant 2 : i32
    %dma_start3A_31 = arith.constant 0 : i32
    %dma_start3A_32 = arith.constant 0 : i32
    %dma_start3A_33 = tpu.memref_slice %arg3[%add3A_1, %dma_start3A_30, %dma_start3A_31, %dma_start3A_32] : memref<8x16x128x768xf32, #tpu.memory_space<hbm>> -> memref<1x1x128x768xf32, #tpu.memory_space<hbm>>
    %dma_start3A_34 = tpu.memref_squeeze %dma_start3A_33 : memref<1x1x128x768xf32, #tpu.memory_space<hbm>> -> memref<128x768xf32, #tpu.memory_space<hbm>>
    %dma_start3A_35 = arith.constant 0 : i32
    %dma_start3A_36 = arith.constant 0 : i32
    %dma_start3A_37 = tpu.memref_slice %arg1[%add3A_1, %get3A_29, %dma_start3A_35, %dma_start3A_36] : memref<8x64x128x768xf32, #tpu.memory_space<hbm>> -> memref<1x1x128x768xf32, #tpu.memory_space<hbm>>
    %dma_start3A_38 = tpu.memref_squeeze %dma_start3A_37 : memref<1x1x128x768xf32, #tpu.memory_space<hbm>> -> memref<128x768xf32, #tpu.memory_space<hbm>>
    tpu.enqueue_dma source(%dma_start3A_38 : memref<128x768xf32, #tpu.memory_space<hbm>>) target(%dma_start3A_34 : memref<128x768xf32, #tpu.memory_space<hbm>>) target_semaphore(%arg5 : memref<!tpu.dma_semaphore, #tpu.memory_space<semaphore_mem>>)
    %get3A_39 = arith.constant 3 : i32
    %get3A_40 = arith.index_cast %add3A_1 : i32 to index
    %get3A_41 = arith.index_cast %get3A_39 : i32 to index
    %get3A_42 = memref.load %arg4[%get3A_40, %get3A_41] : memref<8x16xi32, #tpu.memory_space<smem>>
    %dma_start3A_43 = arith.constant 3 : i32
    %dma_start3A_44 = arith.constant 0 : i32
    %dma_start3A_45 = arith.constant 0 : i32
    %dma_start3A_46 = tpu.memref_slice %arg3[%add3A_1, %dma_start3A_43, %dma_start3A_44, %dma_start3A_45] : memref<8x16x128x768xf32, #tpu.memory_space<hbm>> -> memref<1x1x128x768xf32, #tpu.memory_space<hbm>>
    %dma_start3A_47 = tpu.memref_squeeze %dma_start3A_46 : memref<1x1x128x768xf32, #tpu.memory_space<hbm>> -> memref<128x768xf32, #tpu.memory_space<hbm>>
    %dma_start3A_48 = arith.constant 0 : i32
    %dma_start3A_49 = arith.constant 0 : i32
    %dma_start3A_50 = tpu.memref_slice %arg1[%add3A_1, %get3A_42, %dma_start3A_48, %dma_start3A_49] : memref<8x64x128x768xf32, #tpu.memory_space<hbm>> -> memref<1x1x128x768xf32, #tpu.memory_space<hbm>>
    %dma_start3A_51 = tpu.memref_squeeze %dma_start3A_50 : memref<1x1x128x768xf32, #tpu.memory_space<hbm>> -> memref<128x768xf32, #tpu.memory_space<hbm>>
    tpu.enqueue_dma source(%dma_start3A_51 : memref<128x768xf32, #tpu.memory_space<hbm>>) target(%dma_start3A_47 : memref<128x768xf32, #tpu.memory_space<hbm>>) target_semaphore(%arg5 : memref<!tpu.dma_semaphore, #tpu.memory_space<semaphore_mem>>)
    %get3A_52 = arith.constant 4 : i32
    %get3A_53 = arith.index_cast %add3A_1 : i32 to index
    %get3A_54 = arith.index_cast %get3A_52 : i32 to index
    %get3A_55 = memref.load %arg4[%get3A_53, %get3A_54] : memref<8x16xi32, #tpu.memory_space<smem>>
    %dma_start3A_56 = arith.constant 4 : i32
    %dma_start3A_57 = arith.constant 0 : i32
    %dma_start3A_58 = arith.constant 0 : i32
    %dma_start3A_59 = tpu.memref_slice %arg3[%add3A_1, %dma_start3A_56, %dma_start3A_57, %dma_start3A_58] : memref<8x16x128x768xf32, #tpu.memory_space<hbm>> -> memref<1x1x128x768xf32, #tpu.memory_space<hbm>>
    %dma_start3A_60 = tpu.memref_squeeze %dma_start3A_59 : memref<1x1x128x768xf32, #tpu.memory_space<hbm>> -> memref<128x768xf32, #tpu.memory_space<hbm>>
    %dma_start3A_61 = arith.constant 0 : i32
    %dma_start3A_62 = arith.constant 0 : i32
    %dma_start3A_63 = tpu.memref_slice %arg1[%add3A_1, %get3A_55, %dma_start3A_61, %dma_start3A_62] : memref<8x64x128x768xf32, #tpu.memory_space<hbm>> -> memref<1x1x128x768xf32, #tpu.memory_space<hbm>>
    %dma_start3A_64 = tpu.memref_squeeze %dma_start3A_63 : memref<1x1x128x768xf32, #tpu.memory_space<hbm>> -> memref<128x768xf32, #tpu.memory_space<hbm>>
    tpu.enqueue_dma source(%dma_start3A_64 : memref<128x768xf32, #tpu.memory_space<hbm>>) target(%dma_start3A_60 : memref<128x768xf32, #tpu.memory_space<hbm>>) target_semaphore(%arg5 : memref<!tpu.dma_semaphore, #tpu.memory_space<semaphore_mem>>)
    %get3A_65 = arith.constant 5 : i32
    %get3A_66 = arith.index_cast %add3A_1 : i32 to index
    %get3A_67 = arith.index_cast %get3A_65 : i32 to index
    %get3A_68 = memref.load %arg4[%get3A_66, %get3A_67] : memref<8x16xi32, #tpu.memory_space<smem>>
    %dma_start3A_69 = arith.constant 5 : i32
    %dma_start3A_70 = arith.constant 0 : i32
    %dma_start3A_71 = arith.constant 0 : i32
    %dma_start3A_72 = tpu.memref_slice %arg3[%add3A_1, %dma_start3A_69, %dma_start3A_70, %dma_start3A_71] : memref<8x16x128x768xf32, #tpu.memory_space<hbm>> -> memref<1x1x128x768xf32, #tpu.memory_space<hbm>>
    %dma_start3A_73 = tpu.memref_squeeze %dma_start3A_72 : memref<1x1x128x768xf32, #tpu.memory_space<hbm>> -> memref<128x768xf32, #tpu.memory_space<hbm>>
    %dma_start3A_74 = arith.constant 0 : i32
    %dma_start3A_75 = arith.constant 0 : i32
    %dma_start3A_76 = tpu.memref_slice %arg1[%add3A_1, %get3A_68, %dma_start3A_74, %dma_start3A_75] : memref<8x64x128x768xf32, #tpu.memory_space<hbm>> -> memref<1x1x128x768xf32, #tpu.memory_space<hbm>>
    %dma_start3A_77 = tpu.memref_squeeze %dma_start3A_76 : memref<1x1x128x768xf32, #tpu.memory_space<hbm>> -> memref<128x768xf32, #tpu.memory_space<hbm>>
    tpu.enqueue_dma source(%dma_start3A_77 : memref<128x768xf32, #tpu.memory_space<hbm>>) target(%dma_start3A_73 : memref<128x768xf32, #tpu.memory_space<hbm>>) target_semaphore(%arg5 : memref<!tpu.dma_semaphore, #tpu.memory_space<semaphore_mem>>)
    %get3A_78 = arith.constant 6 : i32
    %get3A_79 = arith.index_cast %add3A_1 : i32 to index
    %get3A_80 = arith.index_cast %get3A_78 : i32 to index
    %get3A_81 = memref.load %arg4[%get3A_79, %get3A_80] : memref<8x16xi32, #tpu.memory_space<smem>>
    %dma_start3A_82 = arith.constant 6 : i32
    %dma_start3A_83 = arith.constant 0 : i32
    %dma_start3A_84 = arith.constant 0 : i32
    %dma_start3A_85 = tpu.memref_slice %arg3[%add3A_1, %dma_start3A_82, %dma_start3A_83, %dma_start3A_84] : memref<8x16x128x768xf32, #tpu.memory_space<hbm>> -> memref<1x1x128x768xf32, #tpu.memory_space<hbm>>
    %dma_start3A_86 = tpu.memref_squeeze %dma_start3A_85 : memref<1x1x128x768xf32, #tpu.memory_space<hbm>> -> memref<128x768xf32, #tpu.memory_space<hbm>>
    %dma_start3A_87 = arith.constant 0 : i32
    %dma_start3A_88 = arith.constant 0 : i32
    %dma_start3A_89 = tpu.memref_slice %arg1[%add3A_1, %get3A_81, %dma_start3A_87, %dma_start3A_88] : memref<8x64x128x768xf32, #tpu.memory_space<hbm>> -> memref<1x1x128x768xf32, #tpu.memory_space<hbm>>
    %dma_start3A_90 = tpu.memref_squeeze %dma_start3A_89 : memref<1x1x128x768xf32, #tpu.memory_space<hbm>> -> memref<128x768xf32, #tpu.memory_space<hbm>>
    tpu.enqueue_dma source(%dma_start3A_90 : memref<128x768xf32, #tpu.memory_space<hbm>>) target(%dma_start3A_86 : memref<128x768xf32, #tpu.memory_space<hbm>>) target_semaphore(%arg5 : memref<!tpu.dma_semaphore, #tpu.memory_space<semaphore_mem>>)
    %get3A_91 = arith.constant 7 : i32
    %get3A_92 = arith.index_cast %add3A_1 : i32 to index
    %get3A_93 = arith.index_cast %get3A_91 : i32 to index
    %get3A_94 = memref.load %arg4[%get3A_92, %get3A_93] : memref<8x16xi32, #tpu.memory_space<smem>>
    %dma_start3A_95 = arith.constant 7 : i32
    %dma_start3A_96 = arith.constant 0 : i32
    %dma_start3A_97 = arith.constant 0 : i32
    %dma_start3A_98 = tpu.memref_slice %arg3[%add3A_1, %dma_start3A_95, %dma_start3A_96, %dma_start3A_97] : memref<8x16x128x768xf32, #tpu.memory_space<hbm>> -> memref<1x1x128x768xf32, #tpu.memory_space<hbm>>
    %dma_start3A_99 = tpu.memref_squeeze %dma_start3A_98 : memref<1x1x128x768xf32, #tpu.memory_space<hbm>> -> memref<128x768xf32, #tpu.memory_space<hbm>>
    %dma_start3A_100 = arith.constant 0 : i32
    %dma_start3A_101 = arith.constant 0 : i32
    %dma_start3A_102 = tpu.memref_slice %arg1[%add3A_1, %get3A_94, %dma_start3A_100, %dma_start3A_101] : memref<8x64x128x768xf32, #tpu.memory_space<hbm>> -> memref<1x1x128x768xf32, #tpu.memory_space<hbm>>
    %dma_start3A_103 = tpu.memref_squeeze %dma_start3A_102 : memref<1x1x128x768xf32, #tpu.memory_space<hbm>> -> memref<128x768xf32, #tpu.memory_space<hbm>>
    tpu.enqueue_dma source(%dma_start3A_103 : memref<128x768xf32, #tpu.memory_space<hbm>>) target(%dma_start3A_99 : memref<128x768xf32, #tpu.memory_space<hbm>>) target_semaphore(%arg5 : memref<!tpu.dma_semaphore, #tpu.memory_space<semaphore_mem>>)
    %get3A_104 = arith.constant 8 : i32
    %get3A_105 = arith.index_cast %add3A_1 : i32 to index
    %get3A_106 = arith.index_cast %get3A_104 : i32 to index
    %get3A_107 = memref.load %arg4[%get3A_105, %get3A_106] : memref<8x16xi32, #tpu.memory_space<smem>>
    %dma_start3A_108 = arith.constant 8 : i32
    %dma_start3A_109 = arith.constant 0 : i32
    %dma_start3A_110 = arith.constant 0 : i32
    %dma_start3A_111 = tpu.memref_slice %arg3[%add3A_1, %dma_start3A_108, %dma_start3A_109, %dma_start3A_110] : memref<8x16x128x768xf32, #tpu.memory_space<hbm>> -> memref<1x1x128x768xf32, #tpu.memory_space<hbm>>
    %dma_start3A_112 = tpu.memref_squeeze %dma_start3A_111 : memref<1x1x128x768xf32, #tpu.memory_space<hbm>> -> memref<128x768xf32, #tpu.memory_space<hbm>>
    %dma_start3A_113 = arith.constant 0 : i32
    %dma_start3A_114 = arith.constant 0 : i32
    %dma_start3A_115 = tpu.memref_slice %arg1[%add3A_1, %get3A_107, %dma_start3A_113, %dma_start3A_114] : memref<8x64x128x768xf32, #tpu.memory_space<hbm>> -> memref<1x1x128x768xf32, #tpu.memory_space<hbm>>
    %dma_start3A_116 = tpu.memref_squeeze %dma_start3A_115 : memref<1x1x128x768xf32, #tpu.memory_space<hbm>> -> memref<128x768xf32, #tpu.memory_space<hbm>>
    tpu.enqueue_dma source(%dma_start3A_116 : memref<128x768xf32, #tpu.memory_space<hbm>>) target(%dma_start3A_112 : memref<128x768xf32, #tpu.memory_space<hbm>>) target_semaphore(%arg5 : memref<!tpu.dma_semaphore, #tpu.memory_space<semaphore_mem>>)
    %get3A_117 = arith.constant 9 : i32
    %get3A_118 = arith.index_cast %add3A_1 : i32 to index
    %get3A_119 = arith.index_cast %get3A_117 : i32 to index
    %get3A_120 = memref.load %arg4[%get3A_118, %get3A_119] : memref<8x16xi32, #tpu.memory_space<smem>>
    %dma_start3A_121 = arith.constant 9 : i32
    %dma_start3A_122 = arith.constant 0 : i32
    %dma_start3A_123 = arith.constant 0 : i32
    %dma_start3A_124 = tpu.memref_slice %arg3[%add3A_1, %dma_start3A_121, %dma_start3A_122, %dma_start3A_123] : memref<8x16x128x768xf32, #tpu.memory_space<hbm>> -> memref<1x1x128x768xf32, #tpu.memory_space<hbm>>
    %dma_start3A_125 = tpu.memref_squeeze %dma_start3A_124 : memref<1x1x128x768xf32, #tpu.memory_space<hbm>> -> memref<128x768xf32, #tpu.memory_space<hbm>>
    %dma_start3A_126 = arith.constant 0 : i32
    %dma_start3A_127 = arith.constant 0 : i32
    %dma_start3A_128 = tpu.memref_slice %arg1[%add3A_1, %get3A_120, %dma_start3A_126, %dma_start3A_127] : memref<8x64x128x768xf32, #tpu.memory_space<hbm>> -> memref<1x1x128x768xf32, #tpu.memory_space<hbm>>
    %dma_start3A_129 = tpu.memref_squeeze %dma_start3A_128 : memref<1x1x128x768xf32, #tpu.memory_space<hbm>> -> memref<128x768xf32, #tpu.memory_space<hbm>>
    tpu.enqueue_dma source(%dma_start3A_129 : memref<128x768xf32, #tpu.memory_space<hbm>>) target(%dma_start3A_125 : memref<128x768xf32, #tpu.memory_space<hbm>>) target_semaphore(%arg5 : memref<!tpu.dma_semaphore, #tpu.memory_space<semaphore_mem>>)
    %get3A_130 = arith.constant 10 : i32
    %get3A_131 = arith.index_cast %add3A_1 : i32 to index
    %get3A_132 = arith.index_cast %get3A_130 : i32 to index
    %get3A_133 = memref.load %arg4[%get3A_131, %get3A_132] : memref<8x16xi32, #tpu.memory_space<smem>>
    %dma_start3A_134 = arith.constant 10 : i32
    %dma_start3A_135 = arith.constant 0 : i32
    %dma_start3A_136 = arith.constant 0 : i32
    %dma_start3A_137 = tpu.memref_slice %arg3[%add3A_1, %dma_start3A_134, %dma_start3A_135, %dma_start3A_136] : memref<8x16x128x768xf32, #tpu.memory_space<hbm>> -> memref<1x1x128x768xf32, #tpu.memory_space<hbm>>
    %dma_start3A_138 = tpu.memref_squeeze %dma_start3A_137 : memref<1x1x128x768xf32, #tpu.memory_space<hbm>> -> memref<128x768xf32, #tpu.memory_space<hbm>>
    %dma_start3A_139 = arith.constant 0 : i32
    %dma_start3A_140 = arith.constant 0 : i32
    %dma_start3A_141 = tpu.memref_slice %arg1[%add3A_1, %get3A_133, %dma_start3A_139, %dma_start3A_140] : memref<8x64x128x768xf32, #tpu.memory_space<hbm>> -> memref<1x1x128x768xf32, #tpu.memory_space<hbm>>
    %dma_start3A_142 = tpu.memref_squeeze %dma_start3A_141 : memref<1x1x128x768xf32, #tpu.memory_space<hbm>> -> memref<128x768xf32, #tpu.memory_space<hbm>>
    tpu.enqueue_dma source(%dma_start3A_142 : memref<128x768xf32, #tpu.memory_space<hbm>>) target(%dma_start3A_138 : memref<128x768xf32, #tpu.memory_space<hbm>>) target_semaphore(%arg5 : memref<!tpu.dma_semaphore, #tpu.memory_space<semaphore_mem>>)
    %get3A_143 = arith.constant 11 : i32
    %get3A_144 = arith.index_cast %add3A_1 : i32 to index
    %get3A_145 = arith.index_cast %get3A_143 : i32 to index
    %get3A_146 = memref.load %arg4[%get3A_144, %get3A_145] : memref<8x16xi32, #tpu.memory_space<smem>>
    %dma_start3A_147 = arith.constant 11 : i32
    %dma_start3A_148 = arith.constant 0 : i32
    %dma_start3A_149 = arith.constant 0 : i32
    %dma_start3A_150 = tpu.memref_slice %arg3[%add3A_1, %dma_start3A_147, %dma_start3A_148, %dma_start3A_149] : memref<8x16x128x768xf32, #tpu.memory_space<hbm>> -> memref<1x1x128x768xf32, #tpu.memory_space<hbm>>
    %dma_start3A_151 = tpu.memref_squeeze %dma_start3A_150 : memref<1x1x128x768xf32, #tpu.memory_space<hbm>> -> memref<128x768xf32, #tpu.memory_space<hbm>>
    %dma_start3A_152 = arith.constant 0 : i32
    %dma_start3A_153 = arith.constant 0 : i32
    %dma_start3A_154 = tpu.memref_slice %arg1[%add3A_1, %get3A_146, %dma_start3A_152, %dma_start3A_153] : memref<8x64x128x768xf32, #tpu.memory_space<hbm>> -> memref<1x1x128x768xf32, #tpu.memory_space<hbm>>
    %dma_start3A_155 = tpu.memref_squeeze %dma_start3A_154 : memref<1x1x128x768xf32, #tpu.memory_space<hbm>> -> memref<128x768xf32, #tpu.memory_space<hbm>>
    tpu.enqueue_dma source(%dma_start3A_155 : memref<128x768xf32, #tpu.memory_space<hbm>>) target(%dma_start3A_151 : memref<128x768xf32, #tpu.memory_space<hbm>>) target_semaphore(%arg5 : memref<!tpu.dma_semaphore, #tpu.memory_space<semaphore_mem>>)
    %get3A_156 = arith.constant 12 : i32
    %get3A_157 = arith.index_cast %add3A_1 : i32 to index
    %get3A_158 = arith.index_cast %get3A_156 : i32 to index
    %get3A_159 = memref.load %arg4[%get3A_157, %get3A_158] : memref<8x16xi32, #tpu.memory_space<smem>>
    %dma_start3A_160 = arith.constant 12 : i32
    %dma_start3A_161 = arith.constant 0 : i32
    %dma_start3A_162 = arith.constant 0 : i32
    %dma_start3A_163 = tpu.memref_slice %arg3[%add3A_1, %dma_start3A_160, %dma_start3A_161, %dma_start3A_162] : memref<8x16x128x768xf32, #tpu.memory_space<hbm>> -> memref<1x1x128x768xf32, #tpu.memory_space<hbm>>
    %dma_start3A_164 = tpu.memref_squeeze %dma_start3A_163 : memref<1x1x128x768xf32, #tpu.memory_space<hbm>> -> memref<128x768xf32, #tpu.memory_space<hbm>>
    %dma_start3A_165 = arith.constant 0 : i32
    %dma_start3A_166 = arith.constant 0 : i32
    %dma_start3A_167 = tpu.memref_slice %arg1[%add3A_1, %get3A_159, %dma_start3A_165, %dma_start3A_166] : memref<8x64x128x768xf32, #tpu.memory_space<hbm>> -> memref<1x1x128x768xf32, #tpu.memory_space<hbm>>
    %dma_start3A_168 = tpu.memref_squeeze %dma_start3A_167 : memref<1x1x128x768xf32, #tpu.memory_space<hbm>> -> memref<128x768xf32, #tpu.memory_space<hbm>>
    tpu.enqueue_dma source(%dma_start3A_168 : memref<128x768xf32, #tpu.memory_space<hbm>>) target(%dma_start3A_164 : memref<128x768xf32, #tpu.memory_space<hbm>>) target_semaphore(%arg5 : memref<!tpu.dma_semaphore, #tpu.memory_space<semaphore_mem>>)
    %get3A_169 = arith.constant 13 : i32
    %get3A_170 = arith.index_cast %add3A_1 : i32 to index
    %get3A_171 = arith.index_cast %get3A_169 : i32 to index
    %get3A_172 = memref.load %arg4[%get3A_170, %get3A_171] : memref<8x16xi32, #tpu.memory_space<smem>>
    %dma_start3A_173 = arith.constant 13 : i32
    %dma_start3A_174 = arith.constant 0 : i32
    %dma_start3A_175 = arith.constant 0 : i32
    %dma_start3A_176 = tpu.memref_slice %arg3[%add3A_1, %dma_start3A_173, %dma_start3A_174, %dma_start3A_175] : memref<8x16x128x768xf32, #tpu.memory_space<hbm>> -> memref<1x1x128x768xf32, #tpu.memory_space<hbm>>
    %dma_start3A_177 = tpu.memref_squeeze %dma_start3A_176 : memref<1x1x128x768xf32, #tpu.memory_space<hbm>> -> memref<128x768xf32, #tpu.memory_space<hbm>>
    %dma_start3A_178 = arith.constant 0 : i32
    %dma_start3A_179 = arith.constant 0 : i32
    %dma_start3A_180 = tpu.memref_slice %arg1[%add3A_1, %get3A_172, %dma_start3A_178, %dma_start3A_179] : memref<8x64x128x768xf32, #tpu.memory_space<hbm>> -> memref<1x1x128x768xf32, #tpu.memory_space<hbm>>
    %dma_start3A_181 = tpu.memref_squeeze %dma_start3A_180 : memref<1x1x128x768xf32, #tpu.memory_space<hbm>> -> memref<128x768xf32, #tpu.memory_space<hbm>>
    tpu.enqueue_dma source(%dma_start3A_181 : memref<128x768xf32, #tpu.memory_space<hbm>>) target(%dma_start3A_177 : memref<128x768xf32, #tpu.memory_space<hbm>>) target_semaphore(%arg5 : memref<!tpu.dma_semaphore, #tpu.memory_space<semaphore_mem>>)
    %get3A_182 = arith.constant 14 : i32
    %get3A_183 = arith.index_cast %add3A_1 : i32 to index
    %get3A_184 = arith.index_cast %get3A_182 : i32 to index
    %get3A_185 = memref.load %arg4[%get3A_183, %get3A_184] : memref<8x16xi32, #tpu.memory_space<smem>>
    %dma_start3A_186 = arith.constant 14 : i32
    %dma_start3A_187 = arith.constant 0 : i32
    %dma_start3A_188 = arith.constant 0 : i32
    %dma_start3A_189 = tpu.memref_slice %arg3[%add3A_1, %dma_start3A_186, %dma_start3A_187, %dma_start3A_188] : memref<8x16x128x768xf32, #tpu.memory_space<hbm>> -> memref<1x1x128x768xf32, #tpu.memory_space<hbm>>
    %dma_start3A_190 = tpu.memref_squeeze %dma_start3A_189 : memref<1x1x128x768xf32, #tpu.memory_space<hbm>> -> memref<128x768xf32, #tpu.memory_space<hbm>>
    %dma_start3A_191 = arith.constant 0 : i32
    %dma_start3A_192 = arith.constant 0 : i32
    %dma_start3A_193 = tpu.memref_slice %arg1[%add3A_1, %get3A_185, %dma_start3A_191, %dma_start3A_192] : memref<8x64x128x768xf32, #tpu.memory_space<hbm>> -> memref<1x1x128x768xf32, #tpu.memory_space<hbm>>
    %dma_start3A_194 = tpu.memref_squeeze %dma_start3A_193 : memref<1x1x128x768xf32, #tpu.memory_space<hbm>> -> memref<128x768xf32, #tpu.memory_space<hbm>>
    tpu.enqueue_dma source(%dma_start3A_194 : memref<128x768xf32, #tpu.memory_space<hbm>>) target(%dma_start3A_190 : memref<128x768xf32, #tpu.memory_space<hbm>>) target_semaphore(%arg5 : memref<!tpu.dma_semaphore, #tpu.memory_space<semaphore_mem>>)
    %get3A_195 = arith.constant 15 : i32
    %get3A_196 = arith.index_cast %add3A_1 : i32 to index
    %get3A_197 = arith.index_cast %get3A_195 : i32 to index
    %get3A_198 = memref.load %arg4[%get3A_196, %get3A_197] : memref<8x16xi32, #tpu.memory_space<smem>>
    %dma_start3A_199 = arith.constant 15 : i32
    %dma_start3A_200 = arith.constant 0 : i32
    %dma_start3A_201 = arith.constant 0 : i32
    %dma_start3A_202 = tpu.memref_slice %arg3[%add3A_1, %dma_start3A_199, %dma_start3A_200, %dma_start3A_201] : memref<8x16x128x768xf32, #tpu.memory_space<hbm>> -> memref<1x1x128x768xf32, #tpu.memory_space<hbm>>
    %dma_start3A_203 = tpu.memref_squeeze %dma_start3A_202 : memref<1x1x128x768xf32, #tpu.memory_space<hbm>> -> memref<128x768xf32, #tpu.memory_space<hbm>>
    %dma_start3A_204 = arith.constant 0 : i32
    %dma_start3A_205 = arith.constant 0 : i32
    %dma_start3A_206 = tpu.memref_slice %arg1[%add3A_1, %get3A_198, %dma_start3A_204, %dma_start3A_205] : memref<8x64x128x768xf32, #tpu.memory_space<hbm>> -> memref<1x1x128x768xf32, #tpu.memory_space<hbm>>
    %dma_start3A_207 = tpu.memref_squeeze %dma_start3A_206 : memref<1x1x128x768xf32, #tpu.memory_space<hbm>> -> memref<128x768xf32, #tpu.memory_space<hbm>>
    tpu.enqueue_dma source(%dma_start3A_207 : memref<128x768xf32, #tpu.memory_space<hbm>>) target(%dma_start3A_203 : memref<128x768xf32, #tpu.memory_space<hbm>>) target_semaphore(%arg5 : memref<!tpu.dma_semaphore, #tpu.memory_space<semaphore_mem>>)
    %mul3A_208 = arith.constant 4 : i32
    %mul3A_209 = arith.muli %arg0, %mul3A_208 : i32
    %add3A_210 = arith.constant 1 : i32
    %add3A_211 = arith.addi %mul3A_209, %add3A_210 : i32
    %get3A_212 = arith.constant 0 : i32
    %get3A_213 = arith.index_cast %add3A_211 : i32 to index
    %get3A_214 = arith.index_cast %get3A_212 : i32 to index
    %get3A_215 = memref.load %arg4[%get3A_213, %get3A_214] : memref<8x16xi32, #tpu.memory_space<smem>>
    %dma_start3A_216 = arith.constant 0 : i32
    %dma_start3A_217 = arith.constant 0 : i32
    %dma_start3A_218 = arith.constant 0 : i32
    %dma_start3A_219 = tpu.memref_slice %arg3[%add3A_211, %dma_start3A_216, %dma_start3A_217, %dma_start3A_218] : memref<8x16x128x768xf32, #tpu.memory_space<hbm>> -> memref<1x1x128x768xf32, #tpu.memory_space<hbm>>
    %dma_start3A_220 = tpu.memref_squeeze %dma_start3A_219 : memref<1x1x128x768xf32, #tpu.memory_space<hbm>> -> memref<128x768xf32, #tpu.memory_space<hbm>>
    %dma_start3A_221 = arith.constant 0 : i32
    %dma_start3A_222 = arith.constant 0 : i32
    %dma_start3A_223 = tpu.memref_slice %arg1[%add3A_211, %get3A_215, %dma_start3A_221, %dma_start3A_222] : memref<8x64x128x768xf32, #tpu.memory_space<hbm>> -> memref<1x1x128x768xf32, #tpu.memory_space<hbm>>
    %dma_start3A_224 = tpu.memref_squeeze %dma_start3A_223 : memref<1x1x128x768xf32, #tpu.memory_space<hbm>> -> memref<128x768xf32, #tpu.memory_space<hbm>>
    tpu.enqueue_dma source(%dma_start3A_224 : memref<128x768xf32, #tpu.memory_space<hbm>>) target(%dma_start3A_220 : memref<128x768xf32, #tpu.memory_space<hbm>>) target_semaphore(%arg5 : memref<!tpu.dma_semaphore, #tpu.memory_space<semaphore_mem>>)
    %get3A_225 = arith.constant 1 : i32
    %get3A_226 = arith.index_cast %add3A_211 : i32 to index
    %get3A_227 = arith.index_cast %get3A_225 : i32 to index
    %get3A_228 = memref.load %arg4[%get3A_226, %get3A_227] : memref<8x16xi32, #tpu.memory_space<smem>>
    %dma_start3A_229 = arith.constant 1 : i32
    %dma_start3A_230 = arith.constant 0 : i32
    %dma_start3A_231 = arith.constant 0 : i32
    %dma_start3A_232 = tpu.memref_slice %arg3[%add3A_211, %dma_start3A_229, %dma_start3A_230, %dma_start3A_231] : memref<8x16x128x768xf32, #tpu.memory_space<hbm>> -> memref<1x1x128x768xf32, #tpu.memory_space<hbm>>
    %dma_start3A_233 = tpu.memref_squeeze %dma_start3A_232 : memref<1x1x128x768xf32, #tpu.memory_space<hbm>> -> memref<128x768xf32, #tpu.memory_space<hbm>>
    %dma_start3A_234 = arith.constant 0 : i32
    %dma_start3A_235 = arith.constant 0 : i32
    %dma_start3A_236 = tpu.memref_slice %arg1[%add3A_211, %get3A_228, %dma_start3A_234, %dma_start3A_235] : memref<8x64x128x768xf32, #tpu.memory_space<hbm>> -> memref<1x1x128x768xf32, #tpu.memory_space<hbm>>
    %dma_start3A_237 = tpu.memref_squeeze %dma_start3A_236 : memref<1x1x128x768xf32, #tpu.memory_space<hbm>> -> memref<128x768xf32, #tpu.memory_space<hbm>>
    tpu.enqueue_dma source(%dma_start3A_237 : memref<128x768xf32, #tpu.memory_space<hbm>>) target(%dma_start3A_233 : memref<128x768xf32, #tpu.memory_space<hbm>>) target_semaphore(%arg5 : memref<!tpu.dma_semaphore, #tpu.memory_space<semaphore_mem>>)
    %get3A_238 = arith.constant 2 : i32
    %get3A_239 = arith.index_cast %add3A_211 : i32 to index
    %get3A_240 = arith.index_cast %get3A_238 : i32 to index
    %get3A_241 = memref.load %arg4[%get3A_239, %get3A_240] : memref<8x16xi32, #tpu.memory_space<smem>>
    %dma_start3A_242 = arith.constant 2 : i32
    %dma_start3A_243 = arith.constant 0 : i32
    %dma_start3A_244 = arith.constant 0 : i32
    %dma_start3A_245 = tpu.memref_slice %arg3[%add3A_211, %dma_start3A_242, %dma_start3A_243, %dma_start3A_244] : memref<8x16x128x768xf32, #tpu.memory_space<hbm>> -> memref<1x1x128x768xf32, #tpu.memory_space<hbm>>
    %dma_start3A_246 = tpu.memref_squeeze %dma_start3A_245 : memref<1x1x128x768xf32, #tpu.memory_space<hbm>> -> memref<128x768xf32, #tpu.memory_space<hbm>>
    %dma_start3A_247 = arith.constant 0 : i32
    %dma_start3A_248 = arith.constant 0 : i32
    %dma_start3A_249 = tpu.memref_slice %arg1[%add3A_211, %get3A_241, %dma_start3A_247, %dma_start3A_248] : memref<8x64x128x768xf32, #tpu.memory_space<hbm>> -> memref<1x1x128x768xf32, #tpu.memory_space<hbm>>
    %dma_start3A_250 = tpu.memref_squeeze %dma_start3A_249 : memref<1x1x128x768xf32, #tpu.memory_space<hbm>> -> memref<128x768xf32, #tpu.memory_space<hbm>>
    tpu.enqueue_dma source(%dma_start3A_250 : memref<128x768xf32, #tpu.memory_space<hbm>>) target(%dma_start3A_246 : memref<128x768xf32, #tpu.memory_space<hbm>>) target_semaphore(%arg5 : memref<!tpu.dma_semaphore, #tpu.memory_space<semaphore_mem>>)
    %get3A_251 = arith.constant 3 : i32
    %get3A_252 = arith.index_cast %add3A_211 : i32 to index
    %get3A_253 = arith.index_cast %get3A_251 : i32 to index
    %get3A_254 = memref.load %arg4[%get3A_252, %get3A_253] : memref<8x16xi32, #tpu.memory_space<smem>>
    %dma_start3A_255 = arith.constant 3 : i32
    %dma_start3A_256 = arith.constant 0 : i32
    %dma_start3A_257 = arith.constant 0 : i32
    %dma_start3A_258 = tpu.memref_slice %arg3[%add3A_211, %dma_start3A_255, %dma_start3A_256, %dma_start3A_257] : memref<8x16x128x768xf32, #tpu.memory_space<hbm>> -> memref<1x1x128x768xf32, #tpu.memory_space<hbm>>
    %dma_start3A_259 = tpu.memref_squeeze %dma_start3A_258 : memref<1x1x128x768xf32, #tpu.memory_space<hbm>> -> memref<128x768xf32, #tpu.memory_space<hbm>>
    %dma_start3A_260 = arith.constant 0 : i32
    %dma_start3A_261 = arith.constant 0 : i32
    %dma_start3A_262 = tpu.memref_slice %arg1[%add3A_211, %get3A_254, %dma_start3A_260, %dma_start3A_261] : memref<8x64x128x768xf32, #tpu.memory_space<hbm>> -> memref<1x1x128x768xf32, #tpu.memory_space<hbm>>
    %dma_start3A_263 = tpu.memref_squeeze %dma_start3A_262 : memref<1x1x128x768xf32, #tpu.memory_space<hbm>> -> memref<128x768xf32, #tpu.memory_space<hbm>>
    tpu.enqueue_dma source(%dma_start3A_263 : memref<128x768xf32, #tpu.memory_space<hbm>>) target(%dma_start3A_259 : memref<128x768xf32, #tpu.memory_space<hbm>>) target_semaphore(%arg5 : memref<!tpu.dma_semaphore, #tpu.memory_space<semaphore_mem>>)
    %get3A_264 = arith.constant 4 : i32
    %get3A_265 = arith.index_cast %add3A_211 : i32 to index
    %get3A_266 = arith.index_cast %get3A_264 : i32 to index
    %get3A_267 = memref.load %arg4[%get3A_265, %get3A_266] : memref<8x16xi32, #tpu.memory_space<smem>>
    %dma_start3A_268 = arith.constant 4 : i32
    %dma_start3A_269 = arith.constant 0 : i32
    %dma_start3A_270 = arith.constant 0 : i32
    %dma_start3A_271 = tpu.memref_slice %arg3[%add3A_211, %dma_start3A_268, %dma_start3A_269, %dma_start3A_270] : memref<8x16x128x768xf32, #tpu.memory_space<hbm>> -> memref<1x1x128x768xf32, #tpu.memory_space<hbm>>
    %dma_start3A_272 = tpu.memref_squeeze %dma_start3A_271 : memref<1x1x128x768xf32, #tpu.memory_space<hbm>> -> memref<128x768xf32, #tpu.memory_space<hbm>>
    %dma_start3A_273 = arith.constant 0 : i32
    %dma_start3A_274 = arith.constant 0 : i32
    %dma_start3A_275 = tpu.memref_slice %arg1[%add3A_211, %get3A_267, %dma_start3A_273, %dma_start3A_274] : memref<8x64x128x768xf32, #tpu.memory_space<hbm>> -> memref<1x1x128x768xf32, #tpu.memory_space<hbm>>
    %dma_start3A_276 = tpu.memref_squeeze %dma_start3A_275 : memref<1x1x128x768xf32, #tpu.memory_space<hbm>> -> memref<128x768xf32, #tpu.memory_space<hbm>>
    tpu.enqueue_dma source(%dma_start3A_276 : memref<128x768xf32, #tpu.memory_space<hbm>>) target(%dma_start3A_272 : memref<128x768xf32, #tpu.memory_space<hbm>>) target_semaphore(%arg5 : memref<!tpu.dma_semaphore, #tpu.memory_space<semaphore_mem>>)
    %get3A_277 = arith.constant 5 : i32
    %get3A_278 = arith.index_cast %add3A_211 : i32 to index
    %get3A_279 = arith.index_cast %get3A_277 : i32 to index
    %get3A_280 = memref.load %arg4[%get3A_278, %get3A_279] : memref<8x16xi32, #tpu.memory_space<smem>>
    %dma_start3A_281 = arith.constant 5 : i32
    %dma_start3A_282 = arith.constant 0 : i32
    %dma_start3A_283 = arith.constant 0 : i32
    %dma_start3A_284 = tpu.memref_slice %arg3[%add3A_211, %dma_start3A_281, %dma_start3A_282, %dma_start3A_283] : memref<8x16x128x768xf32, #tpu.memory_space<hbm>> -> memref<1x1x128x768xf32, #tpu.memory_space<hbm>>
    %dma_start3A_285 = tpu.memref_squeeze %dma_start3A_284 : memref<1x1x128x768xf32, #tpu.memory_space<hbm>> -> memref<128x768xf32, #tpu.memory_space<hbm>>
    %dma_start3A_286 = arith.constant 0 : i32
    %dma_start3A_287 = arith.constant 0 : i32
    %dma_start3A_288 = tpu.memref_slice %arg1[%add3A_211, %get3A_280, %dma_start3A_286, %dma_start3A_287] : memref<8x64x128x768xf32, #tpu.memory_space<hbm>> -> memref<1x1x128x768xf32, #tpu.memory_space<hbm>>
    %dma_start3A_289 = tpu.memref_squeeze %dma_start3A_288 : memref<1x1x128x768xf32, #tpu.memory_space<hbm>> -> memref<128x768xf32, #tpu.memory_space<hbm>>
    tpu.enqueue_dma source(%dma_start3A_289 : memref<128x768xf32, #tpu.memory_space<hbm>>) target(%dma_start3A_285 : memref<128x768xf32, #tpu.memory_space<hbm>>) target_semaphore(%arg5 : memref<!tpu.dma_semaphore, #tpu.memory_space<semaphore_mem>>)
    %get3A_290 = arith.constant 6 : i32
    %get3A_291 = arith.index_cast %add3A_211 : i32 to index
    %get3A_292 = arith.index_cast %get3A_290 : i32 to index
    %get3A_293 = memref.load %arg4[%get3A_291, %get3A_292] : memref<8x16xi32, #tpu.memory_space<smem>>
    %dma_start3A_294 = arith.constant 6 : i32
    %dma_start3A_295 = arith.constant 0 : i32
    %dma_start3A_296 = arith.constant 0 : i32
    %dma_start3A_297 = tpu.memref_slice %arg3[%add3A_211, %dma_start3A_294, %dma_start3A_295, %dma_start3A_296] : memref<8x16x128x768xf32, #tpu.memory_space<hbm>> -> memref<1x1x128x768xf32, #tpu.memory_space<hbm>>
    %dma_start3A_298 = tpu.memref_squeeze %dma_start3A_297 : memref<1x1x128x768xf32, #tpu.memory_space<hbm>> -> memref<128x768xf32, #tpu.memory_space<hbm>>
    %dma_start3A_299 = arith.constant 0 : i32
    %dma_start3A_300 = arith.constant 0 : i32
    %dma_start3A_301 = tpu.memref_slice %arg1[%add3A_211, %get3A_293, %dma_start3A_299, %dma_start3A_300] : memref<8x64x128x768xf32, #tpu.memory_space<hbm>> -> memref<1x1x128x768xf32, #tpu.memory_space<hbm>>
    %dma_start3A_302 = tpu.memref_squeeze %dma_start3A_301 : memref<1x1x128x768xf32, #tpu.memory_space<hbm>> -> memref<128x768xf32, #tpu.memory_space<hbm>>
    tpu.enqueue_dma source(%dma_start3A_302 : memref<128x768xf32, #tpu.memory_space<hbm>>) target(%dma_start3A_298 : memref<128x768xf32, #tpu.memory_space<hbm>>) target_semaphore(%arg5 : memref<!tpu.dma_semaphore, #tpu.memory_space<semaphore_mem>>)
    %get3A_303 = arith.constant 7 : i32
    %get3A_304 = arith.index_cast %add3A_211 : i32 to index
    %get3A_305 = arith.index_cast %get3A_303 : i32 to index
    %get3A_306 = memref.load %arg4[%get3A_304, %get3A_305] : memref<8x16xi32, #tpu.memory_space<smem>>
    %dma_start3A_307 = arith.constant 7 : i32
    %dma_start3A_308 = arith.constant 0 : i32
    %dma_start3A_309 = arith.constant 0 : i32
    %dma_start3A_310 = tpu.memref_slice %arg3[%add3A_211, %dma_start3A_307, %dma_start3A_308, %dma_start3A_309] : memref<8x16x128x768xf32, #tpu.memory_space<hbm>> -> memref<1x1x128x768xf32, #tpu.memory_space<hbm>>
    %dma_start3A_311 = tpu.memref_squeeze %dma_start3A_310 : memref<1x1x128x768xf32, #tpu.memory_space<hbm>> -> memref<128x768xf32, #tpu.memory_space<hbm>>
    %dma_start3A_312 = arith.constant 0 : i32
    %dma_start3A_313 = arith.constant 0 : i32
    %dma_start3A_314 = tpu.memref_slice %arg1[%add3A_211, %get3A_306, %dma_start3A_312, %dma_start3A_313] : memref<8x64x128x768xf32, #tpu.memory_space<hbm>> -> memref<1x1x128x768xf32, #tpu.memory_space<hbm>>
    %dma_start3A_315 = tpu.memref_squeeze %dma_start3A_314 : memref<1x1x128x768xf32, #tpu.memory_space<hbm>> -> memref<128x768xf32, #tpu.memory_space<hbm>>
    tpu.enqueue_dma source(%dma_start3A_315 : memref<128x768xf32, #tpu.memory_space<hbm>>) target(%dma_start3A_311 : memref<128x768xf32, #tpu.memory_space<hbm>>) target_semaphore(%arg5 : memref<!tpu.dma_semaphore, #tpu.memory_space<semaphore_mem>>)
    %get3A_316 = arith.constant 8 : i32
    %get3A_317 = arith.index_cast %add3A_211 : i32 to index
    %get3A_318 = arith.index_cast %get3A_316 : i32 to index
    %get3A_319 = memref.load %arg4[%get3A_317, %get3A_318] : memref<8x16xi32, #tpu.memory_space<smem>>
    %dma_start3A_320 = arith.constant 8 : i32
    %dma_start3A_321 = arith.constant 0 : i32
    %dma_start3A_322 = arith.constant 0 : i32
    %dma_start3A_323 = tpu.memref_slice %arg3[%add3A_211, %dma_start3A_320, %dma_start3A_321, %dma_start3A_322] : memref<8x16x128x768xf32, #tpu.memory_space<hbm>> -> memref<1x1x128x768xf32, #tpu.memory_space<hbm>>
    %dma_start3A_324 = tpu.memref_squeeze %dma_start3A_323 : memref<1x1x128x768xf32, #tpu.memory_space<hbm>> -> memref<128x768xf32, #tpu.memory_space<hbm>>
    %dma_start3A_325 = arith.constant 0 : i32
    %dma_start3A_326 = arith.constant 0 : i32
    %dma_start3A_327 = tpu.memref_slice %arg1[%add3A_211, %get3A_319, %dma_start3A_325, %dma_start3A_326] : memref<8x64x128x768xf32, #tpu.memory_space<hbm>> -> memref<1x1x128x768xf32, #tpu.memory_space<hbm>>
    %dma_start3A_328 = tpu.memref_squeeze %dma_start3A_327 : memref<1x1x128x768xf32, #tpu.memory_space<hbm>> -> memref<128x768xf32, #tpu.memory_space<hbm>>
    tpu.enqueue_dma source(%dma_start3A_328 : memref<128x768xf32, #tpu.memory_space<hbm>>) target(%dma_start3A_324 : memref<128x768xf32, #tpu.memory_space<hbm>>) target_semaphore(%arg5 : memref<!tpu.dma_semaphore, #tpu.memory_space<semaphore_mem>>)
    %get3A_329 = arith.constant 9 : i32
    %get3A_330 = arith.index_cast %add3A_211 : i32 to index
    %get3A_331 = arith.index_cast %get3A_329 : i32 to index
    %get3A_332 = memref.load %arg4[%get3A_330, %get3A_331] : memref<8x16xi32, #tpu.memory_space<smem>>
    %dma_start3A_333 = arith.constant 9 : i32
    %dma_start3A_334 = arith.constant 0 : i32
    %dma_start3A_335 = arith.constant 0 : i32
    %dma_start3A_336 = tpu.memref_slice %arg3[%add3A_211, %dma_start3A_333, %dma_start3A_334, %dma_start3A_335] : memref<8x16x128x768xf32, #tpu.memory_space<hbm>> -> memref<1x1x128x768xf32, #tpu.memory_space<hbm>>
    %dma_start3A_337 = tpu.memref_squeeze %dma_start3A_336 : memref<1x1x128x768xf32, #tpu.memory_space<hbm>> -> memref<128x768xf32, #tpu.memory_space<hbm>>
    %dma_start3A_338 = arith.constant 0 : i32
    %dma_start3A_339 = arith.constant 0 : i32
    %dma_start3A_340 = tpu.memref_slice %arg1[%add3A_211, %get3A_332, %dma_start3A_338, %dma_start3A_339] : memref<8x64x128x768xf32, #tpu.memory_space<hbm>> -> memref<1x1x128x768xf32, #tpu.memory_space<hbm>>
    %dma_start3A_341 = tpu.memref_squeeze %dma_start3A_340 : memref<1x1x128x768xf32, #tpu.memory_space<hbm>> -> memref<128x768xf32, #tpu.memory_space<hbm>>
    tpu.enqueue_dma source(%dma_start3A_341 : memref<128x768xf32, #tpu.memory_space<hbm>>) target(%dma_start3A_337 : memref<128x768xf32, #tpu.memory_space<hbm>>) target_semaphore(%arg5 : memref<!tpu.dma_semaphore, #tpu.memory_space<semaphore_mem>>)
    %get3A_342 = arith.constant 10 : i32
    %get3A_343 = arith.index_cast %add3A_211 : i32 to index
    %get3A_344 = arith.index_cast %get3A_342 : i32 to index
    %get3A_345 = memref.load %arg4[%get3A_343, %get3A_344] : memref<8x16xi32, #tpu.memory_space<smem>>
    %dma_start3A_346 = arith.constant 10 : i32
    %dma_start3A_347 = arith.constant 0 : i32
    %dma_start3A_348 = arith.constant 0 : i32
    %dma_start3A_349 = tpu.memref_slice %arg3[%add3A_211, %dma_start3A_346, %dma_start3A_347, %dma_start3A_348] : memref<8x16x128x768xf32, #tpu.memory_space<hbm>> -> memref<1x1x128x768xf32, #tpu.memory_space<hbm>>
    %dma_start3A_350 = tpu.memref_squeeze %dma_start3A_349 : memref<1x1x128x768xf32, #tpu.memory_space<hbm>> -> memref<128x768xf32, #tpu.memory_space<hbm>>
    %dma_start3A_351 = arith.constant 0 : i32
    %dma_start3A_352 = arith.constant 0 : i32
    %dma_start3A_353 = tpu.memref_slice %arg1[%add3A_211, %get3A_345, %dma_start3A_351, %dma_start3A_352] : memref<8x64x128x768xf32, #tpu.memory_space<hbm>> -> memref<1x1x128x768xf32, #tpu.memory_space<hbm>>
    %dma_start3A_354 = tpu.memref_squeeze %dma_start3A_353 : memref<1x1x128x768xf32, #tpu.memory_space<hbm>> -> memref<128x768xf32, #tpu.memory_space<hbm>>
    tpu.enqueue_dma source(%dma_start3A_354 : memref<128x768xf32, #tpu.memory_space<hbm>>) target(%dma_start3A_350 : memref<128x768xf32, #tpu.memory_space<hbm>>) target_semaphore(%arg5 : memref<!tpu.dma_semaphore, #tpu.memory_space<semaphore_mem>>)
    %get3A_355 = arith.constant 11 : i32
    %get3A_356 = arith.index_cast %add3A_211 : i32 to index
    %get3A_357 = arith.index_cast %get3A_355 : i32 to index
    %get3A_358 = memref.load %arg4[%get3A_356, %get3A_357] : memref<8x16xi32, #tpu.memory_space<smem>>
    %dma_start3A_359 = arith.constant 11 : i32
    %dma_start3A_360 = arith.constant 0 : i32
    %dma_start3A_361 = arith.constant 0 : i32
    %dma_start3A_362 = tpu.memref_slice %arg3[%add3A_211, %dma_start3A_359, %dma_start3A_360, %dma_start3A_361] : memref<8x16x128x768xf32, #tpu.memory_space<hbm>> -> memref<1x1x128x768xf32, #tpu.memory_space<hbm>>
    %dma_start3A_363 = tpu.memref_squeeze %dma_start3A_362 : memref<1x1x128x768xf32, #tpu.memory_space<hbm>> -> memref<128x768xf32, #tpu.memory_space<hbm>>
    %dma_start3A_364 = arith.constant 0 : i32
    %dma_start3A_365 = arith.constant 0 : i32
    %dma_start3A_366 = tpu.memref_slice %arg1[%add3A_211, %get3A_358, %dma_start3A_364, %dma_start3A_365] : memref<8x64x128x768xf32, #tpu.memory_space<hbm>> -> memref<1x1x128x768xf32, #tpu.memory_space<hbm>>
    %dma_start3A_367 = tpu.memref_squeeze %dma_start3A_366 : memref<1x1x128x768xf32, #tpu.memory_space<hbm>> -> memref<128x768xf32, #tpu.memory_space<hbm>>
    tpu.enqueue_dma source(%dma_start3A_367 : memref<128x768xf32, #tpu.memory_space<hbm>>) target(%dma_start3A_363 : memref<128x768xf32, #tpu.memory_space<hbm>>) target_semaphore(%arg5 : memref<!tpu.dma_semaphore, #tpu.memory_space<semaphore_mem>>)
    %get3A_368 = arith.constant 12 : i32
    %get3A_369 = arith.index_cast %add3A_211 : i32 to index
    %get3A_370 = arith.index_cast %get3A_368 : i32 to index
    %get3A_371 = memref.load %arg4[%get3A_369, %get3A_370] : memref<8x16xi32, #tpu.memory_space<smem>>
    %dma_start3A_372 = arith.constant 12 : i32
    %dma_start3A_373 = arith.constant 0 : i32
    %dma_start3A_374 = arith.constant 0 : i32
    %dma_start3A_375 = tpu.memref_slice %arg3[%add3A_211, %dma_start3A_372, %dma_start3A_373, %dma_start3A_374] : memref<8x16x128x768xf32, #tpu.memory_space<hbm>> -> memref<1x1x128x768xf32, #tpu.memory_space<hbm>>
    %dma_start3A_376 = tpu.memref_squeeze %dma_start3A_375 : memref<1x1x128x768xf32, #tpu.memory_space<hbm>> -> memref<128x768xf32, #tpu.memory_space<hbm>>
    %dma_start3A_377 = arith.constant 0 : i32
    %dma_start3A_378 = arith.constant 0 : i32
    %dma_start3A_379 = tpu.memref_slice %arg1[%add3A_211, %get3A_371, %dma_start3A_377, %dma_start3A_378] : memref<8x64x128x768xf32, #tpu.memory_space<hbm>> -> memref<1x1x128x768xf32, #tpu.memory_space<hbm>>
    %dma_start3A_380 = tpu.memref_squeeze %dma_start3A_379 : memref<1x1x128x768xf32, #tpu.memory_space<hbm>> -> memref<128x768xf32, #tpu.memory_space<hbm>>
    tpu.enqueue_dma source(%dma_start3A_380 : memref<128x768xf32, #tpu.memory_space<hbm>>) target(%dma_start3A_376 : memref<128x768xf32, #tpu.memory_space<hbm>>) target_semaphore(%arg5 : memref<!tpu.dma_semaphore, #tpu.memory_space<semaphore_mem>>)
    %get3A_381 = arith.constant 13 : i32
    %get3A_382 = arith.index_cast %add3A_211 : i32 to index
    %get3A_383 = arith.index_cast %get3A_381 : i32 to index
    %get3A_384 = memref.load %arg4[%get3A_382, %get3A_383] : memref<8x16xi32, #tpu.memory_space<smem>>
    %dma_start3A_385 = arith.constant 13 : i32
    %dma_start3A_386 = arith.constant 0 : i32
    %dma_start3A_387 = arith.constant 0 : i32
    %dma_start3A_388 = tpu.memref_slice %arg3[%add3A_211, %dma_start3A_385, %dma_start3A_386, %dma_start3A_387] : memref<8x16x128x768xf32, #tpu.memory_space<hbm>> -> memref<1x1x128x768xf32, #tpu.memory_space<hbm>>
    %dma_start3A_389 = tpu.memref_squeeze %dma_start3A_388 : memref<1x1x128x768xf32, #tpu.memory_space<hbm>> -> memref<128x768xf32, #tpu.memory_space<hbm>>
    %dma_start3A_390 = arith.constant 0 : i32
    %dma_start3A_391 = arith.constant 0 : i32
    %dma_start3A_392 = tpu.memref_slice %arg1[%add3A_211, %get3A_384, %dma_start3A_390, %dma_start3A_391] : memref<8x64x128x768xf32, #tpu.memory_space<hbm>> -> memref<1x1x128x768xf32, #tpu.memory_space<hbm>>
    %dma_start3A_393 = tpu.memref_squeeze %dma_start3A_392 : memref<1x1x128x768xf32, #tpu.memory_space<hbm>> -> memref<128x768xf32, #tpu.memory_space<hbm>>
    tpu.enqueue_dma source(%dma_start3A_393 : memref<128x768xf32, #tpu.memory_space<hbm>>) target(%dma_start3A_389 : memref<128x768xf32, #tpu.memory_space<hbm>>) target_semaphore(%arg5 : memref<!tpu.dma_semaphore, #tpu.memory_space<semaphore_mem>>)
    %get3A_394 = arith.constant 14 : i32
    %get3A_395 = arith.index_cast %add3A_211 : i32 to index
    %get3A_396 = arith.index_cast %get3A_394 : i32 to index
    %get3A_397 = memref.load %arg4[%get3A_395, %get3A_396] : memref<8x16xi32, #tpu.memory_space<smem>>
    %dma_start3A_398 = arith.constant 14 : i32
    %dma_start3A_399 = arith.constant 0 : i32
    %dma_start3A_400 = arith.constant 0 : i32
    %dma_start3A_401 = tpu.memref_slice %arg3[%add3A_211, %dma_start3A_398, %dma_start3A_399, %dma_start3A_400] : memref<8x16x128x768xf32, #tpu.memory_space<hbm>> -> memref<1x1x128x768xf32, #tpu.memory_space<hbm>>
    %dma_start3A_402 = tpu.memref_squeeze %dma_start3A_401 : memref<1x1x128x768xf32, #tpu.memory_space<hbm>> -> memref<128x768xf32, #tpu.memory_space<hbm>>
    %dma_start3A_403 = arith.constant 0 : i32
    %dma_start3A_404 = arith.constant 0 : i32
    %dma_start3A_405 = tpu.memref_slice %arg1[%add3A_211, %get3A_397, %dma_start3A_403, %dma_start3A_404] : memref<8x64x128x768xf32, #tpu.memory_space<hbm>> -> memref<1x1x128x768xf32, #tpu.memory_space<hbm>>
    %dma_start3A_406 = tpu.memref_squeeze %dma_start3A_405 : memref<1x1x128x768xf32, #tpu.memory_space<hbm>> -> memref<128x768xf32, #tpu.memory_space<hbm>>
    tpu.enqueue_dma source(%dma_start3A_406 : memref<128x768xf32, #tpu.memory_space<hbm>>) target(%dma_start3A_402 : memref<128x768xf32, #tpu.memory_space<hbm>>) target_semaphore(%arg5 : memref<!tpu.dma_semaphore, #tpu.memory_space<semaphore_mem>>)
    %get3A_407 = arith.constant 15 : i32
    %get3A_408 = arith.index_cast %add3A_211 : i32 to index
    %get3A_409 = arith.index_cast %get3A_407 : i32 to index
    %get3A_410 = memref.load %arg4[%get3A_408, %get3A_409] : memref<8x16xi32, #tpu.memory_space<smem>>
    %dma_start3A_411 = arith.constant 15 : i32
    %dma_start3A_412 = arith.constant 0 : i32
    %dma_start3A_413 = arith.constant 0 : i32
    %dma_start3A_414 = tpu.memref_slice %arg3[%add3A_211, %dma_start3A_411, %dma_start3A_412, %dma_start3A_413] : memref<8x16x128x768xf32, #tpu.memory_space<hbm>> -> memref<1x1x128x768xf32, #tpu.memory_space<hbm>>
    %dma_start3A_415 = tpu.memref_squeeze %dma_start3A_414 : memref<1x1x128x768xf32, #tpu.memory_space<hbm>> -> memref<128x768xf32, #tpu.memory_space<hbm>>
    %dma_start3A_416 = arith.constant 0 : i32
    %dma_start3A_417 = arith.constant 0 : i32
    %dma_start3A_418 = tpu.memref_slice %arg1[%add3A_211, %get3A_410, %dma_start3A_416, %dma_start3A_417] : memref<8x64x128x768xf32, #tpu.memory_space<hbm>> -> memref<1x1x128x768xf32, #tpu.memory_space<hbm>>
    %dma_start3A_419 = tpu.memref_squeeze %dma_start3A_418 : memref<1x1x128x768xf32, #tpu.memory_space<hbm>> -> memref<128x768xf32, #tpu.memory_space<hbm>>
    tpu.enqueue_dma source(%dma_start3A_419 : memref<128x768xf32, #tpu.memory_space<hbm>>) target(%dma_start3A_415 : memref<128x768xf32, #tpu.memory_space<hbm>>) target_semaphore(%arg5 : memref<!tpu.dma_semaphore, #tpu.memory_space<semaphore_mem>>)
    %mul3A_420 = arith.constant 4 : i32
    %mul3A_421 = arith.muli %arg0, %mul3A_420 : i32
    %add3A_422 = arith.constant 2 : i32
    %add3A_423 = arith.addi %mul3A_421, %add3A_422 : i32
    %get3A_424 = arith.constant 0 : i32
    %get3A_425 = arith.index_cast %add3A_423 : i32 to index
    %get3A_426 = arith.index_cast %get3A_424 : i32 to index
    %get3A_427 = memref.load %arg4[%get3A_425, %get3A_426] : memref<8x16xi32, #tpu.memory_space<smem>>
    %dma_start3A_428 = arith.constant 0 : i32
    %dma_start3A_429 = arith.constant 0 : i32
    %dma_start3A_430 = arith.constant 0 : i32
    %dma_start3A_431 = tpu.memref_slice %arg3[%add3A_423, %dma_start3A_428, %dma_start3A_429, %dma_start3A_430] : memref<8x16x128x768xf32, #tpu.memory_space<hbm>> -> memref<1x1x128x768xf32, #tpu.memory_space<hbm>>
    %dma_start3A_432 = tpu.memref_squeeze %dma_start3A_431 : memref<1x1x128x768xf32, #tpu.memory_space<hbm>> -> memref<128x768xf32, #tpu.memory_space<hbm>>
    %dma_start3A_433 = arith.constant 0 : i32
    %dma_start3A_434 = arith.constant 0 : i32
    %dma_start3A_435 = tpu.memref_slice %arg1[%add3A_423, %get3A_427, %dma_start3A_433, %dma_start3A_434] : memref<8x64x128x768xf32, #tpu.memory_space<hbm>> -> memref<1x1x128x768xf32, #tpu.memory_space<hbm>>
    %dma_start3A_436 = tpu.memref_squeeze %dma_start3A_435 : memref<1x1x128x768xf32, #tpu.memory_space<hbm>> -> memref<128x768xf32, #tpu.memory_space<hbm>>
    tpu.enqueue_dma source(%dma_start3A_436 : memref<128x768xf32, #tpu.memory_space<hbm>>) target(%dma_start3A_432 : memref<128x768xf32, #tpu.memory_space<hbm>>) target_semaphore(%arg5 : memref<!tpu.dma_semaphore, #tpu.memory_space<semaphore_mem>>)
    %get3A_437 = arith.constant 1 : i32
    %get3A_438 = arith.index_cast %add3A_423 : i32 to index
    %get3A_439 = arith.index_cast %get3A_437 : i32 to index
    %get3A_440 = memref.load %arg4[%get3A_438, %get3A_439] : memref<8x16xi32, #tpu.memory_space<smem>>
    %dma_start3A_441 = arith.constant 1 : i32
    %dma_start3A_442 = arith.constant 0 : i32
    %dma_start3A_443 = arith.constant 0 : i32
    %dma_start3A_444 = tpu.memref_slice %arg3[%add3A_423, %dma_start3A_441, %dma_start3A_442, %dma_start3A_443] : memref<8x16x128x768xf32, #tpu.memory_space<hbm>> -> memref<1x1x128x768xf32, #tpu.memory_space<hbm>>
    %dma_start3A_445 = tpu.memref_squeeze %dma_start3A_444 : memref<1x1x128x768xf32, #tpu.memory_space<hbm>> -> memref<128x768xf32, #tpu.memory_space<hbm>>
    %dma_start3A_446 = arith.constant 0 : i32
    %dma_start3A_447 = arith.constant 0 : i32
    %dma_start3A_448 = tpu.memref_slice %arg1[%add3A_423, %get3A_440, %dma_start3A_446, %dma_start3A_447] : memref<8x64x128x768xf32, #tpu.memory_space<hbm>> -> memref<1x1x128x768xf32, #tpu.memory_space<hbm>>
    %dma_start3A_449 = tpu.memref_squeeze %dma_start3A_448 : memref<1x1x128x768xf32, #tpu.memory_space<hbm>> -> memref<128x768xf32, #tpu.memory_space<hbm>>
    tpu.enqueue_dma source(%dma_start3A_449 : memref<128x768xf32, #tpu.memory_space<hbm>>) target(%dma_start3A_445 : memref<128x768xf32, #tpu.memory_space<hbm>>) target_semaphore(%arg5 : memref<!tpu.dma_semaphore, #tpu.memory_space<semaphore_mem>>)
    %get3A_450 = arith.constant 2 : i32
    %get3A_451 = arith.index_cast %add3A_423 : i32 to index
    %get3A_452 = arith.index_cast %get3A_450 : i32 to index
    %get3A_453 = memref.load %arg4[%get3A_451, %get3A_452] : memref<8x16xi32, #tpu.memory_space<smem>>
    %dma_start3A_454 = arith.constant 2 : i32
    %dma_start3A_455 = arith.constant 0 : i32
    %dma_start3A_456 = arith.constant 0 : i32
    %dma_start3A_457 = tpu.memref_slice %arg3[%add3A_423, %dma_start3A_454, %dma_start3A_455, %dma_start3A_456] : memref<8x16x128x768xf32, #tpu.memory_space<hbm>> -> memref<1x1x128x768xf32, #tpu.memory_space<hbm>>
    %dma_start3A_458 = tpu.memref_squeeze %dma_start3A_457 : memref<1x1x128x768xf32, #tpu.memory_space<hbm>> -> memref<128x768xf32, #tpu.memory_space<hbm>>
    %dma_start3A_459 = arith.constant 0 : i32
    %dma_start3A_460 = arith.constant 0 : i32
    %dma_start3A_461 = tpu.memref_slice %arg1[%add3A_423, %get3A_453, %dma_start3A_459, %dma_start3A_460] : memref<8x64x128x768xf32, #tpu.memory_space<hbm>> -> memref<1x1x128x768xf32, #tpu.memory_space<hbm>>
    %dma_start3A_462 = tpu.memref_squeeze %dma_start3A_461 : memref<1x1x128x768xf32, #tpu.memory_space<hbm>> -> memref<128x768xf32, #tpu.memory_space<hbm>>
    tpu.enqueue_dma source(%dma_start3A_462 : memref<128x768xf32, #tpu.memory_space<hbm>>) target(%dma_start3A_458 : memref<128x768xf32, #tpu.memory_space<hbm>>) target_semaphore(%arg5 : memref<!tpu.dma_semaphore, #tpu.memory_space<semaphore_mem>>)
    %get3A_463 = arith.constant 3 : i32
    %get3A_464 = arith.index_cast %add3A_423 : i32 to index
    %get3A_465 = arith.index_cast %get3A_463 : i32 to index
    %get3A_466 = memref.load %arg4[%get3A_464, %get3A_465] : memref<8x16xi32, #tpu.memory_space<smem>>
    %dma_start3A_467 = arith.constant 3 : i32
    %dma_start3A_468 = arith.constant 0 : i32
    %dma_start3A_469 = arith.constant 0 : i32
    %dma_start3A_470 = tpu.memref_slice %arg3[%add3A_423, %dma_start3A_467, %dma_start3A_468, %dma_start3A_469] : memref<8x16x128x768xf32, #tpu.memory_space<hbm>> -> memref<1x1x128x768xf32, #tpu.memory_space<hbm>>
    %dma_start3A_471 = tpu.memref_squeeze %dma_start3A_470 : memref<1x1x128x768xf32, #tpu.memory_space<hbm>> -> memref<128x768xf32, #tpu.memory_space<hbm>>
    %dma_start3A_472 = arith.constant 0 : i32
    %dma_start3A_473 = arith.constant 0 : i32
    %dma_start3A_474 = tpu.memref_slice %arg1[%add3A_423, %get3A_466, %dma_start3A_472, %dma_start3A_473] : memref<8x64x128x768xf32, #tpu.memory_space<hbm>> -> memref<1x1x128x768xf32, #tpu.memory_space<hbm>>
    %dma_start3A_475 = tpu.memref_squeeze %dma_start3A_474 : memref<1x1x128x768xf32, #tpu.memory_space<hbm>> -> memref<128x768xf32, #tpu.memory_space<hbm>>
    tpu.enqueue_dma source(%dma_start3A_475 : memref<128x768xf32, #tpu.memory_space<hbm>>) target(%dma_start3A_471 : memref<128x768xf32, #tpu.memory_space<hbm>>) target_semaphore(%arg5 : memref<!tpu.dma_semaphore, #tpu.memory_space<semaphore_mem>>)
    %get3A_476 = arith.constant 4 : i32
    %get3A_477 = arith.index_cast %add3A_423 : i32 to index
    %get3A_478 = arith.index_cast %get3A_476 : i32 to index
    %get3A_479 = memref.load %arg4[%get3A_477, %get3A_478] : memref<8x16xi32, #tpu.memory_space<smem>>
    %dma_start3A_480 = arith.constant 4 : i32
    %dma_start3A_481 = arith.constant 0 : i32
    %dma_start3A_482 = arith.constant 0 : i32
    %dma_start3A_483 = tpu.memref_slice %arg3[%add3A_423, %dma_start3A_480, %dma_start3A_481, %dma_start3A_482] : memref<8x16x128x768xf32, #tpu.memory_space<hbm>> -> memref<1x1x128x768xf32, #tpu.memory_space<hbm>>
    %dma_start3A_484 = tpu.memref_squeeze %dma_start3A_483 : memref<1x1x128x768xf32, #tpu.memory_space<hbm>> -> memref<128x768xf32, #tpu.memory_space<hbm>>
    %dma_start3A_485 = arith.constant 0 : i32
    %dma_start3A_486 = arith.constant 0 : i32
    %dma_start3A_487 = tpu.memref_slice %arg1[%add3A_423, %get3A_479, %dma_start3A_485, %dma_start3A_486] : memref<8x64x128x768xf32, #tpu.memory_space<hbm>> -> memref<1x1x128x768xf32, #tpu.memory_space<hbm>>
    %dma_start3A_488 = tpu.memref_squeeze %dma_start3A_487 : memref<1x1x128x768xf32, #tpu.memory_space<hbm>> -> memref<128x768xf32, #tpu.memory_space<hbm>>
    tpu.enqueue_dma source(%dma_start3A_488 : memref<128x768xf32, #tpu.memory_space<hbm>>) target(%dma_start3A_484 : memref<128x768xf32, #tpu.memory_space<hbm>>) target_semaphore(%arg5 : memref<!tpu.dma_semaphore, #tpu.memory_space<semaphore_mem>>)
    %get3A_489 = arith.constant 5 : i32
    %get3A_490 = arith.index_cast %add3A_423 : i32 to index
    %get3A_491 = arith.index_cast %get3A_489 : i32 to index
    %get3A_492 = memref.load %arg4[%get3A_490, %get3A_491] : memref<8x16xi32, #tpu.memory_space<smem>>
    %dma_start3A_493 = arith.constant 5 : i32
    %dma_start3A_494 = arith.constant 0 : i32
    %dma_start3A_495 = arith.constant 0 : i32
    %dma_start3A_496 = tpu.memref_slice %arg3[%add3A_423, %dma_start3A_493, %dma_start3A_494, %dma_start3A_495] : memref<8x16x128x768xf32, #tpu.memory_space<hbm>> -> memref<1x1x128x768xf32, #tpu.memory_space<hbm>>
    %dma_start3A_497 = tpu.memref_squeeze %dma_start3A_496 : memref<1x1x128x768xf32, #tpu.memory_space<hbm>> -> memref<128x768xf32, #tpu.memory_space<hbm>>
    %dma_start3A_498 = arith.constant 0 : i32
    %dma_start3A_499 = arith.constant 0 : i32
    %dma_start3A_500 = tpu.memref_slice %arg1[%add3A_423, %get3A_492, %dma_start3A_498, %dma_start3A_499] : memref<8x64x128x768xf32, #tpu.memory_space<hbm>> -> memref<1x1x128x768xf32, #tpu.memory_space<hbm>>
    %dma_start3A_501 = tpu.memref_squeeze %dma_start3A_500 : memref<1x1x128x768xf32, #tpu.memory_space<hbm>> -> memref<128x768xf32, #tpu.memory_space<hbm>>
    tpu.enqueue_dma source(%dma_start3A_501 : memref<128x768xf32, #tpu.memory_space<hbm>>) target(%dma_start3A_497 : memref<128x768xf32, #tpu.memory_space<hbm>>) target_semaphore(%arg5 : memref<!tpu.dma_semaphore, #tpu.memory_space<semaphore_mem>>)
    %get3A_502 = arith.constant 6 : i32
    %get3A_503 = arith.index_cast %add3A_423 : i32 to index
    %get3A_504 = arith.index_cast %get3A_502 : i32 to index
    %get3A_505 = memref.load %arg4[%get3A_503, %get3A_504] : memref<8x16xi32, #tpu.memory_space<smem>>
    %dma_start3A_506 = arith.constant 6 : i32
    %dma_start3A_507 = arith.constant 0 : i32
    %dma_start3A_508 = arith.constant 0 : i32
    %dma_start3A_509 = tpu.memref_slice %arg3[%add3A_423, %dma_start3A_506, %dma_start3A_507, %dma_start3A_508] : memref<8x16x128x768xf32, #tpu.memory_space<hbm>> -> memref<1x1x128x768xf32, #tpu.memory_space<hbm>>
    %dma_start3A_510 = tpu.memref_squeeze %dma_start3A_509 : memref<1x1x128x768xf32, #tpu.memory_space<hbm>> -> memref<128x768xf32, #tpu.memory_space<hbm>>
    %dma_start3A_511 = arith.constant 0 : i32
    %dma_start3A_512 = arith.constant 0 : i32
    %dma_start3A_513 = tpu.memref_slice %arg1[%add3A_423, %get3A_505, %dma_start3A_511, %dma_start3A_512] : memref<8x64x128x768xf32, #tpu.memory_space<hbm>> -> memref<1x1x128x768xf32, #tpu.memory_space<hbm>>
    %dma_start3A_514 = tpu.memref_squeeze %dma_start3A_513 : memref<1x1x128x768xf32, #tpu.memory_space<hbm>> -> memref<128x768xf32, #tpu.memory_space<hbm>>
    tpu.enqueue_dma source(%dma_start3A_514 : memref<128x768xf32, #tpu.memory_space<hbm>>) target(%dma_start3A_510 : memref<128x768xf32, #tpu.memory_space<hbm>>) target_semaphore(%arg5 : memref<!tpu.dma_semaphore, #tpu.memory_space<semaphore_mem>>)
    %get3A_515 = arith.constant 7 : i32
    %get3A_516 = arith.index_cast %add3A_423 : i32 to index
    %get3A_517 = arith.index_cast %get3A_515 : i32 to index
    %get3A_518 = memref.load %arg4[%get3A_516, %get3A_517] : memref<8x16xi32, #tpu.memory_space<smem>>
    %dma_start3A_519 = arith.constant 7 : i32
    %dma_start3A_520 = arith.constant 0 : i32
    %dma_start3A_521 = arith.constant 0 : i32
    %dma_start3A_522 = tpu.memref_slice %arg3[%add3A_423, %dma_start3A_519, %dma_start3A_520, %dma_start3A_521] : memref<8x16x128x768xf32, #tpu.memory_space<hbm>> -> memref<1x1x128x768xf32, #tpu.memory_space<hbm>>
    %dma_start3A_523 = tpu.memref_squeeze %dma_start3A_522 : memref<1x1x128x768xf32, #tpu.memory_space<hbm>> -> memref<128x768xf32, #tpu.memory_space<hbm>>
    %dma_start3A_524 = arith.constant 0 : i32
    %dma_start3A_525 = arith.constant 0 : i32
    %dma_start3A_526 = tpu.memref_slice %arg1[%add3A_423, %get3A_518, %dma_start3A_524, %dma_start3A_525] : memref<8x64x128x768xf32, #tpu.memory_space<hbm>> -> memref<1x1x128x768xf32, #tpu.memory_space<hbm>>
    %dma_start3A_527 = tpu.memref_squeeze %dma_start3A_526 : memref<1x1x128x768xf32, #tpu.memory_space<hbm>> -> memref<128x768xf32, #tpu.memory_space<hbm>>
    tpu.enqueue_dma source(%dma_start3A_527 : memref<128x768xf32, #tpu.memory_space<hbm>>) target(%dma_start3A_523 : memref<128x768xf32, #tpu.memory_space<hbm>>) target_semaphore(%arg5 : memref<!tpu.dma_semaphore, #tpu.memory_space<semaphore_mem>>)
    %get3A_528 = arith.constant 8 : i32
    %get3A_529 = arith.index_cast %add3A_423 : i32 to index
    %get3A_530 = arith.index_cast %get3A_528 : i32 to index
    %get3A_531 = memref.load %arg4[%get3A_529, %get3A_530] : memref<8x16xi32, #tpu.memory_space<smem>>
    %dma_start3A_532 = arith.constant 8 : i32
    %dma_start3A_533 = arith.constant 0 : i32
    %dma_start3A_534 = arith.constant 0 : i32
    %dma_start3A_535 = tpu.memref_slice %arg3[%add3A_423, %dma_start3A_532, %dma_start3A_533, %dma_start3A_534] : memref<8x16x128x768xf32, #tpu.memory_space<hbm>> -> memref<1x1x128x768xf32, #tpu.memory_space<hbm>>
    %dma_start3A_536 = tpu.memref_squeeze %dma_start3A_535 : memref<1x1x128x768xf32, #tpu.memory_space<hbm>> -> memref<128x768xf32, #tpu.memory_space<hbm>>
    %dma_start3A_537 = arith.constant 0 : i32
    %dma_start3A_538 = arith.constant 0 : i32
    %dma_start3A_539 = tpu.memref_slice %arg1[%add3A_423, %get3A_531, %dma_start3A_537, %dma_start3A_538] : memref<8x64x128x768xf32, #tpu.memory_space<hbm>> -> memref<1x1x128x768xf32, #tpu.memory_space<hbm>>
    %dma_start3A_540 = tpu.memref_squeeze %dma_start3A_539 : memref<1x1x128x768xf32, #tpu.memory_space<hbm>> -> memref<128x768xf32, #tpu.memory_space<hbm>>
    tpu.enqueue_dma source(%dma_start3A_540 : memref<128x768xf32, #tpu.memory_space<hbm>>) target(%dma_start3A_536 : memref<128x768xf32, #tpu.memory_space<hbm>>) target_semaphore(%arg5 : memref<!tpu.dma_semaphore, #tpu.memory_space<semaphore_mem>>)
    %get3A_541 = arith.constant 9 : i32
    %get3A_542 = arith.index_cast %add3A_423 : i32 to index
    %get3A_543 = arith.index_cast %get3A_541 : i32 to index
    %get3A_544 = memref.load %arg4[%get3A_542, %get3A_543] : memref<8x16xi32, #tpu.memory_space<smem>>
    %dma_start3A_545 = arith.constant 9 : i32
    %dma_start3A_546 = arith.constant 0 : i32
    %dma_start3A_547 = arith.constant 0 : i32
    %dma_start3A_548 = tpu.memref_slice %arg3[%add3A_423, %dma_start3A_545, %dma_start3A_546, %dma_start3A_547] : memref<8x16x128x768xf32, #tpu.memory_space<hbm>> -> memref<1x1x128x768xf32, #tpu.memory_space<hbm>>
    %dma_start3A_549 = tpu.memref_squeeze %dma_start3A_548 : memref<1x1x128x768xf32, #tpu.memory_space<hbm>> -> memref<128x768xf32, #tpu.memory_space<hbm>>
    %dma_start3A_550 = arith.constant 0 : i32
    %dma_start3A_551 = arith.constant 0 : i32
    %dma_start3A_552 = tpu.memref_slice %arg1[%add3A_423, %get3A_544, %dma_start3A_550, %dma_start3A_551] : memref<8x64x128x768xf32, #tpu.memory_space<hbm>> -> memref<1x1x128x768xf32, #tpu.memory_space<hbm>>
    %dma_start3A_553 = tpu.memref_squeeze %dma_start3A_552 : memref<1x1x128x768xf32, #tpu.memory_space<hbm>> -> memref<128x768xf32, #tpu.memory_space<hbm>>
    tpu.enqueue_dma source(%dma_start3A_553 : memref<128x768xf32, #tpu.memory_space<hbm>>) target(%dma_start3A_549 : memref<128x768xf32, #tpu.memory_space<hbm>>) target_semaphore(%arg5 : memref<!tpu.dma_semaphore, #tpu.memory_space<semaphore_mem>>)
    %get3A_554 = arith.constant 10 : i32
    %get3A_555 = arith.index_cast %add3A_423 : i32 to index
    %get3A_556 = arith.index_cast %get3A_554 : i32 to index
    %get3A_557 = memref.load %arg4[%get3A_555, %get3A_556] : memref<8x16xi32, #tpu.memory_space<smem>>
    %dma_start3A_558 = arith.constant 10 : i32
    %dma_start3A_559 = arith.constant 0 : i32
    %dma_start3A_560 = arith.constant 0 : i32
    %dma_start3A_561 = tpu.memref_slice %arg3[%add3A_423, %dma_start3A_558, %dma_start3A_559, %dma_start3A_560] : memref<8x16x128x768xf32, #tpu.memory_space<hbm>> -> memref<1x1x128x768xf32, #tpu.memory_space<hbm>>
    %dma_start3A_562 = tpu.memref_squeeze %dma_start3A_561 : memref<1x1x128x768xf32, #tpu.memory_space<hbm>> -> memref<128x768xf32, #tpu.memory_space<hbm>>
    %dma_start3A_563 = arith.constant 0 : i32
    %dma_start3A_564 = arith.constant 0 : i32
    %dma_start3A_565 = tpu.memref_slice %arg1[%add3A_423, %get3A_557, %dma_start3A_563, %dma_start3A_564] : memref<8x64x128x768xf32, #tpu.memory_space<hbm>> -> memref<1x1x128x768xf32, #tpu.memory_space<hbm>>
    %dma_start3A_566 = tpu.memref_squeeze %dma_start3A_565 : memref<1x1x128x768xf32, #tpu.memory_space<hbm>> -> memref<128x768xf32, #tpu.memory_space<hbm>>
    tpu.enqueue_dma source(%dma_start3A_566 : memref<128x768xf32, #tpu.memory_space<hbm>>) target(%dma_start3A_562 : memref<128x768xf32, #tpu.memory_space<hbm>>) target_semaphore(%arg5 : memref<!tpu.dma_semaphore, #tpu.memory_space<semaphore_mem>>)
    %get3A_567 = arith.constant 11 : i32
    %get3A_568 = arith.index_cast %add3A_423 : i32 to index
    %get3A_569 = arith.index_cast %get3A_567 : i32 to index
    %get3A_570 = memref.load %arg4[%get3A_568, %get3A_569] : memref<8x16xi32, #tpu.memory_space<smem>>
    %dma_start3A_571 = arith.constant 11 : i32
    %dma_start3A_572 = arith.constant 0 : i32
    %dma_start3A_573 = arith.constant 0 : i32
    %dma_start3A_574 = tpu.memref_slice %arg3[%add3A_423, %dma_start3A_571, %dma_start3A_572, %dma_start3A_573] : memref<8x16x128x768xf32, #tpu.memory_space<hbm>> -> memref<1x1x128x768xf32, #tpu.memory_space<hbm>>
    %dma_start3A_575 = tpu.memref_squeeze %dma_start3A_574 : memref<1x1x128x768xf32, #tpu.memory_space<hbm>> -> memref<128x768xf32, #tpu.memory_space<hbm>>
    %dma_start3A_576 = arith.constant 0 : i32
    %dma_start3A_577 = arith.constant 0 : i32
    %dma_start3A_578 = tpu.memref_slice %arg1[%add3A_423, %get3A_570, %dma_start3A_576, %dma_start3A_577] : memref<8x64x128x768xf32, #tpu.memory_space<hbm>> -> memref<1x1x128x768xf32, #tpu.memory_space<hbm>>
    %dma_start3A_579 = tpu.memref_squeeze %dma_start3A_578 : memref<1x1x128x768xf32, #tpu.memory_space<hbm>> -> memref<128x768xf32, #tpu.memory_space<hbm>>
    tpu.enqueue_dma source(%dma_start3A_579 : memref<128x768xf32, #tpu.memory_space<hbm>>) target(%dma_start3A_575 : memref<128x768xf32, #tpu.memory_space<hbm>>) target_semaphore(%arg5 : memref<!tpu.dma_semaphore, #tpu.memory_space<semaphore_mem>>)
    %get3A_580 = arith.constant 12 : i32
    %get3A_581 = arith.index_cast %add3A_423 : i32 to index
    %get3A_582 = arith.index_cast %get3A_580 : i32 to index
    %get3A_583 = memref.load %arg4[%get3A_581, %get3A_582] : memref<8x16xi32, #tpu.memory_space<smem>>
    %dma_start3A_584 = arith.constant 12 : i32
    %dma_start3A_585 = arith.constant 0 : i32
    %dma_start3A_586 = arith.constant 0 : i32
    %dma_start3A_587 = tpu.memref_slice %arg3[%add3A_423, %dma_start3A_584, %dma_start3A_585, %dma_start3A_586] : memref<8x16x128x768xf32, #tpu.memory_space<hbm>> -> memref<1x1x128x768xf32, #tpu.memory_space<hbm>>
    %dma_start3A_588 = tpu.memref_squeeze %dma_start3A_587 : memref<1x1x128x768xf32, #tpu.memory_space<hbm>> -> memref<128x768xf32, #tpu.memory_space<hbm>>
    %dma_start3A_589 = arith.constant 0 : i32
    %dma_start3A_590 = arith.constant 0 : i32
    %dma_start3A_591 = tpu.memref_slice %arg1[%add3A_423, %get3A_583, %dma_start3A_589, %dma_start3A_590] : memref<8x64x128x768xf32, #tpu.memory_space<hbm>> -> memref<1x1x128x768xf32, #tpu.memory_space<hbm>>
    %dma_start3A_592 = tpu.memref_squeeze %dma_start3A_591 : memref<1x1x128x768xf32, #tpu.memory_space<hbm>> -> memref<128x768xf32, #tpu.memory_space<hbm>>
    tpu.enqueue_dma source(%dma_start3A_592 : memref<128x768xf32, #tpu.memory_space<hbm>>) target(%dma_start3A_588 : memref<128x768xf32, #tpu.memory_space<hbm>>) target_semaphore(%arg5 : memref<!tpu.dma_semaphore, #tpu.memory_space<semaphore_mem>>)
    %get3A_593 = arith.constant 13 : i32
    %get3A_594 = arith.index_cast %add3A_423 : i32 to index
    %get3A_595 = arith.index_cast %get3A_593 : i32 to index
    %get3A_596 = memref.load %arg4[%get3A_594, %get3A_595] : memref<8x16xi32, #tpu.memory_space<smem>>
    %dma_start3A_597 = arith.constant 13 : i32
    %dma_start3A_598 = arith.constant 0 : i32
    %dma_start3A_599 = arith.constant 0 : i32
    %dma_start3A_600 = tpu.memref_slice %arg3[%add3A_423, %dma_start3A_597, %dma_start3A_598, %dma_start3A_599] : memref<8x16x128x768xf32, #tpu.memory_space<hbm>> -> memref<1x1x128x768xf32, #tpu.memory_space<hbm>>
    %dma_start3A_601 = tpu.memref_squeeze %dma_start3A_600 : memref<1x1x128x768xf32, #tpu.memory_space<hbm>> -> memref<128x768xf32, #tpu.memory_space<hbm>>
    %dma_start3A_602 = arith.constant 0 : i32
    %dma_start3A_603 = arith.constant 0 : i32
    %dma_start3A_604 = tpu.memref_slice %arg1[%add3A_423, %get3A_596, %dma_start3A_602, %dma_start3A_603] : memref<8x64x128x768xf32, #tpu.memory_space<hbm>> -> memref<1x1x128x768xf32, #tpu.memory_space<hbm>>
    %dma_start3A_605 = tpu.memref_squeeze %dma_start3A_604 : memref<1x1x128x768xf32, #tpu.memory_space<hbm>> -> memref<128x768xf32, #tpu.memory_space<hbm>>
    tpu.enqueue_dma source(%dma_start3A_605 : memref<128x768xf32, #tpu.memory_space<hbm>>) target(%dma_start3A_601 : memref<128x768xf32, #tpu.memory_space<hbm>>) target_semaphore(%arg5 : memref<!tpu.dma_semaphore, #tpu.memory_space<semaphore_mem>>)
    %get3A_606 = arith.constant 14 : i32
    %get3A_607 = arith.index_cast %add3A_423 : i32 to index
    %get3A_608 = arith.index_cast %get3A_606 : i32 to index
    %get3A_609 = memref.load %arg4[%get3A_607, %get3A_608] : memref<8x16xi32, #tpu.memory_space<smem>>
    %dma_start3A_610 = arith.constant 14 : i32
    %dma_start3A_611 = arith.constant 0 : i32
    %dma_start3A_612 = arith.constant 0 : i32
    %dma_start3A_613 = tpu.memref_slice %arg3[%add3A_423, %dma_start3A_610, %dma_start3A_611, %dma_start3A_612] : memref<8x16x128x768xf32, #tpu.memory_space<hbm>> -> memref<1x1x128x768xf32, #tpu.memory_space<hbm>>
    %dma_start3A_614 = tpu.memref_squeeze %dma_start3A_613 : memref<1x1x128x768xf32, #tpu.memory_space<hbm>> -> memref<128x768xf32, #tpu.memory_space<hbm>>
    %dma_start3A_615 = arith.constant 0 : i32
    %dma_start3A_616 = arith.constant 0 : i32
    %dma_start3A_617 = tpu.memref_slice %arg1[%add3A_423, %get3A_609, %dma_start3A_615, %dma_start3A_616] : memref<8x64x128x768xf32, #tpu.memory_space<hbm>> -> memref<1x1x128x768xf32, #tpu.memory_space<hbm>>
    %dma_start3A_618 = tpu.memref_squeeze %dma_start3A_617 : memref<1x1x128x768xf32, #tpu.memory_space<hbm>> -> memref<128x768xf32, #tpu.memory_space<hbm>>
    tpu.enqueue_dma source(%dma_start3A_618 : memref<128x768xf32, #tpu.memory_space<hbm>>) target(%dma_start3A_614 : memref<128x768xf32, #tpu.memory_space<hbm>>) target_semaphore(%arg5 : memref<!tpu.dma_semaphore, #tpu.memory_space<semaphore_mem>>)
    %get3A_619 = arith.constant 15 : i32
    %get3A_620 = arith.index_cast %add3A_423 : i32 to index
    %get3A_621 = arith.index_cast %get3A_619 : i32 to index
    %get3A_622 = memref.load %arg4[%get3A_620, %get3A_621] : memref<8x16xi32, #tpu.memory_space<smem>>
    %dma_start3A_623 = arith.constant 15 : i32
    %dma_start3A_624 = arith.constant 0 : i32
    %dma_start3A_625 = arith.constant 0 : i32
    %dma_start3A_626 = tpu.memref_slice %arg3[%add3A_423, %dma_start3A_623, %dma_start3A_624, %dma_start3A_625] : memref<8x16x128x768xf32, #tpu.memory_space<hbm>> -> memref<1x1x128x768xf32, #tpu.memory_space<hbm>>
    %dma_start3A_627 = tpu.memref_squeeze %dma_start3A_626 : memref<1x1x128x768xf32, #tpu.memory_space<hbm>> -> memref<128x768xf32, #tpu.memory_space<hbm>>
    %dma_start3A_628 = arith.constant 0 : i32
    %dma_start3A_629 = arith.constant 0 : i32
    %dma_start3A_630 = tpu.memref_slice %arg1[%add3A_423, %get3A_622, %dma_start3A_628, %dma_start3A_629] : memref<8x64x128x768xf32, #tpu.memory_space<hbm>> -> memref<1x1x128x768xf32, #tpu.memory_space<hbm>>
    %dma_start3A_631 = tpu.memref_squeeze %dma_start3A_630 : memref<1x1x128x768xf32, #tpu.memory_space<hbm>> -> memref<128x768xf32, #tpu.memory_space<hbm>>
    tpu.enqueue_dma source(%dma_start3A_631 : memref<128x768xf32, #tpu.memory_space<hbm>>) target(%dma_start3A_627 : memref<128x768xf32, #tpu.memory_space<hbm>>) target_semaphore(%arg5 : memref<!tpu.dma_semaphore, #tpu.memory_space<semaphore_mem>>)
    %mul3A_632 = arith.constant 4 : i32
    %mul3A_633 = arith.muli %arg0, %mul3A_632 : i32
    %add3A_634 = arith.constant 3 : i32
    %add3A_635 = arith.addi %mul3A_633, %add3A_634 : i32
    %get3A_636 = arith.constant 0 : i32
    %get3A_637 = arith.index_cast %add3A_635 : i32 to index
    %get3A_638 = arith.index_cast %get3A_636 : i32 to index
    %get3A_639 = memref.load %arg4[%get3A_637, %get3A_638] : memref<8x16xi32, #tpu.memory_space<smem>>
    %dma_start3A_640 = arith.constant 0 : i32
    %dma_start3A_641 = arith.constant 0 : i32
    %dma_start3A_642 = arith.constant 0 : i32
    %dma_start3A_643 = tpu.memref_slice %arg3[%add3A_635, %dma_start3A_640, %dma_start3A_641, %dma_start3A_642] : memref<8x16x128x768xf32, #tpu.memory_space<hbm>> -> memref<1x1x128x768xf32, #tpu.memory_space<hbm>>
    %dma_start3A_644 = tpu.memref_squeeze %dma_start3A_643 : memref<1x1x128x768xf32, #tpu.memory_space<hbm>> -> memref<128x768xf32, #tpu.memory_space<hbm>>
    %dma_start3A_645 = arith.constant 0 : i32
    %dma_start3A_646 = arith.constant 0 : i32
    %dma_start3A_647 = tpu.memref_slice %arg1[%add3A_635, %get3A_639, %dma_start3A_645, %dma_start3A_646] : memref<8x64x128x768xf32, #tpu.memory_space<hbm>> -> memref<1x1x128x768xf32, #tpu.memory_space<hbm>>
    %dma_start3A_648 = tpu.memref_squeeze %dma_start3A_647 : memref<1x1x128x768xf32, #tpu.memory_space<hbm>> -> memref<128x768xf32, #tpu.memory_space<hbm>>
    tpu.enqueue_dma source(%dma_start3A_648 : memref<128x768xf32, #tpu.memory_space<hbm>>) target(%dma_start3A_644 : memref<128x768xf32, #tpu.memory_space<hbm>>) target_semaphore(%arg5 : memref<!tpu.dma_semaphore, #tpu.memory_space<semaphore_mem>>)
    %get3A_649 = arith.constant 1 : i32
    %get3A_650 = arith.index_cast %add3A_635 : i32 to index
    %get3A_651 = arith.index_cast %get3A_649 : i32 to index
    %get3A_652 = memref.load %arg4[%get3A_650, %get3A_651] : memref<8x16xi32, #tpu.memory_space<smem>>
    %dma_start3A_653 = arith.constant 1 : i32
    %dma_start3A_654 = arith.constant 0 : i32
    %dma_start3A_655 = arith.constant 0 : i32
    %dma_start3A_656 = tpu.memref_slice %arg3[%add3A_635, %dma_start3A_653, %dma_start3A_654, %dma_start3A_655] : memref<8x16x128x768xf32, #tpu.memory_space<hbm>> -> memref<1x1x128x768xf32, #tpu.memory_space<hbm>>
    %dma_start3A_657 = tpu.memref_squeeze %dma_start3A_656 : memref<1x1x128x768xf32, #tpu.memory_space<hbm>> -> memref<128x768xf32, #tpu.memory_space<hbm>>
    %dma_start3A_658 = arith.constant 0 : i32
    %dma_start3A_659 = arith.constant 0 : i32
    %dma_start3A_660 = tpu.memref_slice %arg1[%add3A_635, %get3A_652, %dma_start3A_658, %dma_start3A_659] : memref<8x64x128x768xf32, #tpu.memory_space<hbm>> -> memref<1x1x128x768xf32, #tpu.memory_space<hbm>>
    %dma_start3A_661 = tpu.memref_squeeze %dma_start3A_660 : memref<1x1x128x768xf32, #tpu.memory_space<hbm>> -> memref<128x768xf32, #tpu.memory_space<hbm>>
    tpu.enqueue_dma source(%dma_start3A_661 : memref<128x768xf32, #tpu.memory_space<hbm>>) target(%dma_start3A_657 : memref<128x768xf32, #tpu.memory_space<hbm>>) target_semaphore(%arg5 : memref<!tpu.dma_semaphore, #tpu.memory_space<semaphore_mem>>)
    %get3A_662 = arith.constant 2 : i32
    %get3A_663 = arith.index_cast %add3A_635 : i32 to index
    %get3A_664 = arith.index_cast %get3A_662 : i32 to index
    %get3A_665 = memref.load %arg4[%get3A_663, %get3A_664] : memref<8x16xi32, #tpu.memory_space<smem>>
    %dma_start3A_666 = arith.constant 2 : i32
    %dma_start3A_667 = arith.constant 0 : i32
    %dma_start3A_668 = arith.constant 0 : i32
    %dma_start3A_669 = tpu.memref_slice %arg3[%add3A_635, %dma_start3A_666, %dma_start3A_667, %dma_start3A_668] : memref<8x16x128x768xf32, #tpu.memory_space<hbm>> -> memref<1x1x128x768xf32, #tpu.memory_space<hbm>>
    %dma_start3A_670 = tpu.memref_squeeze %dma_start3A_669 : memref<1x1x128x768xf32, #tpu.memory_space<hbm>> -> memref<128x768xf32, #tpu.memory_space<hbm>>
    %dma_start3A_671 = arith.constant 0 : i32
    %dma_start3A_672 = arith.constant 0 : i32
    %dma_start3A_673 = tpu.memref_slice %arg1[%add3A_635, %get3A_665, %dma_start3A_671, %dma_start3A_672] : memref<8x64x128x768xf32, #tpu.memory_space<hbm>> -> memref<1x1x128x768xf32, #tpu.memory_space<hbm>>
    %dma_start3A_674 = tpu.memref_squeeze %dma_start3A_673 : memref<1x1x128x768xf32, #tpu.memory_space<hbm>> -> memref<128x768xf32, #tpu.memory_space<hbm>>
    tpu.enqueue_dma source(%dma_start3A_674 : memref<128x768xf32, #tpu.memory_space<hbm>>) target(%dma_start3A_670 : memref<128x768xf32, #tpu.memory_space<hbm>>) target_semaphore(%arg5 : memref<!tpu.dma_semaphore, #tpu.memory_space<semaphore_mem>>)
    %get3A_675 = arith.constant 3 : i32
    %get3A_676 = arith.index_cast %add3A_635 : i32 to index
    %get3A_677 = arith.index_cast %get3A_675 : i32 to index
    %get3A_678 = memref.load %arg4[%get3A_676, %get3A_677] : memref<8x16xi32, #tpu.memory_space<smem>>
    %dma_start3A_679 = arith.constant 3 : i32
    %dma_start3A_680 = arith.constant 0 : i32
    %dma_start3A_681 = arith.constant 0 : i32
    %dma_start3A_682 = tpu.memref_slice %arg3[%add3A_635, %dma_start3A_679, %dma_start3A_680, %dma_start3A_681] : memref<8x16x128x768xf32, #tpu.memory_space<hbm>> -> memref<1x1x128x768xf32, #tpu.memory_space<hbm>>
    %dma_start3A_683 = tpu.memref_squeeze %dma_start3A_682 : memref<1x1x128x768xf32, #tpu.memory_space<hbm>> -> memref<128x768xf32, #tpu.memory_space<hbm>>
    %dma_start3A_684 = arith.constant 0 : i32
    %dma_start3A_685 = arith.constant 0 : i32
    %dma_start3A_686 = tpu.memref_slice %arg1[%add3A_635, %get3A_678, %dma_start3A_684, %dma_start3A_685] : memref<8x64x128x768xf32, #tpu.memory_space<hbm>> -> memref<1x1x128x768xf32, #tpu.memory_space<hbm>>
    %dma_start3A_687 = tpu.memref_squeeze %dma_start3A_686 : memref<1x1x128x768xf32, #tpu.memory_space<hbm>> -> memref<128x768xf32, #tpu.memory_space<hbm>>
    tpu.enqueue_dma source(%dma_start3A_687 : memref<128x768xf32, #tpu.memory_space<hbm>>) target(%dma_start3A_683 : memref<128x768xf32, #tpu.memory_space<hbm>>) target_semaphore(%arg5 : memref<!tpu.dma_semaphore, #tpu.memory_space<semaphore_mem>>)
    %get3A_688 = arith.constant 4 : i32
    %get3A_689 = arith.index_cast %add3A_635 : i32 to index
    %get3A_690 = arith.index_cast %get3A_688 : i32 to index
    %get3A_691 = memref.load %arg4[%get3A_689, %get3A_690] : memref<8x16xi32, #tpu.memory_space<smem>>
    %dma_start3A_692 = arith.constant 4 : i32
    %dma_start3A_693 = arith.constant 0 : i32
    %dma_start3A_694 = arith.constant 0 : i32
    %dma_start3A_695 = tpu.memref_slice %arg3[%add3A_635, %dma_start3A_692, %dma_start3A_693, %dma_start3A_694] : memref<8x16x128x768xf32, #tpu.memory_space<hbm>> -> memref<1x1x128x768xf32, #tpu.memory_space<hbm>>
    %dma_start3A_696 = tpu.memref_squeeze %dma_start3A_695 : memref<1x1x128x768xf32, #tpu.memory_space<hbm>> -> memref<128x768xf32, #tpu.memory_space<hbm>>
    %dma_start3A_697 = arith.constant 0 : i32
    %dma_start3A_698 = arith.constant 0 : i32
    %dma_start3A_699 = tpu.memref_slice %arg1[%add3A_635, %get3A_691, %dma_start3A_697, %dma_start3A_698] : memref<8x64x128x768xf32, #tpu.memory_space<hbm>> -> memref<1x1x128x768xf32, #tpu.memory_space<hbm>>
    %dma_start3A_700 = tpu.memref_squeeze %dma_start3A_699 : memref<1x1x128x768xf32, #tpu.memory_space<hbm>> -> memref<128x768xf32, #tpu.memory_space<hbm>>
    tpu.enqueue_dma source(%dma_start3A_700 : memref<128x768xf32, #tpu.memory_space<hbm>>) target(%dma_start3A_696 : memref<128x768xf32, #tpu.memory_space<hbm>>) target_semaphore(%arg5 : memref<!tpu.dma_semaphore, #tpu.memory_space<semaphore_mem>>)
    %get3A_701 = arith.constant 5 : i32
    %get3A_702 = arith.index_cast %add3A_635 : i32 to index
    %get3A_703 = arith.index_cast %get3A_701 : i32 to index
    %get3A_704 = memref.load %arg4[%get3A_702, %get3A_703] : memref<8x16xi32, #tpu.memory_space<smem>>
    %dma_start3A_705 = arith.constant 5 : i32
    %dma_start3A_706 = arith.constant 0 : i32
    %dma_start3A_707 = arith.constant 0 : i32
    %dma_start3A_708 = tpu.memref_slice %arg3[%add3A_635, %dma_start3A_705, %dma_start3A_706, %dma_start3A_707] : memref<8x16x128x768xf32, #tpu.memory_space<hbm>> -> memref<1x1x128x768xf32, #tpu.memory_space<hbm>>
    %dma_start3A_709 = tpu.memref_squeeze %dma_start3A_708 : memref<1x1x128x768xf32, #tpu.memory_space<hbm>> -> memref<128x768xf32, #tpu.memory_space<hbm>>
    %dma_start3A_710 = arith.constant 0 : i32
    %dma_start3A_711 = arith.constant 0 : i32
    %dma_start3A_712 = tpu.memref_slice %arg1[%add3A_635, %get3A_704, %dma_start3A_710, %dma_start3A_711] : memref<8x64x128x768xf32, #tpu.memory_space<hbm>> -> memref<1x1x128x768xf32, #tpu.memory_space<hbm>>
    %dma_start3A_713 = tpu.memref_squeeze %dma_start3A_712 : memref<1x1x128x768xf32, #tpu.memory_space<hbm>> -> memref<128x768xf32, #tpu.memory_space<hbm>>
    tpu.enqueue_dma source(%dma_start3A_713 : memref<128x768xf32, #tpu.memory_space<hbm>>) target(%dma_start3A_709 : memref<128x768xf32, #tpu.memory_space<hbm>>) target_semaphore(%arg5 : memref<!tpu.dma_semaphore, #tpu.memory_space<semaphore_mem>>)
    %get3A_714 = arith.constant 6 : i32
    %get3A_715 = arith.index_cast %add3A_635 : i32 to index
    %get3A_716 = arith.index_cast %get3A_714 : i32 to index
    %get3A_717 = memref.load %arg4[%get3A_715, %get3A_716] : memref<8x16xi32, #tpu.memory_space<smem>>
    %dma_start3A_718 = arith.constant 6 : i32
    %dma_start3A_719 = arith.constant 0 : i32
    %dma_start3A_720 = arith.constant 0 : i32
    %dma_start3A_721 = tpu.memref_slice %arg3[%add3A_635, %dma_start3A_718, %dma_start3A_719, %dma_start3A_720] : memref<8x16x128x768xf32, #tpu.memory_space<hbm>> -> memref<1x1x128x768xf32, #tpu.memory_space<hbm>>
    %dma_start3A_722 = tpu.memref_squeeze %dma_start3A_721 : memref<1x1x128x768xf32, #tpu.memory_space<hbm>> -> memref<128x768xf32, #tpu.memory_space<hbm>>
    %dma_start3A_723 = arith.constant 0 : i32
    %dma_start3A_724 = arith.constant 0 : i32
    %dma_start3A_725 = tpu.memref_slice %arg1[%add3A_635, %get3A_717, %dma_start3A_723, %dma_start3A_724] : memref<8x64x128x768xf32, #tpu.memory_space<hbm>> -> memref<1x1x128x768xf32, #tpu.memory_space<hbm>>
    %dma_start3A_726 = tpu.memref_squeeze %dma_start3A_725 : memref<1x1x128x768xf32, #tpu.memory_space<hbm>> -> memref<128x768xf32, #tpu.memory_space<hbm>>
    tpu.enqueue_dma source(%dma_start3A_726 : memref<128x768xf32, #tpu.memory_space<hbm>>) target(%dma_start3A_722 : memref<128x768xf32, #tpu.memory_space<hbm>>) target_semaphore(%arg5 : memref<!tpu.dma_semaphore, #tpu.memory_space<semaphore_mem>>)
    %get3A_727 = arith.constant 7 : i32
    %get3A_728 = arith.index_cast %add3A_635 : i32 to index
    %get3A_729 = arith.index_cast %get3A_727 : i32 to index
    %get3A_730 = memref.load %arg4[%get3A_728, %get3A_729] : memref<8x16xi32, #tpu.memory_space<smem>>
    %dma_start3A_731 = arith.constant 7 : i32
    %dma_start3A_732 = arith.constant 0 : i32
    %dma_start3A_733 = arith.constant 0 : i32
    %dma_start3A_734 = tpu.memref_slice %arg3[%add3A_635, %dma_start3A_731, %dma_start3A_732, %dma_start3A_733] : memref<8x16x128x768xf32, #tpu.memory_space<hbm>> -> memref<1x1x128x768xf32, #tpu.memory_space<hbm>>
    %dma_start3A_735 = tpu.memref_squeeze %dma_start3A_734 : memref<1x1x128x768xf32, #tpu.memory_space<hbm>> -> memref<128x768xf32, #tpu.memory_space<hbm>>
    %dma_start3A_736 = arith.constant 0 : i32
    %dma_start3A_737 = arith.constant 0 : i32
    %dma_start3A_738 = tpu.memref_slice %arg1[%add3A_635, %get3A_730, %dma_start3A_736, %dma_start3A_737] : memref<8x64x128x768xf32, #tpu.memory_space<hbm>> -> memref<1x1x128x768xf32, #tpu.memory_space<hbm>>
    %dma_start3A_739 = tpu.memref_squeeze %dma_start3A_738 : memref<1x1x128x768xf32, #tpu.memory_space<hbm>> -> memref<128x768xf32, #tpu.memory_space<hbm>>
    tpu.enqueue_dma source(%dma_start3A_739 : memref<128x768xf32, #tpu.memory_space<hbm>>) target(%dma_start3A_735 : memref<128x768xf32, #tpu.memory_space<hbm>>) target_semaphore(%arg5 : memref<!tpu.dma_semaphore, #tpu.memory_space<semaphore_mem>>)
    %get3A_740 = arith.constant 8 : i32
    %get3A_741 = arith.index_cast %add3A_635 : i32 to index
    %get3A_742 = arith.index_cast %get3A_740 : i32 to index
    %get3A_743 = memref.load %arg4[%get3A_741, %get3A_742] : memref<8x16xi32, #tpu.memory_space<smem>>
    %dma_start3A_744 = arith.constant 8 : i32
    %dma_start3A_745 = arith.constant 0 : i32
    %dma_start3A_746 = arith.constant 0 : i32
    %dma_start3A_747 = tpu.memref_slice %arg3[%add3A_635, %dma_start3A_744, %dma_start3A_745, %dma_start3A_746] : memref<8x16x128x768xf32, #tpu.memory_space<hbm>> -> memref<1x1x128x768xf32, #tpu.memory_space<hbm>>
    %dma_start3A_748 = tpu.memref_squeeze %dma_start3A_747 : memref<1x1x128x768xf32, #tpu.memory_space<hbm>> -> memref<128x768xf32, #tpu.memory_space<hbm>>
    %dma_start3A_749 = arith.constant 0 : i32
    %dma_start3A_750 = arith.constant 0 : i32
    %dma_start3A_751 = tpu.memref_slice %arg1[%add3A_635, %get3A_743, %dma_start3A_749, %dma_start3A_750] : memref<8x64x128x768xf32, #tpu.memory_space<hbm>> -> memref<1x1x128x768xf32, #tpu.memory_space<hbm>>
    %dma_start3A_752 = tpu.memref_squeeze %dma_start3A_751 : memref<1x1x128x768xf32, #tpu.memory_space<hbm>> -> memref<128x768xf32, #tpu.memory_space<hbm>>
    tpu.enqueue_dma source(%dma_start3A_752 : memref<128x768xf32, #tpu.memory_space<hbm>>) target(%dma_start3A_748 : memref<128x768xf32, #tpu.memory_space<hbm>>) target_semaphore(%arg5 : memref<!tpu.dma_semaphore, #tpu.memory_space<semaphore_mem>>)
    %get3A_753 = arith.constant 9 : i32
    %get3A_754 = arith.index_cast %add3A_635 : i32 to index
    %get3A_755 = arith.index_cast %get3A_753 : i32 to index
    %get3A_756 = memref.load %arg4[%get3A_754, %get3A_755] : memref<8x16xi32, #tpu.memory_space<smem>>
    %dma_start3A_757 = arith.constant 9 : i32
    %dma_start3A_758 = arith.constant 0 : i32
    %dma_start3A_759 = arith.constant 0 : i32
    %dma_start3A_760 = tpu.memref_slice %arg3[%add3A_635, %dma_start3A_757, %dma_start3A_758, %dma_start3A_759] : memref<8x16x128x768xf32, #tpu.memory_space<hbm>> -> memref<1x1x128x768xf32, #tpu.memory_space<hbm>>
    %dma_start3A_761 = tpu.memref_squeeze %dma_start3A_760 : memref<1x1x128x768xf32, #tpu.memory_space<hbm>> -> memref<128x768xf32, #tpu.memory_space<hbm>>
    %dma_start3A_762 = arith.constant 0 : i32
    %dma_start3A_763 = arith.constant 0 : i32
    %dma_start3A_764 = tpu.memref_slice %arg1[%add3A_635, %get3A_756, %dma_start3A_762, %dma_start3A_763] : memref<8x64x128x768xf32, #tpu.memory_space<hbm>> -> memref<1x1x128x768xf32, #tpu.memory_space<hbm>>
    %dma_start3A_765 = tpu.memref_squeeze %dma_start3A_764 : memref<1x1x128x768xf32, #tpu.memory_space<hbm>> -> memref<128x768xf32, #tpu.memory_space<hbm>>
    tpu.enqueue_dma source(%dma_start3A_765 : memref<128x768xf32, #tpu.memory_space<hbm>>) target(%dma_start3A_761 : memref<128x768xf32, #tpu.memory_space<hbm>>) target_semaphore(%arg5 : memref<!tpu.dma_semaphore, #tpu.memory_space<semaphore_mem>>)
    %get3A_766 = arith.constant 10 : i32
    %get3A_767 = arith.index_cast %add3A_635 : i32 to index
    %get3A_768 = arith.index_cast %get3A_766 : i32 to index
    %get3A_769 = memref.load %arg4[%get3A_767, %get3A_768] : memref<8x16xi32, #tpu.memory_space<smem>>
    %dma_start3A_770 = arith.constant 10 : i32
    %dma_start3A_771 = arith.constant 0 : i32
    %dma_start3A_772 = arith.constant 0 : i32
    %dma_start3A_773 = tpu.memref_slice %arg3[%add3A_635, %dma_start3A_770, %dma_start3A_771, %dma_start3A_772] : memref<8x16x128x768xf32, #tpu.memory_space<hbm>> -> memref<1x1x128x768xf32, #tpu.memory_space<hbm>>
    %dma_start3A_774 = tpu.memref_squeeze %dma_start3A_773 : memref<1x1x128x768xf32, #tpu.memory_space<hbm>> -> memref<128x768xf32, #tpu.memory_space<hbm>>
    %dma_start3A_775 = arith.constant 0 : i32
    %dma_start3A_776 = arith.constant 0 : i32
    %dma_start3A_777 = tpu.memref_slice %arg1[%add3A_635, %get3A_769, %dma_start3A_775, %dma_start3A_776] : memref<8x64x128x768xf32, #tpu.memory_space<hbm>> -> memref<1x1x128x768xf32, #tpu.memory_space<hbm>>
    %dma_start3A_778 = tpu.memref_squeeze %dma_start3A_777 : memref<1x1x128x768xf32, #tpu.memory_space<hbm>> -> memref<128x768xf32, #tpu.memory_space<hbm>>
    tpu.enqueue_dma source(%dma_start3A_778 : memref<128x768xf32, #tpu.memory_space<hbm>>) target(%dma_start3A_774 : memref<128x768xf32, #tpu.memory_space<hbm>>) target_semaphore(%arg5 : memref<!tpu.dma_semaphore, #tpu.memory_space<semaphore_mem>>)
    %get3A_779 = arith.constant 11 : i32
    %get3A_780 = arith.index_cast %add3A_635 : i32 to index
    %get3A_781 = arith.index_cast %get3A_779 : i32 to index
    %get3A_782 = memref.load %arg4[%get3A_780, %get3A_781] : memref<8x16xi32, #tpu.memory_space<smem>>
    %dma_start3A_783 = arith.constant 11 : i32
    %dma_start3A_784 = arith.constant 0 : i32
    %dma_start3A_785 = arith.constant 0 : i32
    %dma_start3A_786 = tpu.memref_slice %arg3[%add3A_635, %dma_start3A_783, %dma_start3A_784, %dma_start3A_785] : memref<8x16x128x768xf32, #tpu.memory_space<hbm>> -> memref<1x1x128x768xf32, #tpu.memory_space<hbm>>
    %dma_start3A_787 = tpu.memref_squeeze %dma_start3A_786 : memref<1x1x128x768xf32, #tpu.memory_space<hbm>> -> memref<128x768xf32, #tpu.memory_space<hbm>>
    %dma_start3A_788 = arith.constant 0 : i32
    %dma_start3A_789 = arith.constant 0 : i32
    %dma_start3A_790 = tpu.memref_slice %arg1[%add3A_635, %get3A_782, %dma_start3A_788, %dma_start3A_789] : memref<8x64x128x768xf32, #tpu.memory_space<hbm>> -> memref<1x1x128x768xf32, #tpu.memory_space<hbm>>
    %dma_start3A_791 = tpu.memref_squeeze %dma_start3A_790 : memref<1x1x128x768xf32, #tpu.memory_space<hbm>> -> memref<128x768xf32, #tpu.memory_space<hbm>>
    tpu.enqueue_dma source(%dma_start3A_791 : memref<128x768xf32, #tpu.memory_space<hbm>>) target(%dma_start3A_787 : memref<128x768xf32, #tpu.memory_space<hbm>>) target_semaphore(%arg5 : memref<!tpu.dma_semaphore, #tpu.memory_space<semaphore_mem>>)
    %get3A_792 = arith.constant 12 : i32
    %get3A_793 = arith.index_cast %add3A_635 : i32 to index
    %get3A_794 = arith.index_cast %get3A_792 : i32 to index
    %get3A_795 = memref.load %arg4[%get3A_793, %get3A_794] : memref<8x16xi32, #tpu.memory_space<smem>>
    %dma_start3A_796 = arith.constant 12 : i32
    %dma_start3A_797 = arith.constant 0 : i32
    %dma_start3A_798 = arith.constant 0 : i32
    %dma_start3A_799 = tpu.memref_slice %arg3[%add3A_635, %dma_start3A_796, %dma_start3A_797, %dma_start3A_798] : memref<8x16x128x768xf32, #tpu.memory_space<hbm>> -> memref<1x1x128x768xf32, #tpu.memory_space<hbm>>
    %dma_start3A_800 = tpu.memref_squeeze %dma_start3A_799 : memref<1x1x128x768xf32, #tpu.memory_space<hbm>> -> memref<128x768xf32, #tpu.memory_space<hbm>>
    %dma_start3A_801 = arith.constant 0 : i32
    %dma_start3A_802 = arith.constant 0 : i32
    %dma_start3A_803 = tpu.memref_slice %arg1[%add3A_635, %get3A_795, %dma_start3A_801, %dma_start3A_802] : memref<8x64x128x768xf32, #tpu.memory_space<hbm>> -> memref<1x1x128x768xf32, #tpu.memory_space<hbm>>
    %dma_start3A_804 = tpu.memref_squeeze %dma_start3A_803 : memref<1x1x128x768xf32, #tpu.memory_space<hbm>> -> memref<128x768xf32, #tpu.memory_space<hbm>>
    tpu.enqueue_dma source(%dma_start3A_804 : memref<128x768xf32, #tpu.memory_space<hbm>>) target(%dma_start3A_800 : memref<128x768xf32, #tpu.memory_space<hbm>>) target_semaphore(%arg5 : memref<!tpu.dma_semaphore, #tpu.memory_space<semaphore_mem>>)
    %get3A_805 = arith.constant 13 : i32
    %get3A_806 = arith.index_cast %add3A_635 : i32 to index
    %get3A_807 = arith.index_cast %get3A_805 : i32 to index
    %get3A_808 = memref.load %arg4[%get3A_806, %get3A_807] : memref<8x16xi32, #tpu.memory_space<smem>>
    %dma_start3A_809 = arith.constant 13 : i32
    %dma_start3A_810 = arith.constant 0 : i32
    %dma_start3A_811 = arith.constant 0 : i32
    %dma_start3A_812 = tpu.memref_slice %arg3[%add3A_635, %dma_start3A_809, %dma_start3A_810, %dma_start3A_811] : memref<8x16x128x768xf32, #tpu.memory_space<hbm>> -> memref<1x1x128x768xf32, #tpu.memory_space<hbm>>
    %dma_start3A_813 = tpu.memref_squeeze %dma_start3A_812 : memref<1x1x128x768xf32, #tpu.memory_space<hbm>> -> memref<128x768xf32, #tpu.memory_space<hbm>>
    %dma_start3A_814 = arith.constant 0 : i32
    %dma_start3A_815 = arith.constant 0 : i32
    %dma_start3A_816 = tpu.memref_slice %arg1[%add3A_635, %get3A_808, %dma_start3A_814, %dma_start3A_815] : memref<8x64x128x768xf32, #tpu.memory_space<hbm>> -> memref<1x1x128x768xf32, #tpu.memory_space<hbm>>
    %dma_start3A_817 = tpu.memref_squeeze %dma_start3A_816 : memref<1x1x128x768xf32, #tpu.memory_space<hbm>> -> memref<128x768xf32, #tpu.memory_space<hbm>>
    tpu.enqueue_dma source(%dma_start3A_817 : memref<128x768xf32, #tpu.memory_space<hbm>>) target(%dma_start3A_813 : memref<128x768xf32, #tpu.memory_space<hbm>>) target_semaphore(%arg5 : memref<!tpu.dma_semaphore, #tpu.memory_space<semaphore_mem>>)
    %get3A_818 = arith.constant 14 : i32
    %get3A_819 = arith.index_cast %add3A_635 : i32 to index
    %get3A_820 = arith.index_cast %get3A_818 : i32 to index
    %get3A_821 = memref.load %arg4[%get3A_819, %get3A_820] : memref<8x16xi32, #tpu.memory_space<smem>>
    %dma_start3A_822 = arith.constant 14 : i32
    %dma_start3A_823 = arith.constant 0 : i32
    %dma_start3A_824 = arith.constant 0 : i32
    %dma_start3A_825 = tpu.memref_slice %arg3[%add3A_635, %dma_start3A_822, %dma_start3A_823, %dma_start3A_824] : memref<8x16x128x768xf32, #tpu.memory_space<hbm>> -> memref<1x1x128x768xf32, #tpu.memory_space<hbm>>
    %dma_start3A_826 = tpu.memref_squeeze %dma_start3A_825 : memref<1x1x128x768xf32, #tpu.memory_space<hbm>> -> memref<128x768xf32, #tpu.memory_space<hbm>>
    %dma_start3A_827 = arith.constant 0 : i32
    %dma_start3A_828 = arith.constant 0 : i32
    %dma_start3A_829 = tpu.memref_slice %arg1[%add3A_635, %get3A_821, %dma_start3A_827, %dma_start3A_828] : memref<8x64x128x768xf32, #tpu.memory_space<hbm>> -> memref<1x1x128x768xf32, #tpu.memory_space<hbm>>
    %dma_start3A_830 = tpu.memref_squeeze %dma_start3A_829 : memref<1x1x128x768xf32, #tpu.memory_space<hbm>> -> memref<128x768xf32, #tpu.memory_space<hbm>>
    tpu.enqueue_dma source(%dma_start3A_830 : memref<128x768xf32, #tpu.memory_space<hbm>>) target(%dma_start3A_826 : memref<128x768xf32, #tpu.memory_space<hbm>>) target_semaphore(%arg5 : memref<!tpu.dma_semaphore, #tpu.memory_space<semaphore_mem>>)
    %get3A_831 = arith.constant 15 : i32
    %get3A_832 = arith.index_cast %add3A_635 : i32 to index
    %get3A_833 = arith.index_cast %get3A_831 : i32 to index
    %get3A_834 = memref.load %arg4[%get3A_832, %get3A_833] : memref<8x16xi32, #tpu.memory_space<smem>>
    %dma_start3A_835 = arith.constant 15 : i32
    %dma_start3A_836 = arith.constant 0 : i32
    %dma_start3A_837 = arith.constant 0 : i32
    %dma_start3A_838 = tpu.memref_slice %arg3[%add3A_635, %dma_start3A_835, %dma_start3A_836, %dma_start3A_837] : memref<8x16x128x768xf32, #tpu.memory_space<hbm>> -> memref<1x1x128x768xf32, #tpu.memory_space<hbm>>
    %dma_start3A_839 = tpu.memref_squeeze %dma_start3A_838 : memref<1x1x128x768xf32, #tpu.memory_space<hbm>> -> memref<128x768xf32, #tpu.memory_space<hbm>>
    %dma_start3A_840 = arith.constant 0 : i32
    %dma_start3A_841 = arith.constant 0 : i32
    %dma_start3A_842 = tpu.memref_slice %arg1[%add3A_635, %get3A_834, %dma_start3A_840, %dma_start3A_841] : memref<8x64x128x768xf32, #tpu.memory_space<hbm>> -> memref<1x1x128x768xf32, #tpu.memory_space<hbm>>
    %dma_start3A_843 = tpu.memref_squeeze %dma_start3A_842 : memref<1x1x128x768xf32, #tpu.memory_space<hbm>> -> memref<128x768xf32, #tpu.memory_space<hbm>>
    tpu.enqueue_dma source(%dma_start3A_843 : memref<128x768xf32, #tpu.memory_space<hbm>>) target(%dma_start3A_839 : memref<128x768xf32, #tpu.memory_space<hbm>>) target_semaphore(%arg5 : memref<!tpu.dma_semaphore, #tpu.memory_space<semaphore_mem>>)
    %dma_wait3A = arith.constant 0 : i32
    %dma_wait3A_844 = arith.constant 0 : i32
    %dma_wait3A_845 = arith.constant 0 : i32
    %dma_wait3A_846 = tpu.memref_slice %arg3[%add3A_1, %dma_wait3A, %dma_wait3A_844, %dma_wait3A_845] : memref<8x16x128x768xf32, #tpu.memory_space<hbm>> -> memref<1x1x128x768xf32, #tpu.memory_space<hbm>>
    %dma_wait3A_847 = tpu.memref_squeeze %dma_wait3A_846 : memref<1x1x128x768xf32, #tpu.memory_space<hbm>> -> memref<128x768xf32, #tpu.memory_space<hbm>>
    %dma_wait3A_848 = arith.constant 0 : i32
    %dma_wait3A_849 = arith.constant 0 : i32
    %dma_wait3A_850 = tpu.memref_slice %arg1[%add3A_1, %get3A_4, %dma_wait3A_848, %dma_wait3A_849] : memref<8x64x128x768xf32, #tpu.memory_space<hbm>> -> memref<1x1x128x768xf32, #tpu.memory_space<hbm>>
    %dma_wait3A_851 = tpu.memref_squeeze %dma_wait3A_850 : memref<1x1x128x768xf32, #tpu.memory_space<hbm>> -> memref<128x768xf32, #tpu.memory_space<hbm>>
    tpu.wait_dma2 semaphore(%arg5 : memref<!tpu.dma_semaphore, #tpu.memory_space<semaphore_mem>>) src(%dma_wait3A_851 : memref<128x768xf32, #tpu.memory_space<hbm>>) dst(%dma_wait3A_847 : memref<128x768xf32, #tpu.memory_space<hbm>>)
    %dma_wait3A_852 = arith.constant 1 : i32
    %dma_wait3A_853 = arith.constant 0 : i32
    %dma_wait3A_854 = arith.constant 0 : i32
    %dma_wait3A_855 = tpu.memref_slice %arg3[%add3A_1, %dma_wait3A_852, %dma_wait3A_853, %dma_wait3A_854] : memref<8x16x128x768xf32, #tpu.memory_space<hbm>> -> memref<1x1x128x768xf32, #tpu.memory_space<hbm>>
    %dma_wait3A_856 = tpu.memref_squeeze %dma_wait3A_855 : memref<1x1x128x768xf32, #tpu.memory_space<hbm>> -> memref<128x768xf32, #tpu.memory_space<hbm>>
    %dma_wait3A_857 = arith.constant 0 : i32
    %dma_wait3A_858 = arith.constant 0 : i32
    %dma_wait3A_859 = tpu.memref_slice %arg1[%add3A_1, %get3A_16, %dma_wait3A_857, %dma_wait3A_858] : memref<8x64x128x768xf32, #tpu.memory_space<hbm>> -> memref<1x1x128x768xf32, #tpu.memory_space<hbm>>
    %dma_wait3A_860 = tpu.memref_squeeze %dma_wait3A_859 : memref<1x1x128x768xf32, #tpu.memory_space<hbm>> -> memref<128x768xf32, #tpu.memory_space<hbm>>
    tpu.wait_dma2 semaphore(%arg5 : memref<!tpu.dma_semaphore, #tpu.memory_space<semaphore_mem>>) src(%dma_wait3A_860 : memref<128x768xf32, #tpu.memory_space<hbm>>) dst(%dma_wait3A_856 : memref<128x768xf32, #tpu.memory_space<hbm>>)
    %dma_wait3A_861 = arith.constant 2 : i32
    %dma_wait3A_862 = arith.constant 0 : i32
    %dma_wait3A_863 = arith.constant 0 : i32
    %dma_wait3A_864 = tpu.memref_slice %arg3[%add3A_1, %dma_wait3A_861, %dma_wait3A_862, %dma_wait3A_863] : memref<8x16x128x768xf32, #tpu.memory_space<hbm>> -> memref<1x1x128x768xf32, #tpu.memory_space<hbm>>
    %dma_wait3A_865 = tpu.memref_squeeze %dma_wait3A_864 : memref<1x1x128x768xf32, #tpu.memory_space<hbm>> -> memref<128x768xf32, #tpu.memory_space<hbm>>
    %dma_wait3A_866 = arith.constant 0 : i32
    %dma_wait3A_867 = arith.constant 0 : i32
    %dma_wait3A_868 = tpu.memref_slice %arg1[%add3A_1, %get3A_29, %dma_wait3A_866, %dma_wait3A_867] : memref<8x64x128x768xf32, #tpu.memory_space<hbm>> -> memref<1x1x128x768xf32, #tpu.memory_space<hbm>>
    %dma_wait3A_869 = tpu.memref_squeeze %dma_wait3A_868 : memref<1x1x128x768xf32, #tpu.memory_space<hbm>> -> memref<128x768xf32, #tpu.memory_space<hbm>>
    tpu.wait_dma2 semaphore(%arg5 : memref<!tpu.dma_semaphore, #tpu.memory_space<semaphore_mem>>) src(%dma_wait3A_869 : memref<128x768xf32, #tpu.memory_space<hbm>>) dst(%dma_wait3A_865 : memref<128x768xf32, #tpu.memory_space<hbm>>)
    %dma_wait3A_870 = arith.constant 3 : i32
    %dma_wait3A_871 = arith.constant 0 : i32
    %dma_wait3A_872 = arith.constant 0 : i32
    %dma_wait3A_873 = tpu.memref_slice %arg3[%add3A_1, %dma_wait3A_870, %dma_wait3A_871, %dma_wait3A_872] : memref<8x16x128x768xf32, #tpu.memory_space<hbm>> -> memref<1x1x128x768xf32, #tpu.memory_space<hbm>>
    %dma_wait3A_874 = tpu.memref_squeeze %dma_wait3A_873 : memref<1x1x128x768xf32, #tpu.memory_space<hbm>> -> memref<128x768xf32, #tpu.memory_space<hbm>>
    %dma_wait3A_875 = arith.constant 0 : i32
    %dma_wait3A_876 = arith.constant 0 : i32
    %dma_wait3A_877 = tpu.memref_slice %arg1[%add3A_1, %get3A_42, %dma_wait3A_875, %dma_wait3A_876] : memref<8x64x128x768xf32, #tpu.memory_space<hbm>> -> memref<1x1x128x768xf32, #tpu.memory_space<hbm>>
    %dma_wait3A_878 = tpu.memref_squeeze %dma_wait3A_877 : memref<1x1x128x768xf32, #tpu.memory_space<hbm>> -> memref<128x768xf32, #tpu.memory_space<hbm>>
    tpu.wait_dma2 semaphore(%arg5 : memref<!tpu.dma_semaphore, #tpu.memory_space<semaphore_mem>>) src(%dma_wait3A_878 : memref<128x768xf32, #tpu.memory_space<hbm>>) dst(%dma_wait3A_874 : memref<128x768xf32, #tpu.memory_space<hbm>>)
    %dma_wait3A_879 = arith.constant 4 : i32
    %dma_wait3A_880 = arith.constant 0 : i32
    %dma_wait3A_881 = arith.constant 0 : i32
    %dma_wait3A_882 = tpu.memref_slice %arg3[%add3A_1, %dma_wait3A_879, %dma_wait3A_880, %dma_wait3A_881] : memref<8x16x128x768xf32, #tpu.memory_space<hbm>> -> memref<1x1x128x768xf32, #tpu.memory_space<hbm>>
    %dma_wait3A_883 = tpu.memref_squeeze %dma_wait3A_882 : memref<1x1x128x768xf32, #tpu.memory_space<hbm>> -> memref<128x768xf32, #tpu.memory_space<hbm>>
    %dma_wait3A_884 = arith.constant 0 : i32
    %dma_wait3A_885 = arith.constant 0 : i32
    %dma_wait3A_886 = tpu.memref_slice %arg1[%add3A_1, %get3A_55, %dma_wait3A_884, %dma_wait3A_885] : memref<8x64x128x768xf32, #tpu.memory_space<hbm>> -> memref<1x1x128x768xf32, #tpu.memory_space<hbm>>
    %dma_wait3A_887 = tpu.memref_squeeze %dma_wait3A_886 : memref<1x1x128x768xf32, #tpu.memory_space<hbm>> -> memref<128x768xf32, #tpu.memory_space<hbm>>
    tpu.wait_dma2 semaphore(%arg5 : memref<!tpu.dma_semaphore, #tpu.memory_space<semaphore_mem>>) src(%dma_wait3A_887 : memref<128x768xf32, #tpu.memory_space<hbm>>) dst(%dma_wait3A_883 : memref<128x768xf32, #tpu.memory_space<hbm>>)
    %dma_wait3A_888 = arith.constant 5 : i32
    %dma_wait3A_889 = arith.constant 0 : i32
    %dma_wait3A_890 = arith.constant 0 : i32
    %dma_wait3A_891 = tpu.memref_slice %arg3[%add3A_1, %dma_wait3A_888, %dma_wait3A_889, %dma_wait3A_890] : memref<8x16x128x768xf32, #tpu.memory_space<hbm>> -> memref<1x1x128x768xf32, #tpu.memory_space<hbm>>
    %dma_wait3A_892 = tpu.memref_squeeze %dma_wait3A_891 : memref<1x1x128x768xf32, #tpu.memory_space<hbm>> -> memref<128x768xf32, #tpu.memory_space<hbm>>
    %dma_wait3A_893 = arith.constant 0 : i32
    %dma_wait3A_894 = arith.constant 0 : i32
    %dma_wait3A_895 = tpu.memref_slice %arg1[%add3A_1, %get3A_68, %dma_wait3A_893, %dma_wait3A_894] : memref<8x64x128x768xf32, #tpu.memory_space<hbm>> -> memref<1x1x128x768xf32, #tpu.memory_space<hbm>>
    %dma_wait3A_896 = tpu.memref_squeeze %dma_wait3A_895 : memref<1x1x128x768xf32, #tpu.memory_space<hbm>> -> memref<128x768xf32, #tpu.memory_space<hbm>>
    tpu.wait_dma2 semaphore(%arg5 : memref<!tpu.dma_semaphore, #tpu.memory_space<semaphore_mem>>) src(%dma_wait3A_896 : memref<128x768xf32, #tpu.memory_space<hbm>>) dst(%dma_wait3A_892 : memref<128x768xf32, #tpu.memory_space<hbm>>)
    %dma_wait3A_897 = arith.constant 6 : i32
    %dma_wait3A_898 = arith.constant 0 : i32
    %dma_wait3A_899 = arith.constant 0 : i32
    %dma_wait3A_900 = tpu.memref_slice %arg3[%add3A_1, %dma_wait3A_897, %dma_wait3A_898, %dma_wait3A_899] : memref<8x16x128x768xf32, #tpu.memory_space<hbm>> -> memref<1x1x128x768xf32, #tpu.memory_space<hbm>>
    %dma_wait3A_901 = tpu.memref_squeeze %dma_wait3A_900 : memref<1x1x128x768xf32, #tpu.memory_space<hbm>> -> memref<128x768xf32, #tpu.memory_space<hbm>>
    %dma_wait3A_902 = arith.constant 0 : i32
    %dma_wait3A_903 = arith.constant 0 : i32
    %dma_wait3A_904 = tpu.memref_slice %arg1[%add3A_1, %get3A_81, %dma_wait3A_902, %dma_wait3A_903] : memref<8x64x128x768xf32, #tpu.memory_space<hbm>> -> memref<1x1x128x768xf32, #tpu.memory_space<hbm>>
    %dma_wait3A_905 = tpu.memref_squeeze %dma_wait3A_904 : memref<1x1x128x768xf32, #tpu.memory_space<hbm>> -> memref<128x768xf32, #tpu.memory_space<hbm>>
    tpu.wait_dma2 semaphore(%arg5 : memref<!tpu.dma_semaphore, #tpu.memory_space<semaphore_mem>>) src(%dma_wait3A_905 : memref<128x768xf32, #tpu.memory_space<hbm>>) dst(%dma_wait3A_901 : memref<128x768xf32, #tpu.memory_space<hbm>>)
    %dma_wait3A_906 = arith.constant 7 : i32
    %dma_wait3A_907 = arith.constant 0 : i32
    %dma_wait3A_908 = arith.constant 0 : i32
    %dma_wait3A_909 = tpu.memref_slice %arg3[%add3A_1, %dma_wait3A_906, %dma_wait3A_907, %dma_wait3A_908] : memref<8x16x128x768xf32, #tpu.memory_space<hbm>> -> memref<1x1x128x768xf32, #tpu.memory_space<hbm>>
    %dma_wait3A_910 = tpu.memref_squeeze %dma_wait3A_909 : memref<1x1x128x768xf32, #tpu.memory_space<hbm>> -> memref<128x768xf32, #tpu.memory_space<hbm>>
    %dma_wait3A_911 = arith.constant 0 : i32
    %dma_wait3A_912 = arith.constant 0 : i32
    %dma_wait3A_913 = tpu.memref_slice %arg1[%add3A_1, %get3A_94, %dma_wait3A_911, %dma_wait3A_912] : memref<8x64x128x768xf32, #tpu.memory_space<hbm>> -> memref<1x1x128x768xf32, #tpu.memory_space<hbm>>
    %dma_wait3A_914 = tpu.memref_squeeze %dma_wait3A_913 : memref<1x1x128x768xf32, #tpu.memory_space<hbm>> -> memref<128x768xf32, #tpu.memory_space<hbm>>
    tpu.wait_dma2 semaphore(%arg5 : memref<!tpu.dma_semaphore, #tpu.memory_space<semaphore_mem>>) src(%dma_wait3A_914 : memref<128x768xf32, #tpu.memory_space<hbm>>) dst(%dma_wait3A_910 : memref<128x768xf32, #tpu.memory_space<hbm>>)
    %dma_wait3A_915 = arith.constant 8 : i32
    %dma_wait3A_916 = arith.constant 0 : i32
    %dma_wait3A_917 = arith.constant 0 : i32
    %dma_wait3A_918 = tpu.memref_slice %arg3[%add3A_1, %dma_wait3A_915, %dma_wait3A_916, %dma_wait3A_917] : memref<8x16x128x768xf32, #tpu.memory_space<hbm>> -> memref<1x1x128x768xf32, #tpu.memory_space<hbm>>
    %dma_wait3A_919 = tpu.memref_squeeze %dma_wait3A_918 : memref<1x1x128x768xf32, #tpu.memory_space<hbm>> -> memref<128x768xf32, #tpu.memory_space<hbm>>
    %dma_wait3A_920 = arith.constant 0 : i32
    %dma_wait3A_921 = arith.constant 0 : i32
    %dma_wait3A_922 = tpu.memref_slice %arg1[%add3A_1, %get3A_107, %dma_wait3A_920, %dma_wait3A_921] : memref<8x64x128x768xf32, #tpu.memory_space<hbm>> -> memref<1x1x128x768xf32, #tpu.memory_space<hbm>>
    %dma_wait3A_923 = tpu.memref_squeeze %dma_wait3A_922 : memref<1x1x128x768xf32, #tpu.memory_space<hbm>> -> memref<128x768xf32, #tpu.memory_space<hbm>>
    tpu.wait_dma2 semaphore(%arg5 : memref<!tpu.dma_semaphore, #tpu.memory_space<semaphore_mem>>) src(%dma_wait3A_923 : memref<128x768xf32, #tpu.memory_space<hbm>>) dst(%dma_wait3A_919 : memref<128x768xf32, #tpu.memory_space<hbm>>)
    %dma_wait3A_924 = arith.constant 9 : i32
    %dma_wait3A_925 = arith.constant 0 : i32
    %dma_wait3A_926 = arith.constant 0 : i32
    %dma_wait3A_927 = tpu.memref_slice %arg3[%add3A_1, %dma_wait3A_924, %dma_wait3A_925, %dma_wait3A_926] : memref<8x16x128x768xf32, #tpu.memory_space<hbm>> -> memref<1x1x128x768xf32, #tpu.memory_space<hbm>>
    %dma_wait3A_928 = tpu.memref_squeeze %dma_wait3A_927 : memref<1x1x128x768xf32, #tpu.memory_space<hbm>> -> memref<128x768xf32, #tpu.memory_space<hbm>>
    %dma_wait3A_929 = arith.constant 0 : i32
    %dma_wait3A_930 = arith.constant 0 : i32
    %dma_wait3A_931 = tpu.memref_slice %arg1[%add3A_1, %get3A_120, %dma_wait3A_929, %dma_wait3A_930] : memref<8x64x128x768xf32, #tpu.memory_space<hbm>> -> memref<1x1x128x768xf32, #tpu.memory_space<hbm>>
    %dma_wait3A_932 = tpu.memref_squeeze %dma_wait3A_931 : memref<1x1x128x768xf32, #tpu.memory_space<hbm>> -> memref<128x768xf32, #tpu.memory_space<hbm>>
    tpu.wait_dma2 semaphore(%arg5 : memref<!tpu.dma_semaphore, #tpu.memory_space<semaphore_mem>>) src(%dma_wait3A_932 : memref<128x768xf32, #tpu.memory_space<hbm>>) dst(%dma_wait3A_928 : memref<128x768xf32, #tpu.memory_space<hbm>>)
    %dma_wait3A_933 = arith.constant 10 : i32
    %dma_wait3A_934 = arith.constant 0 : i32
    %dma_wait3A_935 = arith.constant 0 : i32
    %dma_wait3A_936 = tpu.memref_slice %arg3[%add3A_1, %dma_wait3A_933, %dma_wait3A_934, %dma_wait3A_935] : memref<8x16x128x768xf32, #tpu.memory_space<hbm>> -> memref<1x1x128x768xf32, #tpu.memory_space<hbm>>
    %dma_wait3A_937 = tpu.memref_squeeze %dma_wait3A_936 : memref<1x1x128x768xf32, #tpu.memory_space<hbm>> -> memref<128x768xf32, #tpu.memory_space<hbm>>
    %dma_wait3A_938 = arith.constant 0 : i32
    %dma_wait3A_939 = arith.constant 0 : i32
    %dma_wait3A_940 = tpu.memref_slice %arg1[%add3A_1, %get3A_133, %dma_wait3A_938, %dma_wait3A_939] : memref<8x64x128x768xf32, #tpu.memory_space<hbm>> -> memref<1x1x128x768xf32, #tpu.memory_space<hbm>>
    %dma_wait3A_941 = tpu.memref_squeeze %dma_wait3A_940 : memref<1x1x128x768xf32, #tpu.memory_space<hbm>> -> memref<128x768xf32, #tpu.memory_space<hbm>>
    tpu.wait_dma2 semaphore(%arg5 : memref<!tpu.dma_semaphore, #tpu.memory_space<semaphore_mem>>) src(%dma_wait3A_941 : memref<128x768xf32, #tpu.memory_space<hbm>>) dst(%dma_wait3A_937 : memref<128x768xf32, #tpu.memory_space<hbm>>)
    %dma_wait3A_942 = arith.constant 11 : i32
    %dma_wait3A_943 = arith.constant 0 : i32
    %dma_wait3A_944 = arith.constant 0 : i32
    %dma_wait3A_945 = tpu.memref_slice %arg3[%add3A_1, %dma_wait3A_942, %dma_wait3A_943, %dma_wait3A_944] : memref<8x16x128x768xf32, #tpu.memory_space<hbm>> -> memref<1x1x128x768xf32, #tpu.memory_space<hbm>>
    %dma_wait3A_946 = tpu.memref_squeeze %dma_wait3A_945 : memref<1x1x128x768xf32, #tpu.memory_space<hbm>> -> memref<128x768xf32, #tpu.memory_space<hbm>>
    %dma_wait3A_947 = arith.constant 0 : i32
    %dma_wait3A_948 = arith.constant 0 : i32
    %dma_wait3A_949 = tpu.memref_slice %arg1[%add3A_1, %get3A_146, %dma_wait3A_947, %dma_wait3A_948] : memref<8x64x128x768xf32, #tpu.memory_space<hbm>> -> memref<1x1x128x768xf32, #tpu.memory_space<hbm>>
    %dma_wait3A_950 = tpu.memref_squeeze %dma_wait3A_949 : memref<1x1x128x768xf32, #tpu.memory_space<hbm>> -> memref<128x768xf32, #tpu.memory_space<hbm>>
    tpu.wait_dma2 semaphore(%arg5 : memref<!tpu.dma_semaphore, #tpu.memory_space<semaphore_mem>>) src(%dma_wait3A_950 : memref<128x768xf32, #tpu.memory_space<hbm>>) dst(%dma_wait3A_946 : memref<128x768xf32, #tpu.memory_space<hbm>>)
    %dma_wait3A_951 = arith.constant 12 : i32
    %dma_wait3A_952 = arith.constant 0 : i32
    %dma_wait3A_953 = arith.constant 0 : i32
    %dma_wait3A_954 = tpu.memref_slice %arg3[%add3A_1, %dma_wait3A_951, %dma_wait3A_952, %dma_wait3A_953] : memref<8x16x128x768xf32, #tpu.memory_space<hbm>> -> memref<1x1x128x768xf32, #tpu.memory_space<hbm>>
    %dma_wait3A_955 = tpu.memref_squeeze %dma_wait3A_954 : memref<1x1x128x768xf32, #tpu.memory_space<hbm>> -> memref<128x768xf32, #tpu.memory_space<hbm>>
    %dma_wait3A_956 = arith.constant 0 : i32
    %dma_wait3A_957 = arith.constant 0 : i32
    %dma_wait3A_958 = tpu.memref_slice %arg1[%add3A_1, %get3A_159, %dma_wait3A_956, %dma_wait3A_957] : memref<8x64x128x768xf32, #tpu.memory_space<hbm>> -> memref<1x1x128x768xf32, #tpu.memory_space<hbm>>
    %dma_wait3A_959 = tpu.memref_squeeze %dma_wait3A_958 : memref<1x1x128x768xf32, #tpu.memory_space<hbm>> -> memref<128x768xf32, #tpu.memory_space<hbm>>
    tpu.wait_dma2 semaphore(%arg5 : memref<!tpu.dma_semaphore, #tpu.memory_space<semaphore_mem>>) src(%dma_wait3A_959 : memref<128x768xf32, #tpu.memory_space<hbm>>) dst(%dma_wait3A_955 : memref<128x768xf32, #tpu.memory_space<hbm>>)
    %dma_wait3A_960 = arith.constant 13 : i32
    %dma_wait3A_961 = arith.constant 0 : i32
    %dma_wait3A_962 = arith.constant 0 : i32
    %dma_wait3A_963 = tpu.memref_slice %arg3[%add3A_1, %dma_wait3A_960, %dma_wait3A_961, %dma_wait3A_962] : memref<8x16x128x768xf32, #tpu.memory_space<hbm>> -> memref<1x1x128x768xf32, #tpu.memory_space<hbm>>
    %dma_wait3A_964 = tpu.memref_squeeze %dma_wait3A_963 : memref<1x1x128x768xf32, #tpu.memory_space<hbm>> -> memref<128x768xf32, #tpu.memory_space<hbm>>
    %dma_wait3A_965 = arith.constant 0 : i32
    %dma_wait3A_966 = arith.constant 0 : i32
    %dma_wait3A_967 = tpu.memref_slice %arg1[%add3A_1, %get3A_172, %dma_wait3A_965, %dma_wait3A_966] : memref<8x64x128x768xf32, #tpu.memory_space<hbm>> -> memref<1x1x128x768xf32, #tpu.memory_space<hbm>>
    %dma_wait3A_968 = tpu.memref_squeeze %dma_wait3A_967 : memref<1x1x128x768xf32, #tpu.memory_space<hbm>> -> memref<128x768xf32, #tpu.memory_space<hbm>>
    tpu.wait_dma2 semaphore(%arg5 : memref<!tpu.dma_semaphore, #tpu.memory_space<semaphore_mem>>) src(%dma_wait3A_968 : memref<128x768xf32, #tpu.memory_space<hbm>>) dst(%dma_wait3A_964 : memref<128x768xf32, #tpu.memory_space<hbm>>)
    %dma_wait3A_969 = arith.constant 14 : i32
    %dma_wait3A_970 = arith.constant 0 : i32
    %dma_wait3A_971 = arith.constant 0 : i32
    %dma_wait3A_972 = tpu.memref_slice %arg3[%add3A_1, %dma_wait3A_969, %dma_wait3A_970, %dma_wait3A_971] : memref<8x16x128x768xf32, #tpu.memory_space<hbm>> -> memref<1x1x128x768xf32, #tpu.memory_space<hbm>>
    %dma_wait3A_973 = tpu.memref_squeeze %dma_wait3A_972 : memref<1x1x128x768xf32, #tpu.memory_space<hbm>> -> memref<128x768xf32, #tpu.memory_space<hbm>>
    %dma_wait3A_974 = arith.constant 0 : i32
    %dma_wait3A_975 = arith.constant 0 : i32
    %dma_wait3A_976 = tpu.memref_slice %arg1[%add3A_1, %get3A_185, %dma_wait3A_974, %dma_wait3A_975] : memref<8x64x128x768xf32, #tpu.memory_space<hbm>> -> memref<1x1x128x768xf32, #tpu.memory_space<hbm>>
    %dma_wait3A_977 = tpu.memref_squeeze %dma_wait3A_976 : memref<1x1x128x768xf32, #tpu.memory_space<hbm>> -> memref<128x768xf32, #tpu.memory_space<hbm>>
    tpu.wait_dma2 semaphore(%arg5 : memref<!tpu.dma_semaphore, #tpu.memory_space<semaphore_mem>>) src(%dma_wait3A_977 : memref<128x768xf32, #tpu.memory_space<hbm>>) dst(%dma_wait3A_973 : memref<128x768xf32, #tpu.memory_space<hbm>>)
    %dma_wait3A_978 = arith.constant 15 : i32
    %dma_wait3A_979 = arith.constant 0 : i32
    %dma_wait3A_980 = arith.constant 0 : i32
    %dma_wait3A_981 = tpu.memref_slice %arg3[%add3A_1, %dma_wait3A_978, %dma_wait3A_979, %dma_wait3A_980] : memref<8x16x128x768xf32, #tpu.memory_space<hbm>> -> memref<1x1x128x768xf32, #tpu.memory_space<hbm>>
    %dma_wait3A_982 = tpu.memref_squeeze %dma_wait3A_981 : memref<1x1x128x768xf32, #tpu.memory_space<hbm>> -> memref<128x768xf32, #tpu.memory_space<hbm>>
    %dma_wait3A_983 = arith.constant 0 : i32
    %dma_wait3A_984 = arith.constant 0 : i32
    %dma_wait3A_985 = tpu.memref_slice %arg1[%add3A_1, %get3A_198, %dma_wait3A_983, %dma_wait3A_984] : memref<8x64x128x768xf32, #tpu.memory_space<hbm>> -> memref<1x1x128x768xf32, #tpu.memory_space<hbm>>
    %dma_wait3A_986 = tpu.memref_squeeze %dma_wait3A_985 : memref<1x1x128x768xf32, #tpu.memory_space<hbm>> -> memref<128x768xf32, #tpu.memory_space<hbm>>
    tpu.wait_dma2 semaphore(%arg5 : memref<!tpu.dma_semaphore, #tpu.memory_space<semaphore_mem>>) src(%dma_wait3A_986 : memref<128x768xf32, #tpu.memory_space<hbm>>) dst(%dma_wait3A_982 : memref<128x768xf32, #tpu.memory_space<hbm>>)
    %dma_wait3A_987 = arith.constant 0 : i32
    %dma_wait3A_988 = arith.constant 0 : i32
    %dma_wait3A_989 = arith.constant 0 : i32
    %dma_wait3A_990 = tpu.memref_slice %arg3[%add3A_211, %dma_wait3A_987, %dma_wait3A_988, %dma_wait3A_989] : memref<8x16x128x768xf32, #tpu.memory_space<hbm>> -> memref<1x1x128x768xf32, #tpu.memory_space<hbm>>
    %dma_wait3A_991 = tpu.memref_squeeze %dma_wait3A_990 : memref<1x1x128x768xf32, #tpu.memory_space<hbm>> -> memref<128x768xf32, #tpu.memory_space<hbm>>
    %dma_wait3A_992 = arith.constant 0 : i32
    %dma_wait3A_993 = arith.constant 0 : i32
    %dma_wait3A_994 = tpu.memref_slice %arg1[%add3A_211, %get3A_215, %dma_wait3A_992, %dma_wait3A_993] : memref<8x64x128x768xf32, #tpu.memory_space<hbm>> -> memref<1x1x128x768xf32, #tpu.memory_space<hbm>>
    %dma_wait3A_995 = tpu.memref_squeeze %dma_wait3A_994 : memref<1x1x128x768xf32, #tpu.memory_space<hbm>> -> memref<128x768xf32, #tpu.memory_space<hbm>>
    tpu.wait_dma2 semaphore(%arg5 : memref<!tpu.dma_semaphore, #tpu.memory_space<semaphore_mem>>) src(%dma_wait3A_995 : memref<128x768xf32, #tpu.memory_space<hbm>>) dst(%dma_wait3A_991 : memref<128x768xf32, #tpu.memory_space<hbm>>)
    %dma_wait3A_996 = arith.constant 1 : i32
    %dma_wait3A_997 = arith.constant 0 : i32
    %dma_wait3A_998 = arith.constant 0 : i32
    %dma_wait3A_999 = tpu.memref_slice %arg3[%add3A_211, %dma_wait3A_996, %dma_wait3A_997, %dma_wait3A_998] : memref<8x16x128x768xf32, #tpu.memory_space<hbm>> -> memref<1x1x128x768xf32, #tpu.memory_space<hbm>>
    %dma_wait3A_1000 = tpu.memref_squeeze %dma_wait3A_999 : memref<1x1x128x768xf32, #tpu.memory_space<hbm>> -> memref<128x768xf32, #tpu.memory_space<hbm>>
    %dma_wait3A_1001 = arith.constant 0 : i32
    %dma_wait3A_1002 = arith.constant 0 : i32
    %dma_wait3A_1003 = tpu.memref_slice %arg1[%add3A_211, %get3A_228, %dma_wait3A_1001, %dma_wait3A_1002] : memref<8x64x128x768xf32, #tpu.memory_space<hbm>> -> memref<1x1x128x768xf32, #tpu.memory_space<hbm>>
    %dma_wait3A_1004 = tpu.memref_squeeze %dma_wait3A_1003 : memref<1x1x128x768xf32, #tpu.memory_space<hbm>> -> memref<128x768xf32, #tpu.memory_space<hbm>>
    tpu.wait_dma2 semaphore(%arg5 : memref<!tpu.dma_semaphore, #tpu.memory_space<semaphore_mem>>) src(%dma_wait3A_1004 : memref<128x768xf32, #tpu.memory_space<hbm>>) dst(%dma_wait3A_1000 : memref<128x768xf32, #tpu.memory_space<hbm>>)
    %dma_wait3A_1005 = arith.constant 2 : i32
    %dma_wait3A_1006 = arith.constant 0 : i32
    %dma_wait3A_1007 = arith.constant 0 : i32
    %dma_wait3A_1008 = tpu.memref_slice %arg3[%add3A_211, %dma_wait3A_1005, %dma_wait3A_1006, %dma_wait3A_1007] : memref<8x16x128x768xf32, #tpu.memory_space<hbm>> -> memref<1x1x128x768xf32, #tpu.memory_space<hbm>>
    %dma_wait3A_1009 = tpu.memref_squeeze %dma_wait3A_1008 : memref<1x1x128x768xf32, #tpu.memory_space<hbm>> -> memref<128x768xf32, #tpu.memory_space<hbm>>
    %dma_wait3A_1010 = arith.constant 0 : i32
    %dma_wait3A_1011 = arith.constant 0 : i32
    %dma_wait3A_1012 = tpu.memref_slice %arg1[%add3A_211, %get3A_241, %dma_wait3A_1010, %dma_wait3A_1011] : memref<8x64x128x768xf32, #tpu.memory_space<hbm>> -> memref<1x1x128x768xf32, #tpu.memory_space<hbm>>
    %dma_wait3A_1013 = tpu.memref_squeeze %dma_wait3A_1012 : memref<1x1x128x768xf32, #tpu.memory_space<hbm>> -> memref<128x768xf32, #tpu.memory_space<hbm>>
    tpu.wait_dma2 semaphore(%arg5 : memref<!tpu.dma_semaphore, #tpu.memory_space<semaphore_mem>>) src(%dma_wait3A_1013 : memref<128x768xf32, #tpu.memory_space<hbm>>) dst(%dma_wait3A_1009 : memref<128x768xf32, #tpu.memory_space<hbm>>)
    %dma_wait3A_1014 = arith.constant 3 : i32
    %dma_wait3A_1015 = arith.constant 0 : i32
    %dma_wait3A_1016 = arith.constant 0 : i32
    %dma_wait3A_1017 = tpu.memref_slice %arg3[%add3A_211, %dma_wait3A_1014, %dma_wait3A_1015, %dma_wait3A_1016] : memref<8x16x128x768xf32, #tpu.memory_space<hbm>> -> memref<1x1x128x768xf32, #tpu.memory_space<hbm>>
    %dma_wait3A_1018 = tpu.memref_squeeze %dma_wait3A_1017 : memref<1x1x128x768xf32, #tpu.memory_space<hbm>> -> memref<128x768xf32, #tpu.memory_space<hbm>>
    %dma_wait3A_1019 = arith.constant 0 : i32
    %dma_wait3A_1020 = arith.constant 0 : i32
    %dma_wait3A_1021 = tpu.memref_slice %arg1[%add3A_211, %get3A_254, %dma_wait3A_1019, %dma_wait3A_1020] : memref<8x64x128x768xf32, #tpu.memory_space<hbm>> -> memref<1x1x128x768xf32, #tpu.memory_space<hbm>>
    %dma_wait3A_1022 = tpu.memref_squeeze %dma_wait3A_1021 : memref<1x1x128x768xf32, #tpu.memory_space<hbm>> -> memref<128x768xf32, #tpu.memory_space<hbm>>
    tpu.wait_dma2 semaphore(%arg5 : memref<!tpu.dma_semaphore, #tpu.memory_space<semaphore_mem>>) src(%dma_wait3A_1022 : memref<128x768xf32, #tpu.memory_space<hbm>>) dst(%dma_wait3A_1018 : memref<128x768xf32, #tpu.memory_space<hbm>>)
    %dma_wait3A_1023 = arith.constant 4 : i32
    %dma_wait3A_1024 = arith.constant 0 : i32
    %dma_wait3A_1025 = arith.constant 0 : i32
    %dma_wait3A_1026 = tpu.memref_slice %arg3[%add3A_211, %dma_wait3A_1023, %dma_wait3A_1024, %dma_wait3A_1025] : memref<8x16x128x768xf32, #tpu.memory_space<hbm>> -> memref<1x1x128x768xf32, #tpu.memory_space<hbm>>
    %dma_wait3A_1027 = tpu.memref_squeeze %dma_wait3A_1026 : memref<1x1x128x768xf32, #tpu.memory_space<hbm>> -> memref<128x768xf32, #tpu.memory_space<hbm>>
    %dma_wait3A_1028 = arith.constant 0 : i32
    %dma_wait3A_1029 = arith.constant 0 : i32
    %dma_wait3A_1030 = tpu.memref_slice %arg1[%add3A_211, %get3A_267, %dma_wait3A_1028, %dma_wait3A_1029] : memref<8x64x128x768xf32, #tpu.memory_space<hbm>> -> memref<1x1x128x768xf32, #tpu.memory_space<hbm>>
    %dma_wait3A_1031 = tpu.memref_squeeze %dma_wait3A_1030 : memref<1x1x128x768xf32, #tpu.memory_space<hbm>> -> memref<128x768xf32, #tpu.memory_space<hbm>>
    tpu.wait_dma2 semaphore(%arg5 : memref<!tpu.dma_semaphore, #tpu.memory_space<semaphore_mem>>) src(%dma_wait3A_1031 : memref<128x768xf32, #tpu.memory_space<hbm>>) dst(%dma_wait3A_1027 : memref<128x768xf32, #tpu.memory_space<hbm>>)
    %dma_wait3A_1032 = arith.constant 5 : i32
    %dma_wait3A_1033 = arith.constant 0 : i32
    %dma_wait3A_1034 = arith.constant 0 : i32
    %dma_wait3A_1035 = tpu.memref_slice %arg3[%add3A_211, %dma_wait3A_1032, %dma_wait3A_1033, %dma_wait3A_1034] : memref<8x16x128x768xf32, #tpu.memory_space<hbm>> -> memref<1x1x128x768xf32, #tpu.memory_space<hbm>>
    %dma_wait3A_1036 = tpu.memref_squeeze %dma_wait3A_1035 : memref<1x1x128x768xf32, #tpu.memory_space<hbm>> -> memref<128x768xf32, #tpu.memory_space<hbm>>
    %dma_wait3A_1037 = arith.constant 0 : i32
    %dma_wait3A_1038 = arith.constant 0 : i32
    %dma_wait3A_1039 = tpu.memref_slice %arg1[%add3A_211, %get3A_280, %dma_wait3A_1037, %dma_wait3A_1038] : memref<8x64x128x768xf32, #tpu.memory_space<hbm>> -> memref<1x1x128x768xf32, #tpu.memory_space<hbm>>
    %dma_wait3A_1040 = tpu.memref_squeeze %dma_wait3A_1039 : memref<1x1x128x768xf32, #tpu.memory_space<hbm>> -> memref<128x768xf32, #tpu.memory_space<hbm>>
    tpu.wait_dma2 semaphore(%arg5 : memref<!tpu.dma_semaphore, #tpu.memory_space<semaphore_mem>>) src(%dma_wait3A_1040 : memref<128x768xf32, #tpu.memory_space<hbm>>) dst(%dma_wait3A_1036 : memref<128x768xf32, #tpu.memory_space<hbm>>)
    %dma_wait3A_1041 = arith.constant 6 : i32
    %dma_wait3A_1042 = arith.constant 0 : i32
    %dma_wait3A_1043 = arith.constant 0 : i32
    %dma_wait3A_1044 = tpu.memref_slice %arg3[%add3A_211, %dma_wait3A_1041, %dma_wait3A_1042, %dma_wait3A_1043] : memref<8x16x128x768xf32, #tpu.memory_space<hbm>> -> memref<1x1x128x768xf32, #tpu.memory_space<hbm>>
    %dma_wait3A_1045 = tpu.memref_squeeze %dma_wait3A_1044 : memref<1x1x128x768xf32, #tpu.memory_space<hbm>> -> memref<128x768xf32, #tpu.memory_space<hbm>>
    %dma_wait3A_1046 = arith.constant 0 : i32
    %dma_wait3A_1047 = arith.constant 0 : i32
    %dma_wait3A_1048 = tpu.memref_slice %arg1[%add3A_211, %get3A_293, %dma_wait3A_1046, %dma_wait3A_1047] : memref<8x64x128x768xf32, #tpu.memory_space<hbm>> -> memref<1x1x128x768xf32, #tpu.memory_space<hbm>>
    %dma_wait3A_1049 = tpu.memref_squeeze %dma_wait3A_1048 : memref<1x1x128x768xf32, #tpu.memory_space<hbm>> -> memref<128x768xf32, #tpu.memory_space<hbm>>
    tpu.wait_dma2 semaphore(%arg5 : memref<!tpu.dma_semaphore, #tpu.memory_space<semaphore_mem>>) src(%dma_wait3A_1049 : memref<128x768xf32, #tpu.memory_space<hbm>>) dst(%dma_wait3A_1045 : memref<128x768xf32, #tpu.memory_space<hbm>>)
    %dma_wait3A_1050 = arith.constant 7 : i32
    %dma_wait3A_1051 = arith.constant 0 : i32
    %dma_wait3A_1052 = arith.constant 0 : i32
    %dma_wait3A_1053 = tpu.memref_slice %arg3[%add3A_211, %dma_wait3A_1050, %dma_wait3A_1051, %dma_wait3A_1052] : memref<8x16x128x768xf32, #tpu.memory_space<hbm>> -> memref<1x1x128x768xf32, #tpu.memory_space<hbm>>
    %dma_wait3A_1054 = tpu.memref_squeeze %dma_wait3A_1053 : memref<1x1x128x768xf32, #tpu.memory_space<hbm>> -> memref<128x768xf32, #tpu.memory_space<hbm>>
    %dma_wait3A_1055 = arith.constant 0 : i32
    %dma_wait3A_1056 = arith.constant 0 : i32
    %dma_wait3A_1057 = tpu.memref_slice %arg1[%add3A_211, %get3A_306, %dma_wait3A_1055, %dma_wait3A_1056] : memref<8x64x128x768xf32, #tpu.memory_space<hbm>> -> memref<1x1x128x768xf32, #tpu.memory_space<hbm>>
    %dma_wait3A_1058 = tpu.memref_squeeze %dma_wait3A_1057 : memref<1x1x128x768xf32, #tpu.memory_space<hbm>> -> memref<128x768xf32, #tpu.memory_space<hbm>>
    tpu.wait_dma2 semaphore(%arg5 : memref<!tpu.dma_semaphore, #tpu.memory_space<semaphore_mem>>) src(%dma_wait3A_1058 : memref<128x768xf32, #tpu.memory_space<hbm>>) dst(%dma_wait3A_1054 : memref<128x768xf32, #tpu.memory_space<hbm>>)
    %dma_wait3A_1059 = arith.constant 8 : i32
    %dma_wait3A_1060 = arith.constant 0 : i32
    %dma_wait3A_1061 = arith.constant 0 : i32
    %dma_wait3A_1062 = tpu.memref_slice %arg3[%add3A_211, %dma_wait3A_1059, %dma_wait3A_1060, %dma_wait3A_1061] : memref<8x16x128x768xf32, #tpu.memory_space<hbm>> -> memref<1x1x128x768xf32, #tpu.memory_space<hbm>>
    %dma_wait3A_1063 = tpu.memref_squeeze %dma_wait3A_1062 : memref<1x1x128x768xf32, #tpu.memory_space<hbm>> -> memref<128x768xf32, #tpu.memory_space<hbm>>
    %dma_wait3A_1064 = arith.constant 0 : i32
    %dma_wait3A_1065 = arith.constant 0 : i32
    %dma_wait3A_1066 = tpu.memref_slice %arg1[%add3A_211, %get3A_319, %dma_wait3A_1064, %dma_wait3A_1065] : memref<8x64x128x768xf32, #tpu.memory_space<hbm>> -> memref<1x1x128x768xf32, #tpu.memory_space<hbm>>
    %dma_wait3A_1067 = tpu.memref_squeeze %dma_wait3A_1066 : memref<1x1x128x768xf32, #tpu.memory_space<hbm>> -> memref<128x768xf32, #tpu.memory_space<hbm>>
    tpu.wait_dma2 semaphore(%arg5 : memref<!tpu.dma_semaphore, #tpu.memory_space<semaphore_mem>>) src(%dma_wait3A_1067 : memref<128x768xf32, #tpu.memory_space<hbm>>) dst(%dma_wait3A_1063 : memref<128x768xf32, #tpu.memory_space<hbm>>)
    %dma_wait3A_1068 = arith.constant 9 : i32
    %dma_wait3A_1069 = arith.constant 0 : i32
    %dma_wait3A_1070 = arith.constant 0 : i32
    %dma_wait3A_1071 = tpu.memref_slice %arg3[%add3A_211, %dma_wait3A_1068, %dma_wait3A_1069, %dma_wait3A_1070] : memref<8x16x128x768xf32, #tpu.memory_space<hbm>> -> memref<1x1x128x768xf32, #tpu.memory_space<hbm>>
    %dma_wait3A_1072 = tpu.memref_squeeze %dma_wait3A_1071 : memref<1x1x128x768xf32, #tpu.memory_space<hbm>> -> memref<128x768xf32, #tpu.memory_space<hbm>>
    %dma_wait3A_1073 = arith.constant 0 : i32
    %dma_wait3A_1074 = arith.constant 0 : i32
    %dma_wait3A_1075 = tpu.memref_slice %arg1[%add3A_211, %get3A_332, %dma_wait3A_1073, %dma_wait3A_1074] : memref<8x64x128x768xf32, #tpu.memory_space<hbm>> -> memref<1x1x128x768xf32, #tpu.memory_space<hbm>>
    %dma_wait3A_1076 = tpu.memref_squeeze %dma_wait3A_1075 : memref<1x1x128x768xf32, #tpu.memory_space<hbm>> -> memref<128x768xf32, #tpu.memory_space<hbm>>
    tpu.wait_dma2 semaphore(%arg5 : memref<!tpu.dma_semaphore, #tpu.memory_space<semaphore_mem>>) src(%dma_wait3A_1076 : memref<128x768xf32, #tpu.memory_space<hbm>>) dst(%dma_wait3A_1072 : memref<128x768xf32, #tpu.memory_space<hbm>>)
    %dma_wait3A_1077 = arith.constant 10 : i32
    %dma_wait3A_1078 = arith.constant 0 : i32
    %dma_wait3A_1079 = arith.constant 0 : i32
    %dma_wait3A_1080 = tpu.memref_slice %arg3[%add3A_211, %dma_wait3A_1077, %dma_wait3A_1078, %dma_wait3A_1079] : memref<8x16x128x768xf32, #tpu.memory_space<hbm>> -> memref<1x1x128x768xf32, #tpu.memory_space<hbm>>
    %dma_wait3A_1081 = tpu.memref_squeeze %dma_wait3A_1080 : memref<1x1x128x768xf32, #tpu.memory_space<hbm>> -> memref<128x768xf32, #tpu.memory_space<hbm>>
    %dma_wait3A_1082 = arith.constant 0 : i32
    %dma_wait3A_1083 = arith.constant 0 : i32
    %dma_wait3A_1084 = tpu.memref_slice %arg1[%add3A_211, %get3A_345, %dma_wait3A_1082, %dma_wait3A_1083] : memref<8x64x128x768xf32, #tpu.memory_space<hbm>> -> memref<1x1x128x768xf32, #tpu.memory_space<hbm>>
    %dma_wait3A_1085 = tpu.memref_squeeze %dma_wait3A_1084 : memref<1x1x128x768xf32, #tpu.memory_space<hbm>> -> memref<128x768xf32, #tpu.memory_space<hbm>>
    tpu.wait_dma2 semaphore(%arg5 : memref<!tpu.dma_semaphore, #tpu.memory_space<semaphore_mem>>) src(%dma_wait3A_1085 : memref<128x768xf32, #tpu.memory_space<hbm>>) dst(%dma_wait3A_1081 : memref<128x768xf32, #tpu.memory_space<hbm>>)
    %dma_wait3A_1086 = arith.constant 11 : i32
    %dma_wait3A_1087 = arith.constant 0 : i32
    %dma_wait3A_1088 = arith.constant 0 : i32
    %dma_wait3A_1089 = tpu.memref_slice %arg3[%add3A_211, %dma_wait3A_1086, %dma_wait3A_1087, %dma_wait3A_1088] : memref<8x16x128x768xf32, #tpu.memory_space<hbm>> -> memref<1x1x128x768xf32, #tpu.memory_space<hbm>>
    %dma_wait3A_1090 = tpu.memref_squeeze %dma_wait3A_1089 : memref<1x1x128x768xf32, #tpu.memory_space<hbm>> -> memref<128x768xf32, #tpu.memory_space<hbm>>
    %dma_wait3A_1091 = arith.constant 0 : i32
    %dma_wait3A_1092 = arith.constant 0 : i32
    %dma_wait3A_1093 = tpu.memref_slice %arg1[%add3A_211, %get3A_358, %dma_wait3A_1091, %dma_wait3A_1092] : memref<8x64x128x768xf32, #tpu.memory_space<hbm>> -> memref<1x1x128x768xf32, #tpu.memory_space<hbm>>
    %dma_wait3A_1094 = tpu.memref_squeeze %dma_wait3A_1093 : memref<1x1x128x768xf32, #tpu.memory_space<hbm>> -> memref<128x768xf32, #tpu.memory_space<hbm>>
    tpu.wait_dma2 semaphore(%arg5 : memref<!tpu.dma_semaphore, #tpu.memory_space<semaphore_mem>>) src(%dma_wait3A_1094 : memref<128x768xf32, #tpu.memory_space<hbm>>) dst(%dma_wait3A_1090 : memref<128x768xf32, #tpu.memory_space<hbm>>)
    %dma_wait3A_1095 = arith.constant 12 : i32
    %dma_wait3A_1096 = arith.constant 0 : i32
    %dma_wait3A_1097 = arith.constant 0 : i32
    %dma_wait3A_1098 = tpu.memref_slice %arg3[%add3A_211, %dma_wait3A_1095, %dma_wait3A_1096, %dma_wait3A_1097] : memref<8x16x128x768xf32, #tpu.memory_space<hbm>> -> memref<1x1x128x768xf32, #tpu.memory_space<hbm>>
    %dma_wait3A_1099 = tpu.memref_squeeze %dma_wait3A_1098 : memref<1x1x128x768xf32, #tpu.memory_space<hbm>> -> memref<128x768xf32, #tpu.memory_space<hbm>>
    %dma_wait3A_1100 = arith.constant 0 : i32
    %dma_wait3A_1101 = arith.constant 0 : i32
    %dma_wait3A_1102 = tpu.memref_slice %arg1[%add3A_211, %get3A_371, %dma_wait3A_1100, %dma_wait3A_1101] : memref<8x64x128x768xf32, #tpu.memory_space<hbm>> -> memref<1x1x128x768xf32, #tpu.memory_space<hbm>>
    %dma_wait3A_1103 = tpu.memref_squeeze %dma_wait3A_1102 : memref<1x1x128x768xf32, #tpu.memory_space<hbm>> -> memref<128x768xf32, #tpu.memory_space<hbm>>
    tpu.wait_dma2 semaphore(%arg5 : memref<!tpu.dma_semaphore, #tpu.memory_space<semaphore_mem>>) src(%dma_wait3A_1103 : memref<128x768xf32, #tpu.memory_space<hbm>>) dst(%dma_wait3A_1099 : memref<128x768xf32, #tpu.memory_space<hbm>>)
    %dma_wait3A_1104 = arith.constant 13 : i32
    %dma_wait3A_1105 = arith.constant 0 : i32
    %dma_wait3A_1106 = arith.constant 0 : i32
    %dma_wait3A_1107 = tpu.memref_slice %arg3[%add3A_211, %dma_wait3A_1104, %dma_wait3A_1105, %dma_wait3A_1106] : memref<8x16x128x768xf32, #tpu.memory_space<hbm>> -> memref<1x1x128x768xf32, #tpu.memory_space<hbm>>
    %dma_wait3A_1108 = tpu.memref_squeeze %dma_wait3A_1107 : memref<1x1x128x768xf32, #tpu.memory_space<hbm>> -> memref<128x768xf32, #tpu.memory_space<hbm>>
    %dma_wait3A_1109 = arith.constant 0 : i32
    %dma_wait3A_1110 = arith.constant 0 : i32
    %dma_wait3A_1111 = tpu.memref_slice %arg1[%add3A_211, %get3A_384, %dma_wait3A_1109, %dma_wait3A_1110] : memref<8x64x128x768xf32, #tpu.memory_space<hbm>> -> memref<1x1x128x768xf32, #tpu.memory_space<hbm>>
    %dma_wait3A_1112 = tpu.memref_squeeze %dma_wait3A_1111 : memref<1x1x128x768xf32, #tpu.memory_space<hbm>> -> memref<128x768xf32, #tpu.memory_space<hbm>>
    tpu.wait_dma2 semaphore(%arg5 : memref<!tpu.dma_semaphore, #tpu.memory_space<semaphore_mem>>) src(%dma_wait3A_1112 : memref<128x768xf32, #tpu.memory_space<hbm>>) dst(%dma_wait3A_1108 : memref<128x768xf32, #tpu.memory_space<hbm>>)
    %dma_wait3A_1113 = arith.constant 14 : i32
    %dma_wait3A_1114 = arith.constant 0 : i32
    %dma_wait3A_1115 = arith.constant 0 : i32
    %dma_wait3A_1116 = tpu.memref_slice %arg3[%add3A_211, %dma_wait3A_1113, %dma_wait3A_1114, %dma_wait3A_1115] : memref<8x16x128x768xf32, #tpu.memory_space<hbm>> -> memref<1x1x128x768xf32, #tpu.memory_space<hbm>>
    %dma_wait3A_1117 = tpu.memref_squeeze %dma_wait3A_1116 : memref<1x1x128x768xf32, #tpu.memory_space<hbm>> -> memref<128x768xf32, #tpu.memory_space<hbm>>
    %dma_wait3A_1118 = arith.constant 0 : i32
    %dma_wait3A_1119 = arith.constant 0 : i32
    %dma_wait3A_1120 = tpu.memref_slice %arg1[%add3A_211, %get3A_397, %dma_wait3A_1118, %dma_wait3A_1119] : memref<8x64x128x768xf32, #tpu.memory_space<hbm>> -> memref<1x1x128x768xf32, #tpu.memory_space<hbm>>
    %dma_wait3A_1121 = tpu.memref_squeeze %dma_wait3A_1120 : memref<1x1x128x768xf32, #tpu.memory_space<hbm>> -> memref<128x768xf32, #tpu.memory_space<hbm>>
    tpu.wait_dma2 semaphore(%arg5 : memref<!tpu.dma_semaphore, #tpu.memory_space<semaphore_mem>>) src(%dma_wait3A_1121 : memref<128x768xf32, #tpu.memory_space<hbm>>) dst(%dma_wait3A_1117 : memref<128x768xf32, #tpu.memory_space<hbm>>)
    %dma_wait3A_1122 = arith.constant 15 : i32
    %dma_wait3A_1123 = arith.constant 0 : i32
    %dma_wait3A_1124 = arith.constant 0 : i32
    %dma_wait3A_1125 = tpu.memref_slice %arg3[%add3A_211, %dma_wait3A_1122, %dma_wait3A_1123, %dma_wait3A_1124] : memref<8x16x128x768xf32, #tpu.memory_space<hbm>> -> memref<1x1x128x768xf32, #tpu.memory_space<hbm>>
    %dma_wait3A_1126 = tpu.memref_squeeze %dma_wait3A_1125 : memref<1x1x128x768xf32, #tpu.memory_space<hbm>> -> memref<128x768xf32, #tpu.memory_space<hbm>>
    %dma_wait3A_1127 = arith.constant 0 : i32
    %dma_wait3A_1128 = arith.constant 0 : i32
    %dma_wait3A_1129 = tpu.memref_slice %arg1[%add3A_211, %get3A_410, %dma_wait3A_1127, %dma_wait3A_1128] : memref<8x64x128x768xf32, #tpu.memory_space<hbm>> -> memref<1x1x128x768xf32, #tpu.memory_space<hbm>>
    %dma_wait3A_1130 = tpu.memref_squeeze %dma_wait3A_1129 : memref<1x1x128x768xf32, #tpu.memory_space<hbm>> -> memref<128x768xf32, #tpu.memory_space<hbm>>
    tpu.wait_dma2 semaphore(%arg5 : memref<!tpu.dma_semaphore, #tpu.memory_space<semaphore_mem>>) src(%dma_wait3A_1130 : memref<128x768xf32, #tpu.memory_space<hbm>>) dst(%dma_wait3A_1126 : memref<128x768xf32, #tpu.memory_space<hbm>>)
    %dma_wait3A_1131 = arith.constant 0 : i32
    %dma_wait3A_1132 = arith.constant 0 : i32
    %dma_wait3A_1133 = arith.constant 0 : i32
    %dma_wait3A_1134 = tpu.memref_slice %arg3[%add3A_423, %dma_wait3A_1131, %dma_wait3A_1132, %dma_wait3A_1133] : memref<8x16x128x768xf32, #tpu.memory_space<hbm>> -> memref<1x1x128x768xf32, #tpu.memory_space<hbm>>
    %dma_wait3A_1135 = tpu.memref_squeeze %dma_wait3A_1134 : memref<1x1x128x768xf32, #tpu.memory_space<hbm>> -> memref<128x768xf32, #tpu.memory_space<hbm>>
    %dma_wait3A_1136 = arith.constant 0 : i32
    %dma_wait3A_1137 = arith.constant 0 : i32
    %dma_wait3A_1138 = tpu.memref_slice %arg1[%add3A_423, %get3A_427, %dma_wait3A_1136, %dma_wait3A_1137] : memref<8x64x128x768xf32, #tpu.memory_space<hbm>> -> memref<1x1x128x768xf32, #tpu.memory_space<hbm>>
    %dma_wait3A_1139 = tpu.memref_squeeze %dma_wait3A_1138 : memref<1x1x128x768xf32, #tpu.memory_space<hbm>> -> memref<128x768xf32, #tpu.memory_space<hbm>>
    tpu.wait_dma2 semaphore(%arg5 : memref<!tpu.dma_semaphore, #tpu.memory_space<semaphore_mem>>) src(%dma_wait3A_1139 : memref<128x768xf32, #tpu.memory_space<hbm>>) dst(%dma_wait3A_1135 : memref<128x768xf32, #tpu.memory_space<hbm>>)
    %dma_wait3A_1140 = arith.constant 1 : i32
    %dma_wait3A_1141 = arith.constant 0 : i32
    %dma_wait3A_1142 = arith.constant 0 : i32
    %dma_wait3A_1143 = tpu.memref_slice %arg3[%add3A_423, %dma_wait3A_1140, %dma_wait3A_1141, %dma_wait3A_1142] : memref<8x16x128x768xf32, #tpu.memory_space<hbm>> -> memref<1x1x128x768xf32, #tpu.memory_space<hbm>>
    %dma_wait3A_1144 = tpu.memref_squeeze %dma_wait3A_1143 : memref<1x1x128x768xf32, #tpu.memory_space<hbm>> -> memref<128x768xf32, #tpu.memory_space<hbm>>
    %dma_wait3A_1145 = arith.constant 0 : i32
    %dma_wait3A_1146 = arith.constant 0 : i32
    %dma_wait3A_1147 = tpu.memref_slice %arg1[%add3A_423, %get3A_440, %dma_wait3A_1145, %dma_wait3A_1146] : memref<8x64x128x768xf32, #tpu.memory_space<hbm>> -> memref<1x1x128x768xf32, #tpu.memory_space<hbm>>
    %dma_wait3A_1148 = tpu.memref_squeeze %dma_wait3A_1147 : memref<1x1x128x768xf32, #tpu.memory_space<hbm>> -> memref<128x768xf32, #tpu.memory_space<hbm>>
    tpu.wait_dma2 semaphore(%arg5 : memref<!tpu.dma_semaphore, #tpu.memory_space<semaphore_mem>>) src(%dma_wait3A_1148 : memref<128x768xf32, #tpu.memory_space<hbm>>) dst(%dma_wait3A_1144 : memref<128x768xf32, #tpu.memory_space<hbm>>)
    %dma_wait3A_1149 = arith.constant 2 : i32
    %dma_wait3A_1150 = arith.constant 0 : i32
    %dma_wait3A_1151 = arith.constant 0 : i32
    %dma_wait3A_1152 = tpu.memref_slice %arg3[%add3A_423, %dma_wait3A_1149, %dma_wait3A_1150, %dma_wait3A_1151] : memref<8x16x128x768xf32, #tpu.memory_space<hbm>> -> memref<1x1x128x768xf32, #tpu.memory_space<hbm>>
    %dma_wait3A_1153 = tpu.memref_squeeze %dma_wait3A_1152 : memref<1x1x128x768xf32, #tpu.memory_space<hbm>> -> memref<128x768xf32, #tpu.memory_space<hbm>>
    %dma_wait3A_1154 = arith.constant 0 : i32
    %dma_wait3A_1155 = arith.constant 0 : i32
    %dma_wait3A_1156 = tpu.memref_slice %arg1[%add3A_423, %get3A_453, %dma_wait3A_1154, %dma_wait3A_1155] : memref<8x64x128x768xf32, #tpu.memory_space<hbm>> -> memref<1x1x128x768xf32, #tpu.memory_space<hbm>>
    %dma_wait3A_1157 = tpu.memref_squeeze %dma_wait3A_1156 : memref<1x1x128x768xf32, #tpu.memory_space<hbm>> -> memref<128x768xf32, #tpu.memory_space<hbm>>
    tpu.wait_dma2 semaphore(%arg5 : memref<!tpu.dma_semaphore, #tpu.memory_space<semaphore_mem>>) src(%dma_wait3A_1157 : memref<128x768xf32, #tpu.memory_space<hbm>>) dst(%dma_wait3A_1153 : memref<128x768xf32, #tpu.memory_space<hbm>>)
    %dma_wait3A_1158 = arith.constant 3 : i32
    %dma_wait3A_1159 = arith.constant 0 : i32
    %dma_wait3A_1160 = arith.constant 0 : i32
    %dma_wait3A_1161 = tpu.memref_slice %arg3[%add3A_423, %dma_wait3A_1158, %dma_wait3A_1159, %dma_wait3A_1160] : memref<8x16x128x768xf32, #tpu.memory_space<hbm>> -> memref<1x1x128x768xf32, #tpu.memory_space<hbm>>
    %dma_wait3A_1162 = tpu.memref_squeeze %dma_wait3A_1161 : memref<1x1x128x768xf32, #tpu.memory_space<hbm>> -> memref<128x768xf32, #tpu.memory_space<hbm>>
    %dma_wait3A_1163 = arith.constant 0 : i32
    %dma_wait3A_1164 = arith.constant 0 : i32
    %dma_wait3A_1165 = tpu.memref_slice %arg1[%add3A_423, %get3A_466, %dma_wait3A_1163, %dma_wait3A_1164] : memref<8x64x128x768xf32, #tpu.memory_space<hbm>> -> memref<1x1x128x768xf32, #tpu.memory_space<hbm>>
    %dma_wait3A_1166 = tpu.memref_squeeze %dma_wait3A_1165 : memref<1x1x128x768xf32, #tpu.memory_space<hbm>> -> memref<128x768xf32, #tpu.memory_space<hbm>>
    tpu.wait_dma2 semaphore(%arg5 : memref<!tpu.dma_semaphore, #tpu.memory_space<semaphore_mem>>) src(%dma_wait3A_1166 : memref<128x768xf32, #tpu.memory_space<hbm>>) dst(%dma_wait3A_1162 : memref<128x768xf32, #tpu.memory_space<hbm>>)
    %dma_wait3A_1167 = arith.constant 4 : i32
    %dma_wait3A_1168 = arith.constant 0 : i32
    %dma_wait3A_1169 = arith.constant 0 : i32
    %dma_wait3A_1170 = tpu.memref_slice %arg3[%add3A_423, %dma_wait3A_1167, %dma_wait3A_1168, %dma_wait3A_1169] : memref<8x16x128x768xf32, #tpu.memory_space<hbm>> -> memref<1x1x128x768xf32, #tpu.memory_space<hbm>>
    %dma_wait3A_1171 = tpu.memref_squeeze %dma_wait3A_1170 : memref<1x1x128x768xf32, #tpu.memory_space<hbm>> -> memref<128x768xf32, #tpu.memory_space<hbm>>
    %dma_wait3A_1172 = arith.constant 0 : i32
    %dma_wait3A_1173 = arith.constant 0 : i32
    %dma_wait3A_1174 = tpu.memref_slice %arg1[%add3A_423, %get3A_479, %dma_wait3A_1172, %dma_wait3A_1173] : memref<8x64x128x768xf32, #tpu.memory_space<hbm>> -> memref<1x1x128x768xf32, #tpu.memory_space<hbm>>
    %dma_wait3A_1175 = tpu.memref_squeeze %dma_wait3A_1174 : memref<1x1x128x768xf32, #tpu.memory_space<hbm>> -> memref<128x768xf32, #tpu.memory_space<hbm>>
    tpu.wait_dma2 semaphore(%arg5 : memref<!tpu.dma_semaphore, #tpu.memory_space<semaphore_mem>>) src(%dma_wait3A_1175 : memref<128x768xf32, #tpu.memory_space<hbm>>) dst(%dma_wait3A_1171 : memref<128x768xf32, #tpu.memory_space<hbm>>)
    %dma_wait3A_1176 = arith.constant 5 : i32
    %dma_wait3A_1177 = arith.constant 0 : i32
    %dma_wait3A_1178 = arith.constant 0 : i32
    %dma_wait3A_1179 = tpu.memref_slice %arg3[%add3A_423, %dma_wait3A_1176, %dma_wait3A_1177, %dma_wait3A_1178] : memref<8x16x128x768xf32, #tpu.memory_space<hbm>> -> memref<1x1x128x768xf32, #tpu.memory_space<hbm>>
    %dma_wait3A_1180 = tpu.memref_squeeze %dma_wait3A_1179 : memref<1x1x128x768xf32, #tpu.memory_space<hbm>> -> memref<128x768xf32, #tpu.memory_space<hbm>>
    %dma_wait3A_1181 = arith.constant 0 : i32
    %dma_wait3A_1182 = arith.constant 0 : i32
    %dma_wait3A_1183 = tpu.memref_slice %arg1[%add3A_423, %get3A_492, %dma_wait3A_1181, %dma_wait3A_1182] : memref<8x64x128x768xf32, #tpu.memory_space<hbm>> -> memref<1x1x128x768xf32, #tpu.memory_space<hbm>>
    %dma_wait3A_1184 = tpu.memref_squeeze %dma_wait3A_1183 : memref<1x1x128x768xf32, #tpu.memory_space<hbm>> -> memref<128x768xf32, #tpu.memory_space<hbm>>
    tpu.wait_dma2 semaphore(%arg5 : memref<!tpu.dma_semaphore, #tpu.memory_space<semaphore_mem>>) src(%dma_wait3A_1184 : memref<128x768xf32, #tpu.memory_space<hbm>>) dst(%dma_wait3A_1180 : memref<128x768xf32, #tpu.memory_space<hbm>>)
    %dma_wait3A_1185 = arith.constant 6 : i32
    %dma_wait3A_1186 = arith.constant 0 : i32
    %dma_wait3A_1187 = arith.constant 0 : i32
    %dma_wait3A_1188 = tpu.memref_slice %arg3[%add3A_423, %dma_wait3A_1185, %dma_wait3A_1186, %dma_wait3A_1187] : memref<8x16x128x768xf32, #tpu.memory_space<hbm>> -> memref<1x1x128x768xf32, #tpu.memory_space<hbm>>
    %dma_wait3A_1189 = tpu.memref_squeeze %dma_wait3A_1188 : memref<1x1x128x768xf32, #tpu.memory_space<hbm>> -> memref<128x768xf32, #tpu.memory_space<hbm>>
    %dma_wait3A_1190 = arith.constant 0 : i32
    %dma_wait3A_1191 = arith.constant 0 : i32
    %dma_wait3A_1192 = tpu.memref_slice %arg1[%add3A_423, %get3A_505, %dma_wait3A_1190, %dma_wait3A_1191] : memref<8x64x128x768xf32, #tpu.memory_space<hbm>> -> memref<1x1x128x768xf32, #tpu.memory_space<hbm>>
    %dma_wait3A_1193 = tpu.memref_squeeze %dma_wait3A_1192 : memref<1x1x128x768xf32, #tpu.memory_space<hbm>> -> memref<128x768xf32, #tpu.memory_space<hbm>>
    tpu.wait_dma2 semaphore(%arg5 : memref<!tpu.dma_semaphore, #tpu.memory_space<semaphore_mem>>) src(%dma_wait3A_1193 : memref<128x768xf32, #tpu.memory_space<hbm>>) dst(%dma_wait3A_1189 : memref<128x768xf32, #tpu.memory_space<hbm>>)
    %dma_wait3A_1194 = arith.constant 7 : i32
    %dma_wait3A_1195 = arith.constant 0 : i32
    %dma_wait3A_1196 = arith.constant 0 : i32
    %dma_wait3A_1197 = tpu.memref_slice %arg3[%add3A_423, %dma_wait3A_1194, %dma_wait3A_1195, %dma_wait3A_1196] : memref<8x16x128x768xf32, #tpu.memory_space<hbm>> -> memref<1x1x128x768xf32, #tpu.memory_space<hbm>>
    %dma_wait3A_1198 = tpu.memref_squeeze %dma_wait3A_1197 : memref<1x1x128x768xf32, #tpu.memory_space<hbm>> -> memref<128x768xf32, #tpu.memory_space<hbm>>
    %dma_wait3A_1199 = arith.constant 0 : i32
    %dma_wait3A_1200 = arith.constant 0 : i32
    %dma_wait3A_1201 = tpu.memref_slice %arg1[%add3A_423, %get3A_518, %dma_wait3A_1199, %dma_wait3A_1200] : memref<8x64x128x768xf32, #tpu.memory_space<hbm>> -> memref<1x1x128x768xf32, #tpu.memory_space<hbm>>
    %dma_wait3A_1202 = tpu.memref_squeeze %dma_wait3A_1201 : memref<1x1x128x768xf32, #tpu.memory_space<hbm>> -> memref<128x768xf32, #tpu.memory_space<hbm>>
    tpu.wait_dma2 semaphore(%arg5 : memref<!tpu.dma_semaphore, #tpu.memory_space<semaphore_mem>>) src(%dma_wait3A_1202 : memref<128x768xf32, #tpu.memory_space<hbm>>) dst(%dma_wait3A_1198 : memref<128x768xf32, #tpu.memory_space<hbm>>)
    %dma_wait3A_1203 = arith.constant 8 : i32
    %dma_wait3A_1204 = arith.constant 0 : i32
    %dma_wait3A_1205 = arith.constant 0 : i32
    %dma_wait3A_1206 = tpu.memref_slice %arg3[%add3A_423, %dma_wait3A_1203, %dma_wait3A_1204, %dma_wait3A_1205] : memref<8x16x128x768xf32, #tpu.memory_space<hbm>> -> memref<1x1x128x768xf32, #tpu.memory_space<hbm>>
    %dma_wait3A_1207 = tpu.memref_squeeze %dma_wait3A_1206 : memref<1x1x128x768xf32, #tpu.memory_space<hbm>> -> memref<128x768xf32, #tpu.memory_space<hbm>>
    %dma_wait3A_1208 = arith.constant 0 : i32
    %dma_wait3A_1209 = arith.constant 0 : i32
    %dma_wait3A_1210 = tpu.memref_slice %arg1[%add3A_423, %get3A_531, %dma_wait3A_1208, %dma_wait3A_1209] : memref<8x64x128x768xf32, #tpu.memory_space<hbm>> -> memref<1x1x128x768xf32, #tpu.memory_space<hbm>>
    %dma_wait3A_1211 = tpu.memref_squeeze %dma_wait3A_1210 : memref<1x1x128x768xf32, #tpu.memory_space<hbm>> -> memref<128x768xf32, #tpu.memory_space<hbm>>
    tpu.wait_dma2 semaphore(%arg5 : memref<!tpu.dma_semaphore, #tpu.memory_space<semaphore_mem>>) src(%dma_wait3A_1211 : memref<128x768xf32, #tpu.memory_space<hbm>>) dst(%dma_wait3A_1207 : memref<128x768xf32, #tpu.memory_space<hbm>>)
    %dma_wait3A_1212 = arith.constant 9 : i32
    %dma_wait3A_1213 = arith.constant 0 : i32
    %dma_wait3A_1214 = arith.constant 0 : i32
    %dma_wait3A_1215 = tpu.memref_slice %arg3[%add3A_423, %dma_wait3A_1212, %dma_wait3A_1213, %dma_wait3A_1214] : memref<8x16x128x768xf32, #tpu.memory_space<hbm>> -> memref<1x1x128x768xf32, #tpu.memory_space<hbm>>
    %dma_wait3A_1216 = tpu.memref_squeeze %dma_wait3A_1215 : memref<1x1x128x768xf32, #tpu.memory_space<hbm>> -> memref<128x768xf32, #tpu.memory_space<hbm>>
    %dma_wait3A_1217 = arith.constant 0 : i32
    %dma_wait3A_1218 = arith.constant 0 : i32
    %dma_wait3A_1219 = tpu.memref_slice %arg1[%add3A_423, %get3A_544, %dma_wait3A_1217, %dma_wait3A_1218] : memref<8x64x128x768xf32, #tpu.memory_space<hbm>> -> memref<1x1x128x768xf32, #tpu.memory_space<hbm>>
    %dma_wait3A_1220 = tpu.memref_squeeze %dma_wait3A_1219 : memref<1x1x128x768xf32, #tpu.memory_space<hbm>> -> memref<128x768xf32, #tpu.memory_space<hbm>>
    tpu.wait_dma2 semaphore(%arg5 : memref<!tpu.dma_semaphore, #tpu.memory_space<semaphore_mem>>) src(%dma_wait3A_1220 : memref<128x768xf32, #tpu.memory_space<hbm>>) dst(%dma_wait3A_1216 : memref<128x768xf32, #tpu.memory_space<hbm>>)
    %dma_wait3A_1221 = arith.constant 10 : i32
    %dma_wait3A_1222 = arith.constant 0 : i32
    %dma_wait3A_1223 = arith.constant 0 : i32
    %dma_wait3A_1224 = tpu.memref_slice %arg3[%add3A_423, %dma_wait3A_1221, %dma_wait3A_1222, %dma_wait3A_1223] : memref<8x16x128x768xf32, #tpu.memory_space<hbm>> -> memref<1x1x128x768xf32, #tpu.memory_space<hbm>>
    %dma_wait3A_1225 = tpu.memref_squeeze %dma_wait3A_1224 : memref<1x1x128x768xf32, #tpu.memory_space<hbm>> -> memref<128x768xf32, #tpu.memory_space<hbm>>
    %dma_wait3A_1226 = arith.constant 0 : i32
    %dma_wait3A_1227 = arith.constant 0 : i32
    %dma_wait3A_1228 = tpu.memref_slice %arg1[%add3A_423, %get3A_557, %dma_wait3A_1226, %dma_wait3A_1227] : memref<8x64x128x768xf32, #tpu.memory_space<hbm>> -> memref<1x1x128x768xf32, #tpu.memory_space<hbm>>
    %dma_wait3A_1229 = tpu.memref_squeeze %dma_wait3A_1228 : memref<1x1x128x768xf32, #tpu.memory_space<hbm>> -> memref<128x768xf32, #tpu.memory_space<hbm>>
    tpu.wait_dma2 semaphore(%arg5 : memref<!tpu.dma_semaphore, #tpu.memory_space<semaphore_mem>>) src(%dma_wait3A_1229 : memref<128x768xf32, #tpu.memory_space<hbm>>) dst(%dma_wait3A_1225 : memref<128x768xf32, #tpu.memory_space<hbm>>)
    %dma_wait3A_1230 = arith.constant 11 : i32
    %dma_wait3A_1231 = arith.constant 0 : i32
    %dma_wait3A_1232 = arith.constant 0 : i32
    %dma_wait3A_1233 = tpu.memref_slice %arg3[%add3A_423, %dma_wait3A_1230, %dma_wait3A_1231, %dma_wait3A_1232] : memref<8x16x128x768xf32, #tpu.memory_space<hbm>> -> memref<1x1x128x768xf32, #tpu.memory_space<hbm>>
    %dma_wait3A_1234 = tpu.memref_squeeze %dma_wait3A_1233 : memref<1x1x128x768xf32, #tpu.memory_space<hbm>> -> memref<128x768xf32, #tpu.memory_space<hbm>>
    %dma_wait3A_1235 = arith.constant 0 : i32
    %dma_wait3A_1236 = arith.constant 0 : i32
    %dma_wait3A_1237 = tpu.memref_slice %arg1[%add3A_423, %get3A_570, %dma_wait3A_1235, %dma_wait3A_1236] : memref<8x64x128x768xf32, #tpu.memory_space<hbm>> -> memref<1x1x128x768xf32, #tpu.memory_space<hbm>>
    %dma_wait3A_1238 = tpu.memref_squeeze %dma_wait3A_1237 : memref<1x1x128x768xf32, #tpu.memory_space<hbm>> -> memref<128x768xf32, #tpu.memory_space<hbm>>
    tpu.wait_dma2 semaphore(%arg5 : memref<!tpu.dma_semaphore, #tpu.memory_space<semaphore_mem>>) src(%dma_wait3A_1238 : memref<128x768xf32, #tpu.memory_space<hbm>>) dst(%dma_wait3A_1234 : memref<128x768xf32, #tpu.memory_space<hbm>>)
    %dma_wait3A_1239 = arith.constant 12 : i32
    %dma_wait3A_1240 = arith.constant 0 : i32
    %dma_wait3A_1241 = arith.constant 0 : i32
    %dma_wait3A_1242 = tpu.memref_slice %arg3[%add3A_423, %dma_wait3A_1239, %dma_wait3A_1240, %dma_wait3A_1241] : memref<8x16x128x768xf32, #tpu.memory_space<hbm>> -> memref<1x1x128x768xf32, #tpu.memory_space<hbm>>
    %dma_wait3A_1243 = tpu.memref_squeeze %dma_wait3A_1242 : memref<1x1x128x768xf32, #tpu.memory_space<hbm>> -> memref<128x768xf32, #tpu.memory_space<hbm>>
    %dma_wait3A_1244 = arith.constant 0 : i32
    %dma_wait3A_1245 = arith.constant 0 : i32
    %dma_wait3A_1246 = tpu.memref_slice %arg1[%add3A_423, %get3A_583, %dma_wait3A_1244, %dma_wait3A_1245] : memref<8x64x128x768xf32, #tpu.memory_space<hbm>> -> memref<1x1x128x768xf32, #tpu.memory_space<hbm>>
    %dma_wait3A_1247 = tpu.memref_squeeze %dma_wait3A_1246 : memref<1x1x128x768xf32, #tpu.memory_space<hbm>> -> memref<128x768xf32, #tpu.memory_space<hbm>>
    tpu.wait_dma2 semaphore(%arg5 : memref<!tpu.dma_semaphore, #tpu.memory_space<semaphore_mem>>) src(%dma_wait3A_1247 : memref<128x768xf32, #tpu.memory_space<hbm>>) dst(%dma_wait3A_1243 : memref<128x768xf32, #tpu.memory_space<hbm>>)
    %dma_wait3A_1248 = arith.constant 13 : i32
    %dma_wait3A_1249 = arith.constant 0 : i32
    %dma_wait3A_1250 = arith.constant 0 : i32
    %dma_wait3A_1251 = tpu.memref_slice %arg3[%add3A_423, %dma_wait3A_1248, %dma_wait3A_1249, %dma_wait3A_1250] : memref<8x16x128x768xf32, #tpu.memory_space<hbm>> -> memref<1x1x128x768xf32, #tpu.memory_space<hbm>>
    %dma_wait3A_1252 = tpu.memref_squeeze %dma_wait3A_1251 : memref<1x1x128x768xf32, #tpu.memory_space<hbm>> -> memref<128x768xf32, #tpu.memory_space<hbm>>
    %dma_wait3A_1253 = arith.constant 0 : i32
    %dma_wait3A_1254 = arith.constant 0 : i32
    %dma_wait3A_1255 = tpu.memref_slice %arg1[%add3A_423, %get3A_596, %dma_wait3A_1253, %dma_wait3A_1254] : memref<8x64x128x768xf32, #tpu.memory_space<hbm>> -> memref<1x1x128x768xf32, #tpu.memory_space<hbm>>
    %dma_wait3A_1256 = tpu.memref_squeeze %dma_wait3A_1255 : memref<1x1x128x768xf32, #tpu.memory_space<hbm>> -> memref<128x768xf32, #tpu.memory_space<hbm>>
    tpu.wait_dma2 semaphore(%arg5 : memref<!tpu.dma_semaphore, #tpu.memory_space<semaphore_mem>>) src(%dma_wait3A_1256 : memref<128x768xf32, #tpu.memory_space<hbm>>) dst(%dma_wait3A_1252 : memref<128x768xf32, #tpu.memory_space<hbm>>)
    %dma_wait3A_1257 = arith.constant 14 : i32
    %dma_wait3A_1258 = arith.constant 0 : i32
    %dma_wait3A_1259 = arith.constant 0 : i32
    %dma_wait3A_1260 = tpu.memref_slice %arg3[%add3A_423, %dma_wait3A_1257, %dma_wait3A_1258, %dma_wait3A_1259] : memref<8x16x128x768xf32, #tpu.memory_space<hbm>> -> memref<1x1x128x768xf32, #tpu.memory_space<hbm>>
    %dma_wait3A_1261 = tpu.memref_squeeze %dma_wait3A_1260 : memref<1x1x128x768xf32, #tpu.memory_space<hbm>> -> memref<128x768xf32, #tpu.memory_space<hbm>>
    %dma_wait3A_1262 = arith.constant 0 : i32
    %dma_wait3A_1263 = arith.constant 0 : i32
    %dma_wait3A_1264 = tpu.memref_slice %arg1[%add3A_423, %get3A_609, %dma_wait3A_1262, %dma_wait3A_1263] : memref<8x64x128x768xf32, #tpu.memory_space<hbm>> -> memref<1x1x128x768xf32, #tpu.memory_space<hbm>>
    %dma_wait3A_1265 = tpu.memref_squeeze %dma_wait3A_1264 : memref<1x1x128x768xf32, #tpu.memory_space<hbm>> -> memref<128x768xf32, #tpu.memory_space<hbm>>
    tpu.wait_dma2 semaphore(%arg5 : memref<!tpu.dma_semaphore, #tpu.memory_space<semaphore_mem>>) src(%dma_wait3A_1265 : memref<128x768xf32, #tpu.memory_space<hbm>>) dst(%dma_wait3A_1261 : memref<128x768xf32, #tpu.memory_space<hbm>>)
    %dma_wait3A_1266 = arith.constant 15 : i32
    %dma_wait3A_1267 = arith.constant 0 : i32
    %dma_wait3A_1268 = arith.constant 0 : i32
    %dma_wait3A_1269 = tpu.memref_slice %arg3[%add3A_423, %dma_wait3A_1266, %dma_wait3A_1267, %dma_wait3A_1268] : memref<8x16x128x768xf32, #tpu.memory_space<hbm>> -> memref<1x1x128x768xf32, #tpu.memory_space<hbm>>
    %dma_wait3A_1270 = tpu.memref_squeeze %dma_wait3A_1269 : memref<1x1x128x768xf32, #tpu.memory_space<hbm>> -> memref<128x768xf32, #tpu.memory_space<hbm>>
    %dma_wait3A_1271 = arith.constant 0 : i32
    %dma_wait3A_1272 = arith.constant 0 : i32
    %dma_wait3A_1273 = tpu.memref_slice %arg1[%add3A_423, %get3A_622, %dma_wait3A_1271, %dma_wait3A_1272] : memref<8x64x128x768xf32, #tpu.memory_space<hbm>> -> memref<1x1x128x768xf32, #tpu.memory_space<hbm>>
    %dma_wait3A_1274 = tpu.memref_squeeze %dma_wait3A_1273 : memref<1x1x128x768xf32, #tpu.memory_space<hbm>> -> memref<128x768xf32, #tpu.memory_space<hbm>>
    tpu.wait_dma2 semaphore(%arg5 : memref<!tpu.dma_semaphore, #tpu.memory_space<semaphore_mem>>) src(%dma_wait3A_1274 : memref<128x768xf32, #tpu.memory_space<hbm>>) dst(%dma_wait3A_1270 : memref<128x768xf32, #tpu.memory_space<hbm>>)
    %dma_wait3A_1275 = arith.constant 0 : i32
    %dma_wait3A_1276 = arith.constant 0 : i32
    %dma_wait3A_1277 = arith.constant 0 : i32
    %dma_wait3A_1278 = tpu.memref_slice %arg3[%add3A_635, %dma_wait3A_1275, %dma_wait3A_1276, %dma_wait3A_1277] : memref<8x16x128x768xf32, #tpu.memory_space<hbm>> -> memref<1x1x128x768xf32, #tpu.memory_space<hbm>>
    %dma_wait3A_1279 = tpu.memref_squeeze %dma_wait3A_1278 : memref<1x1x128x768xf32, #tpu.memory_space<hbm>> -> memref<128x768xf32, #tpu.memory_space<hbm>>
    %dma_wait3A_1280 = arith.constant 0 : i32
    %dma_wait3A_1281 = arith.constant 0 : i32
    %dma_wait3A_1282 = tpu.memref_slice %arg1[%add3A_635, %get3A_639, %dma_wait3A_1280, %dma_wait3A_1281] : memref<8x64x128x768xf32, #tpu.memory_space<hbm>> -> memref<1x1x128x768xf32, #tpu.memory_space<hbm>>
    %dma_wait3A_1283 = tpu.memref_squeeze %dma_wait3A_1282 : memref<1x1x128x768xf32, #tpu.memory_space<hbm>> -> memref<128x768xf32, #tpu.memory_space<hbm>>
    tpu.wait_dma2 semaphore(%arg5 : memref<!tpu.dma_semaphore, #tpu.memory_space<semaphore_mem>>) src(%dma_wait3A_1283 : memref<128x768xf32, #tpu.memory_space<hbm>>) dst(%dma_wait3A_1279 : memref<128x768xf32, #tpu.memory_space<hbm>>)
    %dma_wait3A_1284 = arith.constant 1 : i32
    %dma_wait3A_1285 = arith.constant 0 : i32
    %dma_wait3A_1286 = arith.constant 0 : i32
    %dma_wait3A_1287 = tpu.memref_slice %arg3[%add3A_635, %dma_wait3A_1284, %dma_wait3A_1285, %dma_wait3A_1286] : memref<8x16x128x768xf32, #tpu.memory_space<hbm>> -> memref<1x1x128x768xf32, #tpu.memory_space<hbm>>
    %dma_wait3A_1288 = tpu.memref_squeeze %dma_wait3A_1287 : memref<1x1x128x768xf32, #tpu.memory_space<hbm>> -> memref<128x768xf32, #tpu.memory_space<hbm>>
    %dma_wait3A_1289 = arith.constant 0 : i32
    %dma_wait3A_1290 = arith.constant 0 : i32
    %dma_wait3A_1291 = tpu.memref_slice %arg1[%add3A_635, %get3A_652, %dma_wait3A_1289, %dma_wait3A_1290] : memref<8x64x128x768xf32, #tpu.memory_space<hbm>> -> memref<1x1x128x768xf32, #tpu.memory_space<hbm>>
    %dma_wait3A_1292 = tpu.memref_squeeze %dma_wait3A_1291 : memref<1x1x128x768xf32, #tpu.memory_space<hbm>> -> memref<128x768xf32, #tpu.memory_space<hbm>>
    tpu.wait_dma2 semaphore(%arg5 : memref<!tpu.dma_semaphore, #tpu.memory_space<semaphore_mem>>) src(%dma_wait3A_1292 : memref<128x768xf32, #tpu.memory_space<hbm>>) dst(%dma_wait3A_1288 : memref<128x768xf32, #tpu.memory_space<hbm>>)
    %dma_wait3A_1293 = arith.constant 2 : i32
    %dma_wait3A_1294 = arith.constant 0 : i32
    %dma_wait3A_1295 = arith.constant 0 : i32
    %dma_wait3A_1296 = tpu.memref_slice %arg3[%add3A_635, %dma_wait3A_1293, %dma_wait3A_1294, %dma_wait3A_1295] : memref<8x16x128x768xf32, #tpu.memory_space<hbm>> -> memref<1x1x128x768xf32, #tpu.memory_space<hbm>>
    %dma_wait3A_1297 = tpu.memref_squeeze %dma_wait3A_1296 : memref<1x1x128x768xf32, #tpu.memory_space<hbm>> -> memref<128x768xf32, #tpu.memory_space<hbm>>
    %dma_wait3A_1298 = arith.constant 0 : i32
    %dma_wait3A_1299 = arith.constant 0 : i32
    %dma_wait3A_1300 = tpu.memref_slice %arg1[%add3A_635, %get3A_665, %dma_wait3A_1298, %dma_wait3A_1299] : memref<8x64x128x768xf32, #tpu.memory_space<hbm>> -> memref<1x1x128x768xf32, #tpu.memory_space<hbm>>
    %dma_wait3A_1301 = tpu.memref_squeeze %dma_wait3A_1300 : memref<1x1x128x768xf32, #tpu.memory_space<hbm>> -> memref<128x768xf32, #tpu.memory_space<hbm>>
    tpu.wait_dma2 semaphore(%arg5 : memref<!tpu.dma_semaphore, #tpu.memory_space<semaphore_mem>>) src(%dma_wait3A_1301 : memref<128x768xf32, #tpu.memory_space<hbm>>) dst(%dma_wait3A_1297 : memref<128x768xf32, #tpu.memory_space<hbm>>)
    %dma_wait3A_1302 = arith.constant 3 : i32
    %dma_wait3A_1303 = arith.constant 0 : i32
    %dma_wait3A_1304 = arith.constant 0 : i32
    %dma_wait3A_1305 = tpu.memref_slice %arg3[%add3A_635, %dma_wait3A_1302, %dma_wait3A_1303, %dma_wait3A_1304] : memref<8x16x128x768xf32, #tpu.memory_space<hbm>> -> memref<1x1x128x768xf32, #tpu.memory_space<hbm>>
    %dma_wait3A_1306 = tpu.memref_squeeze %dma_wait3A_1305 : memref<1x1x128x768xf32, #tpu.memory_space<hbm>> -> memref<128x768xf32, #tpu.memory_space<hbm>>
    %dma_wait3A_1307 = arith.constant 0 : i32
    %dma_wait3A_1308 = arith.constant 0 : i32
    %dma_wait3A_1309 = tpu.memref_slice %arg1[%add3A_635, %get3A_678, %dma_wait3A_1307, %dma_wait3A_1308] : memref<8x64x128x768xf32, #tpu.memory_space<hbm>> -> memref<1x1x128x768xf32, #tpu.memory_space<hbm>>
    %dma_wait3A_1310 = tpu.memref_squeeze %dma_wait3A_1309 : memref<1x1x128x768xf32, #tpu.memory_space<hbm>> -> memref<128x768xf32, #tpu.memory_space<hbm>>
    tpu.wait_dma2 semaphore(%arg5 : memref<!tpu.dma_semaphore, #tpu.memory_space<semaphore_mem>>) src(%dma_wait3A_1310 : memref<128x768xf32, #tpu.memory_space<hbm>>) dst(%dma_wait3A_1306 : memref<128x768xf32, #tpu.memory_space<hbm>>)
    %dma_wait3A_1311 = arith.constant 4 : i32
    %dma_wait3A_1312 = arith.constant 0 : i32
    %dma_wait3A_1313 = arith.constant 0 : i32
    %dma_wait3A_1314 = tpu.memref_slice %arg3[%add3A_635, %dma_wait3A_1311, %dma_wait3A_1312, %dma_wait3A_1313] : memref<8x16x128x768xf32, #tpu.memory_space<hbm>> -> memref<1x1x128x768xf32, #tpu.memory_space<hbm>>
    %dma_wait3A_1315 = tpu.memref_squeeze %dma_wait3A_1314 : memref<1x1x128x768xf32, #tpu.memory_space<hbm>> -> memref<128x768xf32, #tpu.memory_space<hbm>>
    %dma_wait3A_1316 = arith.constant 0 : i32
    %dma_wait3A_1317 = arith.constant 0 : i32
    %dma_wait3A_1318 = tpu.memref_slice %arg1[%add3A_635, %get3A_691, %dma_wait3A_1316, %dma_wait3A_1317] : memref<8x64x128x768xf32, #tpu.memory_space<hbm>> -> memref<1x1x128x768xf32, #tpu.memory_space<hbm>>
    %dma_wait3A_1319 = tpu.memref_squeeze %dma_wait3A_1318 : memref<1x1x128x768xf32, #tpu.memory_space<hbm>> -> memref<128x768xf32, #tpu.memory_space<hbm>>
    tpu.wait_dma2 semaphore(%arg5 : memref<!tpu.dma_semaphore, #tpu.memory_space<semaphore_mem>>) src(%dma_wait3A_1319 : memref<128x768xf32, #tpu.memory_space<hbm>>) dst(%dma_wait3A_1315 : memref<128x768xf32, #tpu.memory_space<hbm>>)
    %dma_wait3A_1320 = arith.constant 5 : i32
    %dma_wait3A_1321 = arith.constant 0 : i32
    %dma_wait3A_1322 = arith.constant 0 : i32
    %dma_wait3A_1323 = tpu.memref_slice %arg3[%add3A_635, %dma_wait3A_1320, %dma_wait3A_1321, %dma_wait3A_1322] : memref<8x16x128x768xf32, #tpu.memory_space<hbm>> -> memref<1x1x128x768xf32, #tpu.memory_space<hbm>>
    %dma_wait3A_1324 = tpu.memref_squeeze %dma_wait3A_1323 : memref<1x1x128x768xf32, #tpu.memory_space<hbm>> -> memref<128x768xf32, #tpu.memory_space<hbm>>
    %dma_wait3A_1325 = arith.constant 0 : i32
    %dma_wait3A_1326 = arith.constant 0 : i32
    %dma_wait3A_1327 = tpu.memref_slice %arg1[%add3A_635, %get3A_704, %dma_wait3A_1325, %dma_wait3A_1326] : memref<8x64x128x768xf32, #tpu.memory_space<hbm>> -> memref<1x1x128x768xf32, #tpu.memory_space<hbm>>
    %dma_wait3A_1328 = tpu.memref_squeeze %dma_wait3A_1327 : memref<1x1x128x768xf32, #tpu.memory_space<hbm>> -> memref<128x768xf32, #tpu.memory_space<hbm>>
    tpu.wait_dma2 semaphore(%arg5 : memref<!tpu.dma_semaphore, #tpu.memory_space<semaphore_mem>>) src(%dma_wait3A_1328 : memref<128x768xf32, #tpu.memory_space<hbm>>) dst(%dma_wait3A_1324 : memref<128x768xf32, #tpu.memory_space<hbm>>)
    %dma_wait3A_1329 = arith.constant 6 : i32
    %dma_wait3A_1330 = arith.constant 0 : i32
    %dma_wait3A_1331 = arith.constant 0 : i32
    %dma_wait3A_1332 = tpu.memref_slice %arg3[%add3A_635, %dma_wait3A_1329, %dma_wait3A_1330, %dma_wait3A_1331] : memref<8x16x128x768xf32, #tpu.memory_space<hbm>> -> memref<1x1x128x768xf32, #tpu.memory_space<hbm>>
    %dma_wait3A_1333 = tpu.memref_squeeze %dma_wait3A_1332 : memref<1x1x128x768xf32, #tpu.memory_space<hbm>> -> memref<128x768xf32, #tpu.memory_space<hbm>>
    %dma_wait3A_1334 = arith.constant 0 : i32
    %dma_wait3A_1335 = arith.constant 0 : i32
    %dma_wait3A_1336 = tpu.memref_slice %arg1[%add3A_635, %get3A_717, %dma_wait3A_1334, %dma_wait3A_1335] : memref<8x64x128x768xf32, #tpu.memory_space<hbm>> -> memref<1x1x128x768xf32, #tpu.memory_space<hbm>>
    %dma_wait3A_1337 = tpu.memref_squeeze %dma_wait3A_1336 : memref<1x1x128x768xf32, #tpu.memory_space<hbm>> -> memref<128x768xf32, #tpu.memory_space<hbm>>
    tpu.wait_dma2 semaphore(%arg5 : memref<!tpu.dma_semaphore, #tpu.memory_space<semaphore_mem>>) src(%dma_wait3A_1337 : memref<128x768xf32, #tpu.memory_space<hbm>>) dst(%dma_wait3A_1333 : memref<128x768xf32, #tpu.memory_space<hbm>>)
    %dma_wait3A_1338 = arith.constant 7 : i32
    %dma_wait3A_1339 = arith.constant 0 : i32
    %dma_wait3A_1340 = arith.constant 0 : i32
    %dma_wait3A_1341 = tpu.memref_slice %arg3[%add3A_635, %dma_wait3A_1338, %dma_wait3A_1339, %dma_wait3A_1340] : memref<8x16x128x768xf32, #tpu.memory_space<hbm>> -> memref<1x1x128x768xf32, #tpu.memory_space<hbm>>
    %dma_wait3A_1342 = tpu.memref_squeeze %dma_wait3A_1341 : memref<1x1x128x768xf32, #tpu.memory_space<hbm>> -> memref<128x768xf32, #tpu.memory_space<hbm>>
    %dma_wait3A_1343 = arith.constant 0 : i32
    %dma_wait3A_1344 = arith.constant 0 : i32
    %dma_wait3A_1345 = tpu.memref_slice %arg1[%add3A_635, %get3A_730, %dma_wait3A_1343, %dma_wait3A_1344] : memref<8x64x128x768xf32, #tpu.memory_space<hbm>> -> memref<1x1x128x768xf32, #tpu.memory_space<hbm>>
    %dma_wait3A_1346 = tpu.memref_squeeze %dma_wait3A_1345 : memref<1x1x128x768xf32, #tpu.memory_space<hbm>> -> memref<128x768xf32, #tpu.memory_space<hbm>>
    tpu.wait_dma2 semaphore(%arg5 : memref<!tpu.dma_semaphore, #tpu.memory_space<semaphore_mem>>) src(%dma_wait3A_1346 : memref<128x768xf32, #tpu.memory_space<hbm>>) dst(%dma_wait3A_1342 : memref<128x768xf32, #tpu.memory_space<hbm>>)
    %dma_wait3A_1347 = arith.constant 8 : i32
    %dma_wait3A_1348 = arith.constant 0 : i32
    %dma_wait3A_1349 = arith.constant 0 : i32
    %dma_wait3A_1350 = tpu.memref_slice %arg3[%add3A_635, %dma_wait3A_1347, %dma_wait3A_1348, %dma_wait3A_1349] : memref<8x16x128x768xf32, #tpu.memory_space<hbm>> -> memref<1x1x128x768xf32, #tpu.memory_space<hbm>>
    %dma_wait3A_1351 = tpu.memref_squeeze %dma_wait3A_1350 : memref<1x1x128x768xf32, #tpu.memory_space<hbm>> -> memref<128x768xf32, #tpu.memory_space<hbm>>
    %dma_wait3A_1352 = arith.constant 0 : i32
    %dma_wait3A_1353 = arith.constant 0 : i32
    %dma_wait3A_1354 = tpu.memref_slice %arg1[%add3A_635, %get3A_743, %dma_wait3A_1352, %dma_wait3A_1353] : memref<8x64x128x768xf32, #tpu.memory_space<hbm>> -> memref<1x1x128x768xf32, #tpu.memory_space<hbm>>
    %dma_wait3A_1355 = tpu.memref_squeeze %dma_wait3A_1354 : memref<1x1x128x768xf32, #tpu.memory_space<hbm>> -> memref<128x768xf32, #tpu.memory_space<hbm>>
    tpu.wait_dma2 semaphore(%arg5 : memref<!tpu.dma_semaphore, #tpu.memory_space<semaphore_mem>>) src(%dma_wait3A_1355 : memref<128x768xf32, #tpu.memory_space<hbm>>) dst(%dma_wait3A_1351 : memref<128x768xf32, #tpu.memory_space<hbm>>)
    %dma_wait3A_1356 = arith.constant 9 : i32
    %dma_wait3A_1357 = arith.constant 0 : i32
    %dma_wait3A_1358 = arith.constant 0 : i32
    %dma_wait3A_1359 = tpu.memref_slice %arg3[%add3A_635, %dma_wait3A_1356, %dma_wait3A_1357, %dma_wait3A_1358] : memref<8x16x128x768xf32, #tpu.memory_space<hbm>> -> memref<1x1x128x768xf32, #tpu.memory_space<hbm>>
    %dma_wait3A_1360 = tpu.memref_squeeze %dma_wait3A_1359 : memref<1x1x128x768xf32, #tpu.memory_space<hbm>> -> memref<128x768xf32, #tpu.memory_space<hbm>>
    %dma_wait3A_1361 = arith.constant 0 : i32
    %dma_wait3A_1362 = arith.constant 0 : i32
    %dma_wait3A_1363 = tpu.memref_slice %arg1[%add3A_635, %get3A_756, %dma_wait3A_1361, %dma_wait3A_1362] : memref<8x64x128x768xf32, #tpu.memory_space<hbm>> -> memref<1x1x128x768xf32, #tpu.memory_space<hbm>>
    %dma_wait3A_1364 = tpu.memref_squeeze %dma_wait3A_1363 : memref<1x1x128x768xf32, #tpu.memory_space<hbm>> -> memref<128x768xf32, #tpu.memory_space<hbm>>
    tpu.wait_dma2 semaphore(%arg5 : memref<!tpu.dma_semaphore, #tpu.memory_space<semaphore_mem>>) src(%dma_wait3A_1364 : memref<128x768xf32, #tpu.memory_space<hbm>>) dst(%dma_wait3A_1360 : memref<128x768xf32, #tpu.memory_space<hbm>>)
    %dma_wait3A_1365 = arith.constant 10 : i32
    %dma_wait3A_1366 = arith.constant 0 : i32
    %dma_wait3A_1367 = arith.constant 0 : i32
    %dma_wait3A_1368 = tpu.memref_slice %arg3[%add3A_635, %dma_wait3A_1365, %dma_wait3A_1366, %dma_wait3A_1367] : memref<8x16x128x768xf32, #tpu.memory_space<hbm>> -> memref<1x1x128x768xf32, #tpu.memory_space<hbm>>
    %dma_wait3A_1369 = tpu.memref_squeeze %dma_wait3A_1368 : memref<1x1x128x768xf32, #tpu.memory_space<hbm>> -> memref<128x768xf32, #tpu.memory_space<hbm>>
    %dma_wait3A_1370 = arith.constant 0 : i32
    %dma_wait3A_1371 = arith.constant 0 : i32
    %dma_wait3A_1372 = tpu.memref_slice %arg1[%add3A_635, %get3A_769, %dma_wait3A_1370, %dma_wait3A_1371] : memref<8x64x128x768xf32, #tpu.memory_space<hbm>> -> memref<1x1x128x768xf32, #tpu.memory_space<hbm>>
    %dma_wait3A_1373 = tpu.memref_squeeze %dma_wait3A_1372 : memref<1x1x128x768xf32, #tpu.memory_space<hbm>> -> memref<128x768xf32, #tpu.memory_space<hbm>>
    tpu.wait_dma2 semaphore(%arg5 : memref<!tpu.dma_semaphore, #tpu.memory_space<semaphore_mem>>) src(%dma_wait3A_1373 : memref<128x768xf32, #tpu.memory_space<hbm>>) dst(%dma_wait3A_1369 : memref<128x768xf32, #tpu.memory_space<hbm>>)
    %dma_wait3A_1374 = arith.constant 11 : i32
    %dma_wait3A_1375 = arith.constant 0 : i32
    %dma_wait3A_1376 = arith.constant 0 : i32
    %dma_wait3A_1377 = tpu.memref_slice %arg3[%add3A_635, %dma_wait3A_1374, %dma_wait3A_1375, %dma_wait3A_1376] : memref<8x16x128x768xf32, #tpu.memory_space<hbm>> -> memref<1x1x128x768xf32, #tpu.memory_space<hbm>>
    %dma_wait3A_1378 = tpu.memref_squeeze %dma_wait3A_1377 : memref<1x1x128x768xf32, #tpu.memory_space<hbm>> -> memref<128x768xf32, #tpu.memory_space<hbm>>
    %dma_wait3A_1379 = arith.constant 0 : i32
    %dma_wait3A_1380 = arith.constant 0 : i32
    %dma_wait3A_1381 = tpu.memref_slice %arg1[%add3A_635, %get3A_782, %dma_wait3A_1379, %dma_wait3A_1380] : memref<8x64x128x768xf32, #tpu.memory_space<hbm>> -> memref<1x1x128x768xf32, #tpu.memory_space<hbm>>
    %dma_wait3A_1382 = tpu.memref_squeeze %dma_wait3A_1381 : memref<1x1x128x768xf32, #tpu.memory_space<hbm>> -> memref<128x768xf32, #tpu.memory_space<hbm>>
    tpu.wait_dma2 semaphore(%arg5 : memref<!tpu.dma_semaphore, #tpu.memory_space<semaphore_mem>>) src(%dma_wait3A_1382 : memref<128x768xf32, #tpu.memory_space<hbm>>) dst(%dma_wait3A_1378 : memref<128x768xf32, #tpu.memory_space<hbm>>)
    %dma_wait3A_1383 = arith.constant 12 : i32
    %dma_wait3A_1384 = arith.constant 0 : i32
    %dma_wait3A_1385 = arith.constant 0 : i32
    %dma_wait3A_1386 = tpu.memref_slice %arg3[%add3A_635, %dma_wait3A_1383, %dma_wait3A_1384, %dma_wait3A_1385] : memref<8x16x128x768xf32, #tpu.memory_space<hbm>> -> memref<1x1x128x768xf32, #tpu.memory_space<hbm>>
    %dma_wait3A_1387 = tpu.memref_squeeze %dma_wait3A_1386 : memref<1x1x128x768xf32, #tpu.memory_space<hbm>> -> memref<128x768xf32, #tpu.memory_space<hbm>>
    %dma_wait3A_1388 = arith.constant 0 : i32
    %dma_wait3A_1389 = arith.constant 0 : i32
    %dma_wait3A_1390 = tpu.memref_slice %arg1[%add3A_635, %get3A_795, %dma_wait3A_1388, %dma_wait3A_1389] : memref<8x64x128x768xf32, #tpu.memory_space<hbm>> -> memref<1x1x128x768xf32, #tpu.memory_space<hbm>>
    %dma_wait3A_1391 = tpu.memref_squeeze %dma_wait3A_1390 : memref<1x1x128x768xf32, #tpu.memory_space<hbm>> -> memref<128x768xf32, #tpu.memory_space<hbm>>
    tpu.wait_dma2 semaphore(%arg5 : memref<!tpu.dma_semaphore, #tpu.memory_space<semaphore_mem>>) src(%dma_wait3A_1391 : memref<128x768xf32, #tpu.memory_space<hbm>>) dst(%dma_wait3A_1387 : memref<128x768xf32, #tpu.memory_space<hbm>>)
    %dma_wait3A_1392 = arith.constant 13 : i32
    %dma_wait3A_1393 = arith.constant 0 : i32
    %dma_wait3A_1394 = arith.constant 0 : i32
    %dma_wait3A_1395 = tpu.memref_slice %arg3[%add3A_635, %dma_wait3A_1392, %dma_wait3A_1393, %dma_wait3A_1394] : memref<8x16x128x768xf32, #tpu.memory_space<hbm>> -> memref<1x1x128x768xf32, #tpu.memory_space<hbm>>
    %dma_wait3A_1396 = tpu.memref_squeeze %dma_wait3A_1395 : memref<1x1x128x768xf32, #tpu.memory_space<hbm>> -> memref<128x768xf32, #tpu.memory_space<hbm>>
    %dma_wait3A_1397 = arith.constant 0 : i32
    %dma_wait3A_1398 = arith.constant 0 : i32
    %dma_wait3A_1399 = tpu.memref_slice %arg1[%add3A_635, %get3A_808, %dma_wait3A_1397, %dma_wait3A_1398] : memref<8x64x128x768xf32, #tpu.memory_space<hbm>> -> memref<1x1x128x768xf32, #tpu.memory_space<hbm>>
    %dma_wait3A_1400 = tpu.memref_squeeze %dma_wait3A_1399 : memref<1x1x128x768xf32, #tpu.memory_space<hbm>> -> memref<128x768xf32, #tpu.memory_space<hbm>>
    tpu.wait_dma2 semaphore(%arg5 : memref<!tpu.dma_semaphore, #tpu.memory_space<semaphore_mem>>) src(%dma_wait3A_1400 : memref<128x768xf32, #tpu.memory_space<hbm>>) dst(%dma_wait3A_1396 : memref<128x768xf32, #tpu.memory_space<hbm>>)
    %dma_wait3A_1401 = arith.constant 14 : i32
    %dma_wait3A_1402 = arith.constant 0 : i32
    %dma_wait3A_1403 = arith.constant 0 : i32
    %dma_wait3A_1404 = tpu.memref_slice %arg3[%add3A_635, %dma_wait3A_1401, %dma_wait3A_1402, %dma_wait3A_1403] : memref<8x16x128x768xf32, #tpu.memory_space<hbm>> -> memref<1x1x128x768xf32, #tpu.memory_space<hbm>>
    %dma_wait3A_1405 = tpu.memref_squeeze %dma_wait3A_1404 : memref<1x1x128x768xf32, #tpu.memory_space<hbm>> -> memref<128x768xf32, #tpu.memory_space<hbm>>
    %dma_wait3A_1406 = arith.constant 0 : i32
    %dma_wait3A_1407 = arith.constant 0 : i32
    %dma_wait3A_1408 = tpu.memref_slice %arg1[%add3A_635, %get3A_821, %dma_wait3A_1406, %dma_wait3A_1407] : memref<8x64x128x768xf32, #tpu.memory_space<hbm>> -> memref<1x1x128x768xf32, #tpu.memory_space<hbm>>
    %dma_wait3A_1409 = tpu.memref_squeeze %dma_wait3A_1408 : memref<1x1x128x768xf32, #tpu.memory_space<hbm>> -> memref<128x768xf32, #tpu.memory_space<hbm>>
    tpu.wait_dma2 semaphore(%arg5 : memref<!tpu.dma_semaphore, #tpu.memory_space<semaphore_mem>>) src(%dma_wait3A_1409 : memref<128x768xf32, #tpu.memory_space<hbm>>) dst(%dma_wait3A_1405 : memref<128x768xf32, #tpu.memory_space<hbm>>)
    %dma_wait3A_1410 = arith.constant 15 : i32
    %dma_wait3A_1411 = arith.constant 0 : i32
    %dma_wait3A_1412 = arith.constant 0 : i32
    %dma_wait3A_1413 = tpu.memref_slice %arg3[%add3A_635, %dma_wait3A_1410, %dma_wait3A_1411, %dma_wait3A_1412] : memref<8x16x128x768xf32, #tpu.memory_space<hbm>> -> memref<1x1x128x768xf32, #tpu.memory_space<hbm>>
    %dma_wait3A_1414 = tpu.memref_squeeze %dma_wait3A_1413 : memref<1x1x128x768xf32, #tpu.memory_space<hbm>> -> memref<128x768xf32, #tpu.memory_space<hbm>>
    %dma_wait3A_1415 = arith.constant 0 : i32
    %dma_wait3A_1416 = arith.constant 0 : i32
    %dma_wait3A_1417 = tpu.memref_slice %arg1[%add3A_635, %get3A_834, %dma_wait3A_1415, %dma_wait3A_1416] : memref<8x64x128x768xf32, #tpu.memory_space<hbm>> -> memref<1x1x128x768xf32, #tpu.memory_space<hbm>>
    %dma_wait3A_1418 = tpu.memref_squeeze %dma_wait3A_1417 : memref<1x1x128x768xf32, #tpu.memory_space<hbm>> -> memref<128x768xf32, #tpu.memory_space<hbm>>
    tpu.wait_dma2 semaphore(%arg5 : memref<!tpu.dma_semaphore, #tpu.memory_space<semaphore_mem>>) src(%dma_wait3A_1418 : memref<128x768xf32, #tpu.memory_space<hbm>>) dst(%dma_wait3A_1414 : memref<128x768xf32, #tpu.memory_space<hbm>>)
    return
  }
}

module attributes {stable_mosaic.version = 14 : i64} {
  func.func @_topk_mask_body(%arg0: memref<8x64x2xf32, #tpu.memory_space<vmem>>, %arg1: memref<8x64x128xf32, #tpu.memory_space<vmem>>, %arg2: memref<8x16xi32, #tpu.memory_space<vmem>>, %arg3: memref<8x16x128xf32, #tpu.memory_space<vmem>>) attributes {dimension_semantics = [], scalar_prefetch = 0 : i64, scratch_operands = 0 : i64, tpu.core_type = #tpu.core_type<tc>} {
    %get3A = arith.constant 0 : index
    %get3A_0 = arith.constant 0 : index
    %get3A_1 = arith.constant 1 : index
    %get3A_2 = vector.load %arg0[%get3A, %get3A_0, %get3A_1] : memref<8x64x2xf32, #tpu.memory_space<vmem>>, vector<8x64x1xf32>
    %get3A_3 = vector.shape_cast %get3A_2 : vector<8x64x1xf32> to vector<8x64xf32>
    %broadcast_in_dim3A = vector.shape_cast %get3A_3 : vector<8x64xf32> to vector<8x64x1xf32>
    %broadcast_in_dim3A_4 = vector.shape_cast %get3A_3 : vector<8x64xf32> to vector<8x1x64xf32>
    %iota3A = tpu.iota {dimensions = array<i32: 2>} : vector<8x64x64xi32>
    %iota3A_5 = tpu.iota {dimensions = array<i32: 1>} : vector<8x64x64xi32>
    %gt3A = vector.broadcast %broadcast_in_dim3A_4 : vector<8x1x64xf32> to vector<8x64x64xf32>
    %gt3A_6 = vector.broadcast %broadcast_in_dim3A : vector<8x64x1xf32> to vector<8x64x64xf32>
    %gt3A_7 = arith.cmpf ogt, %gt3A, %gt3A_6 : vector<8x64x64xf32>
    %eq3A = vector.broadcast %broadcast_in_dim3A_4 : vector<8x1x64xf32> to vector<8x64x64xf32>
    %eq3A_8 = vector.broadcast %broadcast_in_dim3A : vector<8x64x1xf32> to vector<8x64x64xf32>
    %eq3A_9 = arith.cmpf oeq, %eq3A, %eq3A_8 : vector<8x64x64xf32>
    %lt3A = arith.cmpi slt, %iota3A, %iota3A_5 : vector<8x64x64xi32>
    %and3A = arith.andi %eq3A_9, %lt3A : vector<8x64x64xi1>
    %or3A = arith.ori %gt3A_7, %and3A : vector<8x64x64xi1>
    %convert_element_type3A = arith.extui %or3A : vector<8x64x64xi1> to vector<8x64x64xi32>
    %reduce_sum3A = arith.constant dense<0> : vector<8x64xi32>
    %reduce_sum3A_10 = vector.multi_reduction <add>, %convert_element_type3A, %reduce_sum3A [2] : vector<8x64x64xi32> to vector<8x64xi32>
    %iota3A_11 = tpu.iota {dimensions = array<i32: 1>} : vector<8x16x64xi32>
    %broadcast_in_dim3A_12 = vector.shape_cast %reduce_sum3A_10 : vector<8x64xi32> to vector<8x1x64xi32>
    %eq3A_13 = vector.broadcast %broadcast_in_dim3A_12 : vector<8x1x64xi32> to vector<8x16x64xi32>
    %eq3A_14 = arith.cmpi eq, %eq3A_13, %iota3A_11 : vector<8x16x64xi32>
    %iota3A_15 = tpu.iota {dimensions = array<i32: 2>} : vector<8x16x64xi32>
    %jit3A = arith.constant 0 : i32
    %broadcast_in_dim3A_16 = vector.broadcast %jit3A : i32 to vector<8x16x64xi32>
    %select_n3A = arith.select %eq3A_14, %iota3A_15, %broadcast_in_dim3A_16 : vector<8x16x64xi1>, vector<8x16x64xi32>
    %reduce_sum3A_17 = arith.constant dense<0> : vector<8x16xi32>
    %reduce_sum3A_18 = vector.multi_reduction <add>, %select_n3A, %reduce_sum3A_17 [2] : vector<8x16x64xi32> to vector<8x16xi32>
    %swap3A = arith.constant 0 : index
    %swap3A_19 = arith.constant 0 : index
    %swap3A_20 = vector.load %arg2[%swap3A, %swap3A_19] : memref<8x16xi32, #tpu.memory_space<vmem>>, vector<8x16xi32>
    tpu.vector_store %arg2[%swap3A, %swap3A_19], %reduce_sum3A_18 {strides = array<i32>} : memref<8x16xi32, #tpu.memory_space<vmem>>, vector<8x16xi32>,
    %convert_element_type3A_21 = arith.extui %eq3A_14 : vector<8x16x64xi1> to vector<8x16x64xi32>
    %convert_element_type3A_22 = arith.sitofp %convert_element_type3A_21 : vector<8x16x64xi32> to vector<8x16x64xf32>
    %slice3A = vector.extract_strided_slice %convert_element_type3A_22 {offsets = [0, 0, 0], sizes = [1, 16, 64], strides = [1, 1, 1]} : vector<8x16x64xf32> to vector<1x16x64xf32>
    %squeeze3A = vector.shape_cast %slice3A : vector<1x16x64xf32> to vector<16x64xf32>
    %get3A_23 = arith.constant 0 : index
    %get3A_24 = arith.constant 0 : index
    %get3A_25 = arith.constant 0 : index
    %get3A_26 = vector.load %arg1[%get3A_23, %get3A_24, %get3A_25] : memref<8x64x128xf32, #tpu.memory_space<vmem>>, vector<1x64x128xf32>
    %get3A_27 = vector.shape_cast %get3A_26 : vector<1x64x128xf32> to vector<64x128xf32>
    %dot_general3A = arith.constant dense<0.000000e+00> : vector<16x128xf32>
    %dot_general3A_28 = tpu.matmul %squeeze3A, %get3A_27, %dot_general3A {dimension_numbers = #tpu.dot_dimension_numbers<[1], [0], [0], [1], [0, 0, 1, 1], [], []>, transpose_lhs_hint = false} : vector<16x64xf32>, vector<64x128xf32>, vector<16x128xf32> -> vector<16x128xf32>
    %swap3A_29 = arith.constant 0 : index
    %swap3A_30 = arith.constant 0 : index
    %swap3A_31 = arith.constant 0 : index
    %swap3A_32 = vector.load %arg3[%swap3A_29, %swap3A_30, %swap3A_31] : memref<8x16x128xf32, #tpu.memory_space<vmem>>, vector<1x16x128xf32>
    %swap3A_33 = vector.shape_cast %swap3A_32 : vector<1x16x128xf32> to vector<16x128xf32>
    %swap3A_34 = vector.shape_cast %dot_general3A_28 : vector<16x128xf32> to vector<1x16x128xf32>
    tpu.vector_store %arg3[%swap3A_29, %swap3A_30, %swap3A_31], %swap3A_34 {strides = array<i32>} : memref<8x16x128xf32, #tpu.memory_space<vmem>>, vector<1x16x128xf32>,
    %slice3A_35 = vector.extract_strided_slice %convert_element_type3A_22 {offsets = [1, 0, 0], sizes = [1, 16, 64], strides = [1, 1, 1]} : vector<8x16x64xf32> to vector<1x16x64xf32>
    %squeeze3A_36 = vector.shape_cast %slice3A_35 : vector<1x16x64xf32> to vector<16x64xf32>
    %get3A_37 = arith.constant 1 : index
    %get3A_38 = arith.constant 0 : index
    %get3A_39 = arith.constant 0 : index
    %get3A_40 = vector.load %arg1[%get3A_37, %get3A_38, %get3A_39] : memref<8x64x128xf32, #tpu.memory_space<vmem>>, vector<1x64x128xf32>
    %get3A_41 = vector.shape_cast %get3A_40 : vector<1x64x128xf32> to vector<64x128xf32>
    %dot_general3A_42 = arith.constant dense<0.000000e+00> : vector<16x128xf32>
    %dot_general3A_43 = tpu.matmul %squeeze3A_36, %get3A_41, %dot_general3A_42 {dimension_numbers = #tpu.dot_dimension_numbers<[1], [0], [0], [1], [0, 0, 1, 1], [], []>, transpose_lhs_hint = false} : vector<16x64xf32>, vector<64x128xf32>, vector<16x128xf32> -> vector<16x128xf32>
    %swap3A_44 = arith.constant 1 : index
    %swap3A_45 = arith.constant 0 : index
    %swap3A_46 = arith.constant 0 : index
    %swap3A_47 = vector.load %arg3[%swap3A_44, %swap3A_45, %swap3A_46] : memref<8x16x128xf32, #tpu.memory_space<vmem>>, vector<1x16x128xf32>
    %swap3A_48 = vector.shape_cast %swap3A_47 : vector<1x16x128xf32> to vector<16x128xf32>
    %swap3A_49 = vector.shape_cast %dot_general3A_43 : vector<16x128xf32> to vector<1x16x128xf32>
    tpu.vector_store %arg3[%swap3A_44, %swap3A_45, %swap3A_46], %swap3A_49 {strides = array<i32>} : memref<8x16x128xf32, #tpu.memory_space<vmem>>, vector<1x16x128xf32>,
    %slice3A_50 = vector.extract_strided_slice %convert_element_type3A_22 {offsets = [2, 0, 0], sizes = [1, 16, 64], strides = [1, 1, 1]} : vector<8x16x64xf32> to vector<1x16x64xf32>
    %squeeze3A_51 = vector.shape_cast %slice3A_50 : vector<1x16x64xf32> to vector<16x64xf32>
    %get3A_52 = arith.constant 2 : index
    %get3A_53 = arith.constant 0 : index
    %get3A_54 = arith.constant 0 : index
    %get3A_55 = vector.load %arg1[%get3A_52, %get3A_53, %get3A_54] : memref<8x64x128xf32, #tpu.memory_space<vmem>>, vector<1x64x128xf32>
    %get3A_56 = vector.shape_cast %get3A_55 : vector<1x64x128xf32> to vector<64x128xf32>
    %dot_general3A_57 = arith.constant dense<0.000000e+00> : vector<16x128xf32>
    %dot_general3A_58 = tpu.matmul %squeeze3A_51, %get3A_56, %dot_general3A_57 {dimension_numbers = #tpu.dot_dimension_numbers<[1], [0], [0], [1], [0, 0, 1, 1], [], []>, transpose_lhs_hint = false} : vector<16x64xf32>, vector<64x128xf32>, vector<16x128xf32> -> vector<16x128xf32>
    %swap3A_59 = arith.constant 2 : index
    %swap3A_60 = arith.constant 0 : index
    %swap3A_61 = arith.constant 0 : index
    %swap3A_62 = vector.load %arg3[%swap3A_59, %swap3A_60, %swap3A_61] : memref<8x16x128xf32, #tpu.memory_space<vmem>>, vector<1x16x128xf32>
    %swap3A_63 = vector.shape_cast %swap3A_62 : vector<1x16x128xf32> to vector<16x128xf32>
    %swap3A_64 = vector.shape_cast %dot_general3A_58 : vector<16x128xf32> to vector<1x16x128xf32>
    tpu.vector_store %arg3[%swap3A_59, %swap3A_60, %swap3A_61], %swap3A_64 {strides = array<i32>} : memref<8x16x128xf32, #tpu.memory_space<vmem>>, vector<1x16x128xf32>,
    %slice3A_65 = vector.extract_strided_slice %convert_element_type3A_22 {offsets = [3, 0, 0], sizes = [1, 16, 64], strides = [1, 1, 1]} : vector<8x16x64xf32> to vector<1x16x64xf32>
    %squeeze3A_66 = vector.shape_cast %slice3A_65 : vector<1x16x64xf32> to vector<16x64xf32>
    %get3A_67 = arith.constant 3 : index
    %get3A_68 = arith.constant 0 : index
    %get3A_69 = arith.constant 0 : index
    %get3A_70 = vector.load %arg1[%get3A_67, %get3A_68, %get3A_69] : memref<8x64x128xf32, #tpu.memory_space<vmem>>, vector<1x64x128xf32>
    %get3A_71 = vector.shape_cast %get3A_70 : vector<1x64x128xf32> to vector<64x128xf32>
    %dot_general3A_72 = arith.constant dense<0.000000e+00> : vector<16x128xf32>
    %dot_general3A_73 = tpu.matmul %squeeze3A_66, %get3A_71, %dot_general3A_72 {dimension_numbers = #tpu.dot_dimension_numbers<[1], [0], [0], [1], [0, 0, 1, 1], [], []>, transpose_lhs_hint = false} : vector<16x64xf32>, vector<64x128xf32>, vector<16x128xf32> -> vector<16x128xf32>
    %swap3A_74 = arith.constant 3 : index
    %swap3A_75 = arith.constant 0 : index
    %swap3A_76 = arith.constant 0 : index
    %swap3A_77 = vector.load %arg3[%swap3A_74, %swap3A_75, %swap3A_76] : memref<8x16x128xf32, #tpu.memory_space<vmem>>, vector<1x16x128xf32>
    %swap3A_78 = vector.shape_cast %swap3A_77 : vector<1x16x128xf32> to vector<16x128xf32>
    %swap3A_79 = vector.shape_cast %dot_general3A_73 : vector<16x128xf32> to vector<1x16x128xf32>
    tpu.vector_store %arg3[%swap3A_74, %swap3A_75, %swap3A_76], %swap3A_79 {strides = array<i32>} : memref<8x16x128xf32, #tpu.memory_space<vmem>>, vector<1x16x128xf32>,
    %slice3A_80 = vector.extract_strided_slice %convert_element_type3A_22 {offsets = [4, 0, 0], sizes = [1, 16, 64], strides = [1, 1, 1]} : vector<8x16x64xf32> to vector<1x16x64xf32>
    %squeeze3A_81 = vector.shape_cast %slice3A_80 : vector<1x16x64xf32> to vector<16x64xf32>
    %get3A_82 = arith.constant 4 : index
    %get3A_83 = arith.constant 0 : index
    %get3A_84 = arith.constant 0 : index
    %get3A_85 = vector.load %arg1[%get3A_82, %get3A_83, %get3A_84] : memref<8x64x128xf32, #tpu.memory_space<vmem>>, vector<1x64x128xf32>
    %get3A_86 = vector.shape_cast %get3A_85 : vector<1x64x128xf32> to vector<64x128xf32>
    %dot_general3A_87 = arith.constant dense<0.000000e+00> : vector<16x128xf32>
    %dot_general3A_88 = tpu.matmul %squeeze3A_81, %get3A_86, %dot_general3A_87 {dimension_numbers = #tpu.dot_dimension_numbers<[1], [0], [0], [1], [0, 0, 1, 1], [], []>, transpose_lhs_hint = false} : vector<16x64xf32>, vector<64x128xf32>, vector<16x128xf32> -> vector<16x128xf32>
    %swap3A_89 = arith.constant 4 : index
    %swap3A_90 = arith.constant 0 : index
    %swap3A_91 = arith.constant 0 : index
    %swap3A_92 = vector.load %arg3[%swap3A_89, %swap3A_90, %swap3A_91] : memref<8x16x128xf32, #tpu.memory_space<vmem>>, vector<1x16x128xf32>
    %swap3A_93 = vector.shape_cast %swap3A_92 : vector<1x16x128xf32> to vector<16x128xf32>
    %swap3A_94 = vector.shape_cast %dot_general3A_88 : vector<16x128xf32> to vector<1x16x128xf32>
    tpu.vector_store %arg3[%swap3A_89, %swap3A_90, %swap3A_91], %swap3A_94 {strides = array<i32>} : memref<8x16x128xf32, #tpu.memory_space<vmem>>, vector<1x16x128xf32>,
    %slice3A_95 = vector.extract_strided_slice %convert_element_type3A_22 {offsets = [5, 0, 0], sizes = [1, 16, 64], strides = [1, 1, 1]} : vector<8x16x64xf32> to vector<1x16x64xf32>
    %squeeze3A_96 = vector.shape_cast %slice3A_95 : vector<1x16x64xf32> to vector<16x64xf32>
    %get3A_97 = arith.constant 5 : index
    %get3A_98 = arith.constant 0 : index
    %get3A_99 = arith.constant 0 : index
    %get3A_100 = vector.load %arg1[%get3A_97, %get3A_98, %get3A_99] : memref<8x64x128xf32, #tpu.memory_space<vmem>>, vector<1x64x128xf32>
    %get3A_101 = vector.shape_cast %get3A_100 : vector<1x64x128xf32> to vector<64x128xf32>
    %dot_general3A_102 = arith.constant dense<0.000000e+00> : vector<16x128xf32>
    %dot_general3A_103 = tpu.matmul %squeeze3A_96, %get3A_101, %dot_general3A_102 {dimension_numbers = #tpu.dot_dimension_numbers<[1], [0], [0], [1], [0, 0, 1, 1], [], []>, transpose_lhs_hint = false} : vector<16x64xf32>, vector<64x128xf32>, vector<16x128xf32> -> vector<16x128xf32>
    %swap3A_104 = arith.constant 5 : index
    %swap3A_105 = arith.constant 0 : index
    %swap3A_106 = arith.constant 0 : index
    %swap3A_107 = vector.load %arg3[%swap3A_104, %swap3A_105, %swap3A_106] : memref<8x16x128xf32, #tpu.memory_space<vmem>>, vector<1x16x128xf32>
    %swap3A_108 = vector.shape_cast %swap3A_107 : vector<1x16x128xf32> to vector<16x128xf32>
    %swap3A_109 = vector.shape_cast %dot_general3A_103 : vector<16x128xf32> to vector<1x16x128xf32>
    tpu.vector_store %arg3[%swap3A_104, %swap3A_105, %swap3A_106], %swap3A_109 {strides = array<i32>} : memref<8x16x128xf32, #tpu.memory_space<vmem>>, vector<1x16x128xf32>,
    %slice3A_110 = vector.extract_strided_slice %convert_element_type3A_22 {offsets = [6, 0, 0], sizes = [1, 16, 64], strides = [1, 1, 1]} : vector<8x16x64xf32> to vector<1x16x64xf32>
    %squeeze3A_111 = vector.shape_cast %slice3A_110 : vector<1x16x64xf32> to vector<16x64xf32>
    %get3A_112 = arith.constant 6 : index
    %get3A_113 = arith.constant 0 : index
    %get3A_114 = arith.constant 0 : index
    %get3A_115 = vector.load %arg1[%get3A_112, %get3A_113, %get3A_114] : memref<8x64x128xf32, #tpu.memory_space<vmem>>, vector<1x64x128xf32>
    %get3A_116 = vector.shape_cast %get3A_115 : vector<1x64x128xf32> to vector<64x128xf32>
    %dot_general3A_117 = arith.constant dense<0.000000e+00> : vector<16x128xf32>
    %dot_general3A_118 = tpu.matmul %squeeze3A_111, %get3A_116, %dot_general3A_117 {dimension_numbers = #tpu.dot_dimension_numbers<[1], [0], [0], [1], [0, 0, 1, 1], [], []>, transpose_lhs_hint = false} : vector<16x64xf32>, vector<64x128xf32>, vector<16x128xf32> -> vector<16x128xf32>
    %swap3A_119 = arith.constant 6 : index
    %swap3A_120 = arith.constant 0 : index
    %swap3A_121 = arith.constant 0 : index
    %swap3A_122 = vector.load %arg3[%swap3A_119, %swap3A_120, %swap3A_121] : memref<8x16x128xf32, #tpu.memory_space<vmem>>, vector<1x16x128xf32>
    %swap3A_123 = vector.shape_cast %swap3A_122 : vector<1x16x128xf32> to vector<16x128xf32>
    %swap3A_124 = vector.shape_cast %dot_general3A_118 : vector<16x128xf32> to vector<1x16x128xf32>
    tpu.vector_store %arg3[%swap3A_119, %swap3A_120, %swap3A_121], %swap3A_124 {strides = array<i32>} : memref<8x16x128xf32, #tpu.memory_space<vmem>>, vector<1x16x128xf32>,
    %slice3A_125 = vector.extract_strided_slice %convert_element_type3A_22 {offsets = [7, 0, 0], sizes = [1, 16, 64], strides = [1, 1, 1]} : vector<8x16x64xf32> to vector<1x16x64xf32>
    %squeeze3A_126 = vector.shape_cast %slice3A_125 : vector<1x16x64xf32> to vector<16x64xf32>
    %get3A_127 = arith.constant 7 : index
    %get3A_128 = arith.constant 0 : index
    %get3A_129 = arith.constant 0 : index
    %get3A_130 = vector.load %arg1[%get3A_127, %get3A_128, %get3A_129] : memref<8x64x128xf32, #tpu.memory_space<vmem>>, vector<1x64x128xf32>
    %get3A_131 = vector.shape_cast %get3A_130 : vector<1x64x128xf32> to vector<64x128xf32>
    %dot_general3A_132 = arith.constant dense<0.000000e+00> : vector<16x128xf32>
    %dot_general3A_133 = tpu.matmul %squeeze3A_126, %get3A_131, %dot_general3A_132 {dimension_numbers = #tpu.dot_dimension_numbers<[1], [0], [0], [1], [0, 0, 1, 1], [], []>, transpose_lhs_hint = false} : vector<16x64xf32>, vector<64x128xf32>, vector<16x128xf32> -> vector<16x128xf32>
    %swap3A_134 = arith.constant 7 : index
    %swap3A_135 = arith.constant 0 : index
    %swap3A_136 = arith.constant 0 : index
    %swap3A_137 = vector.load %arg3[%swap3A_134, %swap3A_135, %swap3A_136] : memref<8x16x128xf32, #tpu.memory_space<vmem>>, vector<1x16x128xf32>
    %swap3A_138 = vector.shape_cast %swap3A_137 : vector<1x16x128xf32> to vector<16x128xf32>
    %swap3A_139 = vector.shape_cast %dot_general3A_133 : vector<16x128xf32> to vector<1x16x128xf32>
    tpu.vector_store %arg3[%swap3A_134, %swap3A_135, %swap3A_136], %swap3A_139 {strides = array<i32>} : memref<8x16x128xf32, #tpu.memory_space<vmem>>, vector<1x16x128xf32>,
    return
  }
}

</mosaic_0001>

<sc_bundles>
// kernel: kernel.4.cloned.1.call-start
scs
__scs_entry_jumppad:
0x0: {  	(pc) =	sbr.rel $0x88, $3  }
0x1: {  	(tag) =	ssettag $0x0;
	lr =	simm.s32 $0x1  }
0x2: {  	[smem:$0x3F9E] =	sst lr;
	_ =	strace $0xD0000000  }
0x3: {  	_ = 	snop  }
0x4: {  	_ = 	snop  }
0x5: {  	_ = 	snop  }
0x6: {  	_ = 	snop  }
0x7: {  	_ = 	snop  }
__scs_overlays_trampoline_lowered:
0x8: {  	[smem:$0x3FAD] =	sst s0  }
0x9: {  	[smem:$0x3FAE] =	sst s1  }
0xa: {  	[smem:$0x3FAF] =	sst s2  }
0xb: {  	[smem:$0x3FB0] =	sst s3  }
0xc: {  	[smem:$0x3FB1] =	sst s4  }
0xd: {  	[smem:$0x3FB2] =	sst s5  }
0xe: {  	[smem:$0x3FB3] =	sst s6  }
0xf: {  	[smem:$0x3FB4] =	sst s7  }
0x10: {  	[smem:$0x3FB5] =	sst s8  }
0x11: {  	[smem:$0x3FB6] =	sst s9;
	s0 =	simm.s32 @!p0 $0x0  }
0x12: {  	s1 =	sld [smem:$0x3F9C];
	s0 =	simm.s32 @p0 $0x1  }
0x13: {  	[smem:$0x3FB7] =	sst s0;
	s0 =	simm.s32 @!p1 $0x0  }
0x14: {  	s2 =	sld [smem:$0x3F9B];
	s0 =	simm.s32 @p1 $0x1  }
0x15: {  	[smem:$0x3FB8] =	sst s0;
	s0 =	simm.s32 @!p2 $0x0  }
0x16: {  	s3 =	sld [smem:$0x3FDB];
	s0 =	simm.s32 @p2 $0x1  }
0x17: {  	s4 =	simm.s32 $0x1BF5;
	[smem:$0x3FBA] =	sst s0  }
0x18: {  	s0 =	sld [smem:$0x3F9D];
	_ =	swait.ge [sflag:s4], $0x0  }
0x19: {  	s7 =	sld [smem:$0x3F9E]  }
0x1a: {  	s8 =	sadd.s32 $0xFFFFE003, lr  }
0x1b: {  	s9 =	sadd.s32 $0xFFFFFEF7, lr;
	s5 =	simm.s32 $0xFFFFFFFF;
	p2 =	slt.u32 s8, $0xFFFFF086  }
0x1c: {  	p1 =	slt.u32 s9, $0xF7A;
	s5 =	simm.s32 @!p2 $0x0  }
0x1d: {  	s5 =	simm.s32 @p1 $0x1;
	p0 =	seq.s32 s7, s2  }
0x1e: {  	s7 =	smul.u32 @!p0 $0xF7A, s2;
	p2 =	seq.s32 @!p0 s5, $0x0  }
0x1f: {  	s9 =	smul.u32 $0xF7A, s1;
	s8 =	simm.s32 @!p0 $0x1BF5;
	p2 =	por !p2, p0  }
0x20: {  	[sflag:s8] =	ssyncset.s32 @!p0 $0xFFFFF086;
	s6 =	sadd.s32 @!p0 s3, s7;
	s7 =	simm.s32 @!p0 $0x108  }
0x21: {  	s3 =	sadd.s32 s3, s9;
	s6 =	sadd.s32 @!p0 $0x88, s6;
	s7 =	simm.s32 @p2 $0x1082  }
0x22: {  	[simem:s7], [sflag:s8] =	dma.local @!p0 [hbm:s6], $0xF7A  }
0x23: {  	s9 =	sor.u32 $0xD0000000, s2;
	s6 =	simm.s32 $0x108;
	_ =	swait.ge @!p0 [sflag:s8], $0x0  }
0x24: {  	s3 =	sadd.s32 $0x88, s3;
	s6 =	simm.s32 @!p1 $0x1082;
	[sflag:s4] =	ssyncset.s32 $0xFFFFF086  }
0x25: {  	[simem:s6], [sflag:s4] =	dma.local [hbm:s3], $0xF7A  }
0x26: {  	[smem:$0x3F9E] =	sst s1;
	(tag) =	ssettag s2;
	_ =	strace s9  }
0x27: {  	s1 =	sld [smem:$0x3FAE]  }
0x28: {  	s2 =	sld [smem:$0x3FAF]  }
0x29: {  	s4 =	sld [smem:$0x3FB1]  }
0x2a: {  	p0 =	seq.s32 s5, $0x0;
	s5 =	sld [smem:$0x3FB2]  }
0x2b: {  	s6 =	sld [smem:$0x3FB3]  }
0x2c: {  	s7 =	sld [smem:$0x3FB4]  }
0x2d: {  	s3 =	simm.s32 $0x108;
	s8 =	sld [smem:$0x3FB5]  }
0x2e: {  	s3 =	simm.s32 @!p0 $0x1082;
	s9 =	sld [smem:$0x3FB6]  }
0x2f: {  	lr =	sadd.s32 s0, s3;
	s0 =	sld [smem:$0x3FAD]  }
0x30: {  	s3 =	sld [smem:$0x3FB0]  }
0x31: {  	[smem:$0x3FB9] =	sst s10  }
0x32: {  	s10 =	sld [smem:$0x3FB7];
	_ =	sdelay $0x3  }
0x33: {  	p0 =	seq.s32 s10, $0x1;
	s10 =	sld [smem:$0x3FB9];
	_ =	sdelay $0x3  }
0x34: {  	[smem:$0x3FB9] =	sst s10  }
0x35: {  	s10 =	sld [smem:$0x3FB8];
	_ =	sdelay $0x3  }
0x36: {  	p1 =	seq.s32 s10, $0x1;
	s10 =	sld [smem:$0x3FB9];
	_ =	sdelay $0x3  }
0x37: {  	[smem:$0x3FB9] =	sst s10  }
0x38: {  	s10 =	sld [smem:$0x3FBA]  }
0x39: {  	_ = 	snop;
	(pc) =	sbr.ind lr, $3  }
0x3a: {  	_ = 	snop  }
0x3b: {  	_ = 	snop  }
0x3c: {  	p2 =	seq.s32 s10, $0x1;
	s10 =	sld [smem:$0x3FB9]  }
0x3d: {  	_ =	shalt  }
0x3e: {  	_ =	shalt  }
0x3f: {  	_ =	shalt  }
0x40: {  	_ =	shalt  }
0x41: {  	_ =	shalt  }
0x42: {  	_ =	shalt  }
0x43: {  	_ =	shalt  }
0x44: {  	_ =	shalt  }
0x45: {  	_ =	shalt  }
0x46: {  	_ =	shalt  }
0x47: {  	_ =	shalt  }
0x48: {  	_ =	shalt  }
0x49: {  	_ =	shalt  }
0x4a: {  	_ =	shalt  }
0x4b: {  	_ =	shalt  }
0x4c: {  	_ =	shalt  }
0x4d: {  	_ =	shalt  }
0x4e: {  	_ =	shalt  }
0x4f: {  	_ =	shalt  }
0x50: {  	_ =	shalt  }
0x51: {  	_ =	shalt  }
0x52: {  	_ =	shalt  }
0x53: {  	_ =	shalt  }
0x54: {  	_ =	shalt  }
0x55: {  	_ =	shalt  }
0x56: {  	_ =	shalt  }
0x57: {  	_ =	shalt  }
0x58: {  	_ =	shalt  }
0x59: {  	_ =	shalt  }
0x5a: {  	_ =	shalt  }
0x5b: {  	_ =	shalt  }
0x5c: {  	_ =	shalt  }
0x5d: {  	_ =	shalt  }
0x5e: {  	_ =	shalt  }
0x5f: {  	_ =	shalt  }
0x60: {  	_ =	shalt  }
0x61: {  	_ =	shalt  }
0x62: {  	_ =	shalt  }
0x63: {  	_ =	shalt  }
0x64: {  	_ =	shalt  }
0x65: {  	_ =	shalt  }
0x66: {  	_ =	shalt  }
0x67: {  	_ =	shalt  }
0x68: {  	_ =	shalt  }
0x69: {  	_ =	shalt  }
0x6a: {  	_ =	shalt  }
0x6b: {  	_ =	shalt  }
0x6c: {  	_ =	shalt  }
0x6d: {  	_ =	shalt  }
0x6e: {  	_ =	shalt  }
0x6f: {  	_ =	shalt  }
0x70: {  	_ =	shalt  }
0x71: {  	_ =	shalt  }
0x72: {  	_ =	shalt  }
0x73: {  	_ =	shalt  }
0x74: {  	_ =	shalt  }
0x75: {  	_ =	shalt  }
0x76: {  	_ =	shalt  }
0x77: {  	_ =	shalt  }
0x78: {  	_ =	shalt  }
0x79: {  	_ =	shalt  }
0x7a: {  	_ =	shalt  }
0x7b: {  	_ =	shalt  }
0x7c: {  	_ =	shalt  }
0x7d: {  	_ =	shalt  }
0x7e: {  	_ =	shalt  }
0x7f: {  	_ =	shalt  }
0x80: {  	_ =	shalt  }
0x81: {  	_ =	shalt  }
0x82: {  	_ =	shalt  }
0x83: {  	_ =	shalt  }
0x84: {  	_ =	shalt  }
0x85: {  	_ =	shalt  }
0x86: {  	_ =	shalt  }
0x87: {  	_ =	shalt  }
.Lfunc_end0:
.L_simem_size_0:
called_computation_lowered:
.L_overlay_start_0:
0x88: {  	s2 =	sld [smem:$0x3FD9]  }
0x89: {  	s3 =	sld [smem:$0x3FFE];
	_ =	sdelay $0x1  }
0x8a: {  	s1 =	srdreg.scid  }
0x8b: {  	s0 =	sand.u32 $0x1, s1  }
0x8c: {  	s5 =	sshll.u32 s0, $0xA;
	s2 =	sadd.s32 s3, s2  }
0x8d: {  	s2 =	sadd.s32 s2, s5  }
0x8e: {  	[smem:$0x3FC5] =	sst s2  }
0x8f: {  	_ = 	snop  }
0x90: {  	s2 =	sld [smem:$0x3FD0];
	_ =	sdelay $0x2  }
0x91: {  	s4 =	simm.s32 $0xA;
	s5 =	simm.s32 $0x410;
	s3 =	sld [smem:$0x3FC9]  }
0x92: {  	[smem:s5], [sflag:s4] =	dma.local [hbm:s2], $0x1  }
0x93: {  	_ =	swait.eq [sflag:s4], $0x1  }
0x94: {  	[sflag:s4] =	ssyncset.done $0x0  }
0x95: {  	s6 =	simm.s32 $0x0;
	[sflag:s4] =	ssyncadd.s32 $0xFFFFFFFF;
	s4 =	sld [smem:$0x410]  }
0x96: {  	[smem:$0xF] =	sst s6  }
0x97: {  	(tm) =	ssettm $0x1  }
0x98: {  	s7 =	sld [smem:$0x3FFB];
	_ =	sdelay $0x3  }
0x99: {  	_ =	strace s7  }
0x9a: {  	s2 =	sld [smem:$0x3FFC];
	_ =	sdelay $0x3  }
0x9b: {  	_ =	strace s2  }
0x9c: {  	s2 =	sld [smem:$0x3FFD];
	_ =	sdelay $0x3  }
0x9d: {  	_ =	strace s2  }
0x9e: {  	s8 =	simm.s32 $0x1B8B;
	_ =	strace $0x8FFFFFFF  }
0x9f: {  	_ =	swait.ge [sflag:s8], $0x1  }
0xa0: {  	s9 =	sld [smem:$0x3FFE]  }
0xa1: {  	[sflag:s8] =	ssyncset.done $0x0  }
0xa2: {  	s10 =	simm.s32 $0x1B8E;
	[sflag:s8] =	ssyncadd.s32 $0xFFFFFFFF  }
0xa3: {  	s6 =	simm.s32 $0x10;
	[smem:$0x3FD2] =	sst s10  }
0xa4: {  	s2 =	simm.s32 $0x9;
	_ =	strace $0x80000046;
	s5 =	sadd.s32 $0xA00, s9  }
0xa5: {  	[smem:s6], [sflag:s2] =	dma.local [hbm:s5], $0x80  }
0xa6: {  	_ =	swait.ge [sflag:s2], $0x80  }
0xa7: {  	s5 =	sshll.u32 s0, $0x9;
	[sflag:s2] =	ssyncset.done $0x0  }
0xa8: {  	s11 =	sor.u32 $0x10, s5;
	[sflag:s2] =	ssyncadd.s32 $0xFFFFFF80  }
0xa9: {  	s7 =	sld [smem:s11+$0x0];
	_ =	sdelay $0x2  }
0xaa: {  	s6 =	smul.u32 $0x1800000, s0  }
0xab: {  	s7 =	smul.u32 $0x18000, s7;
	_ =	sdelay $0x1  }
0xac: {  	s8 =	smul.u32 $0xC0000, s0;
	s7 =	sadd.s32 s6, s7  }
0xad: {  	s9 =	sshrl.u32 s7, $0x3  }
0xae: {  	s13 =	sor.u32 $0x11, s5;
	s7 =	sadd.s32 s8, s4;
	s12 =	sadd.s32 s3, s9  }
0xaf: {  	[hbm:s7], [sflag:s2] =	dma.local [hbm:s12], $0x3000  }
0xb0: {  	s8 =	sld [smem:s13+$0x0];
	_ =	sdelay $0x3  }
0xb1: {  	s8 =	smul.u32 $0x18000, s8;
	_ =	sdelay $0x1  }
0xb2: {  	s8 =	sadd.s32 s6, s8  }
0xb3: {  	s8 =	sshrl.u32 s8, $0x3  }
0xb4: {  	s15 =	sor.u32 $0x12, s5;
	s14 =	sadd.s32 $0x3000, s7;
	s8 =	sadd.s32 s3, s8  }
0xb5: {  	[hbm:s14], [sflag:s2] =	dma.local [hbm:s8], $0x3000  }
0xb6: {  	s8 =	sld [smem:s15+$0x0];
	_ =	sdelay $0x3  }
0xb7: {  	s8 =	smul.u32 $0x18000, s8;
	_ =	sdelay $0x1  }
0xb8: {  	s8 =	sadd.s32 s6, s8  }
0xb9: {  	s8 =	sshrl.u32 s8, $0x3  }
0xba: {  	s17 =	sor.u32 $0x13, s5;
	s16 =	sadd.s32 $0x6000, s7;
	s8 =	sadd.s32 s3, s8  }
0xbb: {  	[hbm:s16], [sflag:s2] =	dma.local [hbm:s8], $0x3000  }
0xbc: {  	s8 =	sld [smem:s17+$0x0];
	_ =	sdelay $0x3  }
0xbd: {  	s8 =	smul.u32 $0x18000, s8;
	_ =	sdelay $0x1  }
0xbe: {  	s8 =	sadd.s32 s6, s8  }
0xbf: {  	s8 =	sshrl.u32 s8, $0x3  }
0xc0: {  	s19 =	sor.u32 $0x14, s5;
	s18 =	sadd.s32 $0x9000, s7;
	s8 =	sadd.s32 s3, s8  }
0xc1: {  	[hbm:s18], [sflag:s2] =	dma.local [hbm:s8], $0x3000  }
0xc2: {  	s8 =	sld [smem:s19+$0x0];
	_ =	sdelay $0x3  }
0xc3: {  	s8 =	smul.u32 $0x18000, s8;
	_ =	sdelay $0x1  }
0xc4: {  	s8 =	sadd.s32 s6, s8  }
0xc5: {  	s8 =	sshrl.u32 s8, $0x3  }
0xc6: {  	s21 =	sor.u32 $0x15, s5;
	s20 =	sadd.s32 $0xC000, s7;
	s8 =	sadd.s32 s3, s8  }
0xc7: {  	[hbm:s20], [sflag:s2] =	dma.local [hbm:s8], $0x3000  }
0xc8: {  	s8 =	sld [smem:s21+$0x0];
	_ =	sdelay $0x3  }
0xc9: {  	s8 =	smul.u32 $0x18000, s8;
	_ =	sdelay $0x1  }
0xca: {  	s8 =	sadd.s32 s6, s8  }
0xcb: {  	s8 =	sshrl.u32 s8, $0x3  }
0xcc: {  	s23 =	sor.u32 $0x16, s5;
	s22 =	sadd.s32 $0xF000, s7;
	s8 =	sadd.s32 s3, s8  }
0xcd: {  	[hbm:s22], [sflag:s2] =	dma.local [hbm:s8], $0x3000  }
0xce: {  	s8 =	sld [smem:s23+$0x0];
	_ =	sdelay $0x3  }
0xcf: {  	s8 =	smul.u32 $0x18000, s8;
	_ =	sdelay $0x1  }
0xd0: {  	s8 =	sadd.s32 s6, s8  }
0xd1: {  	s8 =	sshrl.u32 s8, $0x3  }
0xd2: {  	s25 =	sor.u32 $0x17, s5;
	s24 =	sadd.s32 $0x12000, s7;
	s8 =	sadd.s32 s3, s8  }
0xd3: {  	[hbm:s24], [sflag:s2] =	dma.local [hbm:s8], $0x3000  }
0xd4: {  	s8 =	sld [smem:s25+$0x0];
	_ =	sdelay $0x3  }
0xd5: {  	s8 =	smul.u32 $0x18000, s8;
	_ =	sdelay $0x1  }
0xd6: {  	s8 =	sadd.s32 s6, s8  }
0xd7: {  	s8 =	sshrl.u32 s8, $0x3  }
0xd8: {  	s28 =	sor.u32 $0x18, s5;
	s26 =	sadd.s32 $0x15000, s7;
	s8 =	sadd.s32 s3, s8  }
0xd9: {  	[hbm:s26], [sflag:s2] =	dma.local [hbm:s8], $0x3000  }
0xda: {  	s8 =	sld [smem:s28+$0x0];
	_ =	sdelay $0x3  }
0xdb: {  	s8 =	smul.u32 $0x18000, s8;
	_ =	sdelay $0x1  }
0xdc: {  	s8 =	sadd.s32 s6, s8  }
0xdd: {  	s8 =	sshrl.u32 s8, $0x3  }
0xde: {  	s30 =	sor.u32 $0x19, s5;
	s29 =	sadd.s32 $0x18000, s7;
	s8 =	sadd.s32 s3, s8  }
0xdf: {  	[hbm:s29], [sflag:s2] =	dma.local [hbm:s8], $0x3000  }
0xe0: {  	s8 =	sld [smem:s30+$0x0];
	_ =	sdelay $0x3  }
0xe1: {  	s8 =	smul.u32 $0x18000, s8;
	_ =	sdelay $0x1  }
0xe2: {  	s8 =	sadd.s32 s6, s8  }
0xe3: {  	s8 =	sshrl.u32 s8, $0x3  }
0xe4: {  	s31 =	sadd.s32 $0x1B000, s7;
	s9 =	sor.u32 $0x1A, s5;
	s8 =	sadd.s32 s3, s8  }
0xe5: {  	[hbm:s31], [sflag:s2] =	dma.local [hbm:s8], $0x3000  }
0xe6: {  	s8 =	sld [smem:s9+$0x0];
	_ =	sdelay $0x3  }
0xe7: {  	s8 =	smul.u32 $0x18000, s8;
	_ =	sdelay $0x1  }
0xe8: {  	s8 =	sadd.s32 s6, s8  }
0xe9: {  	s8 =	sshrl.u32 s8, $0x3  }
0xea: {  	s11 =	sor.u32 $0x1B, s5;
	s10 =	sadd.s32 $0x1E000, s7;
	s8 =	sadd.s32 s3, s8  }
0xeb: {  	[hbm:s10], [sflag:s2] =	dma.local [hbm:s8], $0x3000  }
0xec: {  	s8 =	sld [smem:s11+$0x0];
	_ =	sdelay $0x3  }
0xed: {  	s8 =	smul.u32 $0x18000, s8;
	_ =	sdelay $0x1  }
0xee: {  	s8 =	sadd.s32 s6, s8  }
0xef: {  	s8 =	sshrl.u32 s8, $0x3  }
0xf0: {  	s12 =	sadd.s32 $0x21000, s7;
	s13 =	sor.u32 $0x1C, s5;
	s8 =	sadd.s32 s3, s8  }
0xf1: {  	[hbm:s12], [sflag:s2] =	dma.local [hbm:s8], $0x3000  }
0xf2: {  	s8 =	sld [smem:s13+$0x0];
	_ =	sdelay $0x3  }
0xf3: {  	s8 =	smul.u32 $0x18000, s8;
	_ =	sdelay $0x1  }
0xf4: {  	s8 =	sadd.s32 s6, s8  }
0xf5: {  	s8 =	sshrl.u32 s8, $0x3  }
0xf6: {  	s14 =	sadd.s32 $0x24000, s7;
	s15 =	sor.u32 $0x1D, s5;
	s8 =	sadd.s32 s3, s8  }
0xf7: {  	[hbm:s14], [sflag:s2] =	dma.local [hbm:s8], $0x3000  }
0xf8: {  	s8 =	sld [smem:s15+$0x0];
	_ =	sdelay $0x3  }
0xf9: {  	s8 =	smul.u32 $0x18000, s8;
	_ =	sdelay $0x1  }
0xfa: {  	s8 =	sadd.s32 s6, s8  }
0xfb: {  	s8 =	sshrl.u32 s8, $0x3  }
0xfc: {  	s16 =	sadd.s32 $0x27000, s7;
	s17 =	sor.u32 $0x1E, s5;
	s8 =	sadd.s32 s3, s8  }
0xfd: {  	[hbm:s16], [sflag:s2] =	dma.local [hbm:s8], $0x3000  }
0xfe: {  	s8 =	sld [smem:s17+$0x0];
	_ =	sdelay $0x3  }
0xff: {  	s8 =	smul.u32 $0x18000, s8;
	_ =	sdelay $0x1  }
0x100: {  	s8 =	sadd.s32 s6, s8  }
0x101: {  	s8 =	sshrl.u32 s8, $0x3  }
0x102: {  	s5 =	sor.u32 $0x1F, s5;
	s18 =	sadd.s32 $0x2A000, s7;
	s8 =	sadd.s32 s3, s8  }
0x103: {  	[hbm:s18], [sflag:s2] =	dma.local [hbm:s8], $0x3000  }
0x104: {  	s5 =	sld [smem:s5+$0x0];
	_ =	sdelay $0x3  }
0x105: {  	s5 =	smul.u32 $0x18000, s5;
	_ =	sdelay $0x1  }
0x106: {  	s5 =	sadd.s32 s6, s5  }
0x107: {  	s6 =	sshrl.u32 s5, $0x3;
	s5 =	sshll.u32 s0, $0x2  }
0x108: {  	s7 =	sadd.s32 $0x2D000, s7;
	s6 =	sadd.s32 s3, s6;
	s19 =	sor.u32 $0x1, s5  }
0x109: {  	[hbm:s7], [sflag:s2] =	dma.local [hbm:s6], $0x3000  }
0x10a: {  	s7 =	sshll.u32 s19, $0x7  }
0x10b: {  	s20 =	sor.u32 $0x10, s7  }
0x10c: {  	s21 =	sld [smem:s20+$0x0];
	_ =	sdelay $0x2  }
0x10d: {  	s6 =	smul.u32 $0x600000, s19  }
0x10e: {  	s9 =	smul.u32 $0x18000, s21  }
0x10f: {  	s8 =	smul.u32 $0x180000, s19  }
0x110: {  	s9 =	sadd.s32 s6, s9  }
0x111: {  	s8 =	sshrl.u32 s8, $0x3;
	s9 =	sshrl.u32 s9, $0x3  }
0x112: {  	s22 =	sor.u32 $0x11, s7;
	s8 =	sadd.s32 s8, s4;
	s9 =	sadd.s32 s3, s9  }
0x113: {  	[hbm:s8], [sflag:s2] =	dma.local [hbm:s9], $0x3000  }
0x114: {  	s9 =	sld [smem:s22+$0x0];
	_ =	sdelay $0x3  }
0x115: {  	s9 =	smul.u32 $0x18000, s9;
	_ =	sdelay $0x1  }
0x116: {  	s9 =	sadd.s32 s6, s9  }
0x117: {  	s9 =	sshrl.u32 s9, $0x3  }
0x118: {  	s23 =	sor.u32 $0x12, s7;
	s10 =	sadd.s32 $0x3000, s8;
	s9 =	sadd.s32 s3, s9  }
0x119: {  	[hbm:s10], [sflag:s2] =	dma.local [hbm:s9], $0x3000  }
0x11a: {  	s9 =	sld [smem:s23+$0x0];
	_ =	sdelay $0x3  }
0x11b: {  	s9 =	smul.u32 $0x18000, s9;
	_ =	sdelay $0x1  }
0x11c: {  	s9 =	sadd.s32 s6, s9  }
0x11d: {  	s9 =	sshrl.u32 s9, $0x3  }
0x11e: {  	s25 =	sor.u32 $0x13, s7;
	s24 =	sadd.s32 $0x6000, s8;
	s9 =	sadd.s32 s3, s9  }
0x11f: {  	[hbm:s24], [sflag:s2] =	dma.local [hbm:s9], $0x3000  }
0x120: {  	s9 =	sld [smem:s25+$0x0];
	_ =	sdelay $0x3  }
0x121: {  	s9 =	smul.u32 $0x18000, s9;
	_ =	sdelay $0x1  }
0x122: {  	s9 =	sadd.s32 s6, s9  }
0x123: {  	s9 =	sshrl.u32 s9, $0x3  }
0x124: {  	s28 =	sor.u32 $0x14, s7;
	s26 =	sadd.s32 $0x9000, s8;
	s9 =	sadd.s32 s3, s9  }
0x125: {  	[hbm:s26], [sflag:s2] =	dma.local [hbm:s9], $0x3000  }
0x126: {  	s9 =	sld [smem:s28+$0x0];
	_ =	sdelay $0x3  }
0x127: {  	s9 =	smul.u32 $0x18000, s9;
	_ =	sdelay $0x1  }
0x128: {  	s9 =	sadd.s32 s6, s9  }
0x129: {  	s9 =	sshrl.u32 s9, $0x3  }
0x12a: {  	s30 =	sor.u32 $0x15, s7;
	s29 =	sadd.s32 $0xC000, s8;
	s9 =	sadd.s32 s3, s9  }
0x12b: {  	[hbm:s29], [sflag:s2] =	dma.local [hbm:s9], $0x3000  }
0x12c: {  	s9 =	sld [smem:s30+$0x0];
	_ =	sdelay $0x3  }
0x12d: {  	s9 =	smul.u32 $0x18000, s9;
	_ =	sdelay $0x1  }
0x12e: {  	s9 =	sadd.s32 s6, s9  }
0x12f: {  	s9 =	sshrl.u32 s9, $0x3  }
0x130: {  	s11 =	sor.u32 $0x16, s7;
	s31 =	sadd.s32 $0xF000, s8;
	s9 =	sadd.s32 s3, s9  }
0x131: {  	[hbm:s31], [sflag:s2] =	dma.local [hbm:s9], $0x3000  }
0x132: {  	s9 =	sld [smem:s11+$0x0];
	_ =	sdelay $0x3  }
0x133: {  	s9 =	smul.u32 $0x18000, s9;
	_ =	sdelay $0x1  }
0x134: {  	s9 =	sadd.s32 s6, s9  }
0x135: {  	s9 =	sshrl.u32 s9, $0x3  }
0x136: {  	s13 =	sor.u32 $0x17, s7;
	s12 =	sadd.s32 $0x12000, s8;
	s9 =	sadd.s32 s3, s9  }
0x137: {  	[hbm:s12], [sflag:s2] =	dma.local [hbm:s9], $0x3000  }
0x138: {  	s9 =	sld [smem:s13+$0x0];
	_ =	sdelay $0x3  }
0x139: {  	s9 =	smul.u32 $0x18000, s9;
	_ =	sdelay $0x1  }
0x13a: {  	s9 =	sadd.s32 s6, s9  }
0x13b: {  	s9 =	sshrl.u32 s9, $0x3  }
0x13c: {  	s15 =	sor.u32 $0x18, s7;
	s14 =	sadd.s32 $0x15000, s8;
	s9 =	sadd.s32 s3, s9  }
0x13d: {  	[hbm:s14], [sflag:s2] =	dma.local [hbm:s9], $0x3000  }
0x13e: {  	s9 =	sld [smem:s15+$0x0];
	_ =	sdelay $0x3  }
0x13f: {  	s9 =	smul.u32 $0x18000, s9;
	_ =	sdelay $0x1  }
0x140: {  	s9 =	sadd.s32 s6, s9  }
0x141: {  	s9 =	sshrl.u32 s9, $0x3  }
0x142: {  	s17 =	sor.u32 $0x19, s7;
	s16 =	sadd.s32 $0x18000, s8;
	s9 =	sadd.s32 s3, s9  }
0x143: {  	[hbm:s16], [sflag:s2] =	dma.local [hbm:s9], $0x3000  }
0x144: {  	s9 =	sld [smem:s17+$0x0];
	_ =	sdelay $0x3  }
0x145: {  	s9 =	smul.u32 $0x18000, s9;
	_ =	sdelay $0x1  }
0x146: {  	s9 =	sadd.s32 s6, s9  }
0x147: {  	s9 =	sshrl.u32 s9, $0x3  }
0x148: {  	s19 =	sor.u32 $0x1A, s7;
	s18 =	sadd.s32 $0x1B000, s8;
	s9 =	sadd.s32 s3, s9  }
0x149: {  	[hbm:s18], [sflag:s2] =	dma.local [hbm:s9], $0x3000  }
0x14a: {  	s9 =	sld [smem:s19+$0x0];
	_ =	sdelay $0x3  }
0x14b: {  	s9 =	smul.u32 $0x18000, s9;
	_ =	sdelay $0x1  }
0x14c: {  	s9 =	sadd.s32 s6, s9  }
0x14d: {  	s9 =	sshrl.u32 s9, $0x3  }
0x14e: {  	s20 =	sadd.s32 $0x1E000, s8;
	s21 =	sor.u32 $0x1B, s7;
	s9 =	sadd.s32 s3, s9  }
0x14f: {  	[hbm:s20], [sflag:s2] =	dma.local [hbm:s9], $0x3000  }
0x150: {  	s9 =	sld [smem:s21+$0x0];
	_ =	sdelay $0x3  }
0x151: {  	s9 =	smul.u32 $0x18000, s9;
	_ =	sdelay $0x1  }
0x152: {  	s9 =	sadd.s32 s6, s9  }
0x153: {  	s9 =	sshrl.u32 s9, $0x3  }
0x154: {  	s22 =	sadd.s32 $0x21000, s8;
	s23 =	sor.u32 $0x1C, s7;
	s9 =	sadd.s32 s3, s9  }
0x155: {  	[hbm:s22], [sflag:s2] =	dma.local [hbm:s9], $0x3000  }
0x156: {  	s9 =	sld [smem:s23+$0x0];
	_ =	sdelay $0x3  }
0x157: {  	s9 =	smul.u32 $0x18000, s9;
	_ =	sdelay $0x1  }
0x158: {  	s9 =	sadd.s32 s6, s9  }
0x159: {  	s9 =	sshrl.u32 s9, $0x3  }
0x15a: {  	s24 =	sadd.s32 $0x24000, s8;
	s25 =	sor.u32 $0x1D, s7;
	s9 =	sadd.s32 s3, s9  }
0x15b: {  	[hbm:s24], [sflag:s2] =	dma.local [hbm:s9], $0x3000  }
0x15c: {  	s9 =	sld [smem:s25+$0x0];
	_ =	sdelay $0x3  }
0x15d: {  	s9 =	smul.u32 $0x18000, s9;
	_ =	sdelay $0x1  }
0x15e: {  	s9 =	sadd.s32 s6, s9  }
0x15f: {  	s9 =	sshrl.u32 s9, $0x3  }
0x160: {  	s26 =	sadd.s32 $0x27000, s8;
	s28 =	sor.u32 $0x1E, s7;
	s9 =	sadd.s32 s3, s9  }
0x161: {  	[hbm:s26], [sflag:s2] =	dma.local [hbm:s9], $0x3000  }
0x162: {  	s9 =	sld [smem:s28+$0x0];
	_ =	sdelay $0x3  }
0x163: {  	s9 =	smul.u32 $0x18000, s9;
	_ =	sdelay $0x1  }
0x164: {  	s9 =	sadd.s32 s6, s9  }
0x165: {  	s9 =	sshrl.u32 s9, $0x3  }
0x166: {  	s7 =	sor.u32 $0x1F, s7;
	s29 =	sadd.s32 $0x2A000, s8;
	s9 =	sadd.s32 s3, s9  }
0x167: {  	[hbm:s29], [sflag:s2] =	dma.local [hbm:s9], $0x3000  }
0x168: {  	s7 =	sld [smem:s7+$0x0];
	_ =	sdelay $0x3  }
0x169: {  	s7 =	smul.u32 $0x18000, s7;
	_ =	sdelay $0x1  }
0x16a: {  	s6 =	sadd.s32 s6, s7  }
0x16b: {  	s6 =	sshrl.u32 s6, $0x3  }
0x16c: {  	s30 =	sadd.s32 $0x2D000, s8;
	s31 =	sor.u32 $0x2, s5;
	s6 =	sadd.s32 s3, s6  }
0x16d: {  	[hbm:s30], [sflag:s2] =	dma.local [hbm:s6], $0x3000  }
0x16e: {  	s6 =	sshll.u32 s31, $0x7  }
0x16f: {  	s9 =	sor.u32 $0x10, s6  }
0x170: {  	s10 =	sld [smem:s9+$0x0];
	_ =	sdelay $0x2  }
0x171: {  	s5 =	smul.u32 $0x600000, s31  }
0x172: {  	s8 =	smul.u32 $0x18000, s10  }
0x173: {  	s7 =	smul.u32 $0x180000, s31  }
0x174: {  	s8 =	sadd.s32 s5, s8  }
0x175: {  	s7 =	sshrl.u32 s7, $0x3;
	s8 =	sshrl.u32 s8, $0x3  }
0x176: {  	s7 =	sadd.s32 s7, s4;
	s11 =	sor.u32 $0x11, s6;
	s8 =	sadd.s32 s3, s8  }
0x177: {  	[hbm:s7], [sflag:s2] =	dma.local [hbm:s8], $0x3000  }
0x178: {  	s8 =	sld [smem:s11+$0x0];
	_ =	sdelay $0x3  }
0x179: {  	s8 =	smul.u32 $0x18000, s8;
	_ =	sdelay $0x1  }
0x17a: {  	s8 =	sadd.s32 s5, s8  }
0x17b: {  	s8 =	sshrl.u32 s8, $0x3  }
0x17c: {  	s12 =	sadd.s32 $0x3000, s7;
	s13 =	sor.u32 $0x12, s6;
	s8 =	sadd.s32 s3, s8  }
0x17d: {  	[hbm:s12], [sflag:s2] =	dma.local [hbm:s8], $0x3000  }
0x17e: {  	s8 =	sld [smem:s13+$0x0];
	_ =	sdelay $0x3  }
0x17f: {  	s8 =	smul.u32 $0x18000, s8;
	_ =	sdelay $0x1  }
0x180: {  	s8 =	sadd.s32 s5, s8  }
0x181: {  	s8 =	sshrl.u32 s8, $0x3  }
0x182: {  	s14 =	sadd.s32 $0x6000, s7;
	s15 =	sor.u32 $0x13, s6;
	s8 =	sadd.s32 s3, s8  }
0x183: {  	[hbm:s14], [sflag:s2] =	dma.local [hbm:s8], $0x3000  }
0x184: {  	s8 =	sld [smem:s15+$0x0];
	_ =	sdelay $0x3  }
0x185: {  	s8 =	smul.u32 $0x18000, s8;
	_ =	sdelay $0x1  }
0x186: {  	s8 =	sadd.s32 s5, s8  }
0x187: {  	s8 =	sshrl.u32 s8, $0x3  }
0x188: {  	s16 =	sadd.s32 $0x9000, s7;
	s17 =	sor.u32 $0x14, s6;
	s8 =	sadd.s32 s3, s8  }
0x189: {  	[hbm:s16], [sflag:s2] =	dma.local [hbm:s8], $0x3000  }
0x18a: {  	s8 =	sld [smem:s17+$0x0];
	_ =	sdelay $0x3  }
0x18b: {  	s8 =	smul.u32 $0x18000, s8;
	_ =	sdelay $0x1  }
0x18c: {  	s8 =	sadd.s32 s5, s8  }
0x18d: {  	s8 =	sshrl.u32 s8, $0x3  }
0x18e: {  	s18 =	sadd.s32 $0xC000, s7;
	s19 =	sor.u32 $0x15, s6;
	s8 =	sadd.s32 s3, s8  }
0x18f: {  	[hbm:s18], [sflag:s2] =	dma.local [hbm:s8], $0x3000  }
0x190: {  	s8 =	sld [smem:s19+$0x0];
	_ =	sdelay $0x3  }
0x191: {  	s8 =	smul.u32 $0x18000, s8;
	_ =	sdelay $0x1  }
0x192: {  	s8 =	sadd.s32 s5, s8  }
0x193: {  	s8 =	sshrl.u32 s8, $0x3  }
0x194: {  	s20 =	sadd.s32 $0xF000, s7;
	s21 =	sor.u32 $0x16, s6;
	s8 =	sadd.s32 s3, s8  }
0x195: {  	[hbm:s20], [sflag:s2] =	dma.local [hbm:s8], $0x3000  }
0x196: {  	s8 =	sld [smem:s21+$0x0];
	_ =	sdelay $0x3  }
0x197: {  	s8 =	smul.u32 $0x18000, s8;
	_ =	sdelay $0x1  }
0x198: {  	s8 =	sadd.s32 s5, s8  }
0x199: {  	s8 =	sshrl.u32 s8, $0x3  }
0x19a: {  	s22 =	sadd.s32 $0x12000, s7;
	s23 =	sor.u32 $0x17, s6;
	s8 =	sadd.s32 s3, s8  }
0x19b: {  	[hbm:s22], [sflag:s2] =	dma.local [hbm:s8], $0x3000  }
0x19c: {  	s8 =	sld [smem:s23+$0x0];
	_ =	sdelay $0x3  }
0x19d: {  	s8 =	smul.u32 $0x18000, s8;
	_ =	sdelay $0x1  }
0x19e: {  	s8 =	sadd.s32 s5, s8  }
0x19f: {  	s8 =	sshrl.u32 s8, $0x3  }
0x1a0: {  	s24 =	sadd.s32 $0x15000, s7;
	s25 =	sor.u32 $0x18, s6;
	s8 =	sadd.s32 s3, s8  }
0x1a1: {  	[hbm:s24], [sflag:s2] =	dma.local [hbm:s8], $0x3000  }
0x1a2: {  	s8 =	sld [smem:s25+$0x0];
	_ =	sdelay $0x3  }
0x1a3: {  	s8 =	smul.u32 $0x18000, s8;
	_ =	sdelay $0x1  }
0x1a4: {  	s8 =	sadd.s32 s5, s8  }
0x1a5: {  	s8 =	sshrl.u32 s8, $0x3  }
0x1a6: {  	s26 =	sadd.s32 $0x18000, s7;
	s28 =	sor.u32 $0x19, s6;
	s8 =	sadd.s32 s3, s8  }
0x1a7: {  	[hbm:s26], [sflag:s2] =	dma.local [hbm:s8], $0x3000  }
0x1a8: {  	s8 =	sld [smem:s28+$0x0];
	_ =	sdelay $0x3  }
0x1a9: {  	s8 =	smul.u32 $0x18000, s8;
	_ =	sdelay $0x1  }
0x1aa: {  	s8 =	sadd.s32 s5, s8  }
0x1ab: {  	s8 =	sshrl.u32 s8, $0x3  }
0x1ac: {  	s29 =	sadd.s32 $0x1B000, s7;
	s30 =	sor.u32 $0x1A, s6;
	s8 =	sadd.s32 s3, s8  }
0x1ad: {  	[hbm:s29], [sflag:s2] =	dma.local [hbm:s8], $0x3000  }
0x1ae: {  	s8 =	sld [smem:s30+$0x0];
	_ =	sdelay $0x3  }
0x1af: {  	s8 =	smul.u32 $0x18000, s8;
	_ =	sdelay $0x1  }
0x1b0: {  	s8 =	sadd.s32 s5, s8  }
0x1b1: {  	s8 =	sshrl.u32 s8, $0x3  }
0x1b2: {  	s31 =	sadd.s32 $0x1E000, s7;
	s10 =	sor.u32 $0x1B, s6;
	s8 =	sadd.s32 s3, s8  }
0x1b3: {  	[hbm:s31], [sflag:s2] =	dma.local [hbm:s8], $0x3000  }
0x1b4: {  	s8 =	sld [smem:s10+$0x0];
	_ =	sdelay $0x3  }
0x1b5: {  	s8 =	smul.u32 $0x18000, s8;
	_ =	sdelay $0x1  }
0x1b6: {  	s8 =	sadd.s32 s5, s8  }
0x1b7: {  	s8 =	sshrl.u32 s8, $0x3  }
0x1b8: {  	s11 =	sadd.s32 $0x21000, s7;
	s12 =	sor.u32 $0x1C, s6;
	s8 =	sadd.s32 s3, s8  }
0x1b9: {  	[hbm:s11], [sflag:s2] =	dma.local [hbm:s8], $0x3000  }
0x1ba: {  	s8 =	sld [smem:s12+$0x0];
	_ =	sdelay $0x3  }
0x1bb: {  	s8 =	smul.u32 $0x18000, s8;
	_ =	sdelay $0x1  }
0x1bc: {  	s8 =	sadd.s32 s5, s8  }
0x1bd: {  	s8 =	sshrl.u32 s8, $0x3  }
0x1be: {  	s13 =	sadd.s32 $0x24000, s7;
	s14 =	sor.u32 $0x1D, s6;
	s8 =	sadd.s32 s3, s8  }
0x1bf: {  	[hbm:s13], [sflag:s2] =	dma.local [hbm:s8], $0x3000  }
0x1c0: {  	s8 =	sld [smem:s14+$0x0];
	_ =	sdelay $0x3  }
0x1c1: {  	s8 =	smul.u32 $0x18000, s8;
	_ =	sdelay $0x1  }
0x1c2: {  	s8 =	sadd.s32 s5, s8  }
0x1c3: {  	s8 =	sshrl.u32 s8, $0x3  }
0x1c4: {  	s15 =	sadd.s32 $0x27000, s7;
	s16 =	sor.u32 $0x1E, s6;
	s8 =	sadd.s32 s3, s8  }
0x1c5: {  	[hbm:s15], [sflag:s2] =	dma.local [hbm:s8], $0x3000  }
0x1c6: {  	s8 =	sld [smem:s16+$0x0];
	_ =	sdelay $0x3  }
0x1c7: {  	s8 =	smul.u32 $0x18000, s8;
	_ =	sdelay $0x1  }
0x1c8: {  	s8 =	sadd.s32 s5, s8  }
0x1c9: {  	s8 =	sshrl.u32 s8, $0x3  }
0x1ca: {  	s6 =	sor.u32 $0x1F, s6;
	s17 =	sadd.s32 $0x2A000, s7;
	s8 =	sadd.s32 s3, s8  }
0x1cb: {  	[hbm:s17], [sflag:s2] =	dma.local [hbm:s8], $0x3000  }
0x1cc: {  	s6 =	sld [smem:s6+$0x0];
	_ =	sdelay $0x3  }
0x1cd: {  	s6 =	smul.u32 $0x18000, s6;
	_ =	sdelay $0x1  }
0x1ce: {  	s19 =	sshllo.u32 s0, $0x2;
	s5 =	sadd.s32 s5, s6  }
0x1cf: {  	s6 =	sshll.u32 s19, $0x7;
	s5 =	sshrl.u32 s5, $0x3  }
0x1d0: {  	s18 =	sadd.s32 $0x2D000, s7;
	s20 =	sor.u32 $0x10, s6;
	s5 =	sadd.s32 s3, s5  }
0x1d1: {  	[hbm:s18], [sflag:s2] =	dma.local [hbm:s5], $0x3000  }
0x1d2: {  	s21 =	sld [smem:s20+$0x0];
	_ =	sdelay $0x2  }
0x1d3: {  	s5 =	smul.u32 $0x600000, s19  }
0x1d4: {  	s8 =	smul.u32 $0x18000, s21  }
0x1d5: {  	s7 =	smul.u32 $0x180000, s19  }
0x1d6: {  	s8 =	sadd.s32 s5, s8  }
0x1d7: {  	s7 =	sshrl.u32 s7, $0x3;
	s8 =	sshrl.u32 s8, $0x3  }
0x1d8: {  	s4 =	sadd.s32 s7, s4;
	s23 =	sor.u32 $0x11, s6;
	s22 =	sadd.s32 s3, s8  }
0x1d9: {  	[hbm:s4], [sflag:s2] =	dma.local [hbm:s22], $0x3000  }
0x1da: {  	s7 =	sld [smem:s23+$0x0];
	_ =	sdelay $0x3  }
0x1db: {  	s7 =	smul.u32 $0x18000, s7;
	_ =	sdelay $0x1  }
0x1dc: {  	s7 =	sadd.s32 s5, s7  }
0x1dd: {  	s7 =	sshrl.u32 s7, $0x3  }
0x1de: {  	s24 =	sadd.s32 $0x3000, s4;
	s25 =	sor.u32 $0x12, s6;
	s7 =	sadd.s32 s3, s7  }
0x1df: {  	[hbm:s24], [sflag:s2] =	dma.local [hbm:s7], $0x3000  }
0x1e0: {  	s7 =	sld [smem:s25+$0x0];
	_ =	sdelay $0x3  }
0x1e1: {  	s7 =	smul.u32 $0x18000, s7;
	_ =	sdelay $0x1  }
0x1e2: {  	s7 =	sadd.s32 s5, s7  }
0x1e3: {  	s7 =	sshrl.u32 s7, $0x3  }
0x1e4: {  	s26 =	sadd.s32 $0x6000, s4;
	s28 =	sor.u32 $0x13, s6;
	s7 =	sadd.s32 s3, s7  }
0x1e5: {  	[hbm:s26], [sflag:s2] =	dma.local [hbm:s7], $0x3000  }
0x1e6: {  	s7 =	sld [smem:s28+$0x0];
	_ =	sdelay $0x3  }
0x1e7: {  	s7 =	smul.u32 $0x18000, s7;
	_ =	sdelay $0x1  }
0x1e8: {  	s7 =	sadd.s32 s5, s7  }
0x1e9: {  	s7 =	sshrl.u32 s7, $0x3  }
0x1ea: {  	s29 =	sadd.s32 $0x9000, s4;
	s30 =	sor.u32 $0x14, s6;
	s7 =	sadd.s32 s3, s7  }
0x1eb: {  	[hbm:s29], [sflag:s2] =	dma.local [hbm:s7], $0x3000  }
0x1ec: {  	s7 =	sld [smem:s30+$0x0];
	_ =	sdelay $0x3  }
0x1ed: {  	s7 =	smul.u32 $0x18000, s7;
	_ =	sdelay $0x1  }
0x1ee: {  	s7 =	sadd.s32 s5, s7  }
0x1ef: {  	s7 =	sshrl.u32 s7, $0x3  }
0x1f0: {  	s31 =	sadd.s32 $0xC000, s4;
	s9 =	sor.u32 $0x15, s6;
	s7 =	sadd.s32 s3, s7  }
0x1f1: {  	[hbm:s31], [sflag:s2] =	dma.local [hbm:s7], $0x3000  }
0x1f2: {  	s7 =	sld [smem:s9+$0x0];
	_ =	sdelay $0x3  }
0x1f3: {  	s7 =	smul.u32 $0x18000, s7;
	_ =	sdelay $0x1  }
0x1f4: {  	s7 =	sadd.s32 s5, s7  }
0x1f5: {  	s7 =	sshrl.u32 s7, $0x3  }
0x1f6: {  	s10 =	sadd.s32 $0xF000, s4;
	s11 =	sor.u32 $0x16, s6;
	s7 =	sadd.s32 s3, s7  }
0x1f7: {  	[hbm:s10], [sflag:s2] =	dma.local [hbm:s7], $0x3000  }
0x1f8: {  	s7 =	sld [smem:s11+$0x0];
	_ =	sdelay $0x3  }
0x1f9: {  	s7 =	smul.u32 $0x18000, s7;
	_ =	sdelay $0x1  }
0x1fa: {  	s7 =	sadd.s32 s5, s7  }
0x1fb: {  	s7 =	sshrl.u32 s7, $0x3  }
0x1fc: {  	s12 =	sadd.s32 $0x12000, s4;
	s13 =	sor.u32 $0x17, s6;
	s7 =	sadd.s32 s3, s7  }
0x1fd: {  	[hbm:s12], [sflag:s2] =	dma.local [hbm:s7], $0x3000  }
0x1fe: {  	s7 =	sld [smem:s13+$0x0];
	_ =	sdelay $0x3  }
0x1ff: {  	s7 =	smul.u32 $0x18000, s7;
	_ =	sdelay $0x1  }
0x200: {  	s7 =	sadd.s32 s5, s7  }
0x201: {  	s7 =	sshrl.u32 s7, $0x3  }
0x202: {  	s14 =	sadd.s32 $0x15000, s4;
	s15 =	sor.u32 $0x18, s6;
	s7 =	sadd.s32 s3, s7  }
0x203: {  	[hbm:s14], [sflag:s2] =	dma.local [hbm:s7], $0x3000  }
0x204: {  	s7 =	sld [smem:s15+$0x0];
	_ =	sdelay $0x3  }
0x205: {  	s7 =	smul.u32 $0x18000, s7;
	_ =	sdelay $0x1  }
0x206: {  	s7 =	sadd.s32 s5, s7  }
0x207: {  	s7 =	sshrl.u32 s7, $0x3  }
0x208: {  	s16 =	sadd.s32 $0x18000, s4;
	s17 =	sor.u32 $0x19, s6;
	s7 =	sadd.s32 s3, s7  }
0x209: {  	[hbm:s16], [sflag:s2] =	dma.local [hbm:s7], $0x3000  }
0x20a: {  	s7 =	sld [smem:s17+$0x0];
	_ =	sdelay $0x3  }
0x20b: {  	s7 =	smul.u32 $0x18000, s7;
	_ =	sdelay $0x1  }
0x20c: {  	s7 =	sadd.s32 s5, s7  }
0x20d: {  	s7 =	sshrl.u32 s7, $0x3  }
0x20e: {  	s18 =	sadd.s32 $0x1B000, s4;
	s19 =	sor.u32 $0x1A, s6;
	s7 =	sadd.s32 s3, s7  }
0x20f: {  	[hbm:s18], [sflag:s2] =	dma.local [hbm:s7], $0x3000  }
0x210: {  	s7 =	sld [smem:s19+$0x0];
	_ =	sdelay $0x3  }
0x211: {  	s7 =	smul.u32 $0x18000, s7;
	_ =	sdelay $0x1  }
0x212: {  	s7 =	sadd.s32 s5, s7  }
0x213: {  	s7 =	sshrl.u32 s7, $0x3  }
0x214: {  	s20 =	sadd.s32 $0x1E000, s4;
	s21 =	sor.u32 $0x1B, s6;
	s7 =	sadd.s32 s3, s7  }
0x215: {  	[hbm:s20], [sflag:s2] =	dma.local [hbm:s7], $0x3000  }
0x216: {  	s7 =	sld [smem:s21+$0x0];
	_ =	sdelay $0x3  }
0x217: {  	s7 =	smul.u32 $0x18000, s7;
	_ =	sdelay $0x1  }
0x218: {  	s7 =	sadd.s32 s5, s7  }
0x219: {  	s7 =	sshrl.u32 s7, $0x3  }
0x21a: {  	s22 =	sadd.s32 $0x21000, s4;
	s23 =	sor.u32 $0x1C, s6;
	s7 =	sadd.s32 s3, s7  }
0x21b: {  	[hbm:s22], [sflag:s2] =	dma.local [hbm:s7], $0x3000  }
0x21c: {  	s7 =	sld [smem:s23+$0x0];
	_ =	sdelay $0x3  }
0x21d: {  	s7 =	smul.u32 $0x18000, s7;
	_ =	sdelay $0x1  }
0x21e: {  	s7 =	sadd.s32 s5, s7  }
0x21f: {  	s7 =	sshrl.u32 s7, $0x3  }
0x220: {  	s24 =	sadd.s32 $0x24000, s4;
	s25 =	sor.u32 $0x1D, s6;
	s7 =	sadd.s32 s3, s7  }
0x221: {  	[hbm:s24], [sflag:s2] =	dma.local [hbm:s7], $0x3000  }
0x222: {  	s7 =	sld [smem:s25+$0x0];
	_ =	sdelay $0x3  }
0x223: {  	s7 =	smul.u32 $0x18000, s7;
	_ =	sdelay $0x1  }
0x224: {  	s7 =	sadd.s32 s5, s7  }
0x225: {  	s7 =	sshrl.u32 s7, $0x3  }
0x226: {  	s26 =	sadd.s32 $0x27000, s4;
	s28 =	sor.u32 $0x1E, s6;
	s7 =	sadd.s32 s3, s7  }
0x227: {  	[hbm:s26], [sflag:s2] =	dma.local [hbm:s7], $0x3000  }
0x228: {  	s7 =	sld [smem:s28+$0x0];
	_ =	sdelay $0x3  }
0x229: {  	s7 =	smul.u32 $0x18000, s7;
	_ =	sdelay $0x1  }
0x22a: {  	s7 =	sadd.s32 s5, s7  }
0x22b: {  	s7 =	sshrl.u32 s7, $0x3  }
0x22c: {  	s6 =	sor.u32 $0x1F, s6;
	s29 =	sadd.s32 $0x2A000, s4;
	s7 =	sadd.s32 s3, s7  }
0x22d: {  	[hbm:s29], [sflag:s2] =	dma.local [hbm:s7], $0x3000  }
0x22e: {  	s6 =	sld [smem:s6+$0x0];
	_ =	sdelay $0x3  }
0x22f: {  	s6 =	smul.u32 $0x18000, s6;
	_ =	sdelay $0x1  }
0x230: {  	s5 =	sadd.s32 s5, s6  }
0x231: {  	s5 =	sshrl.u32 s5, $0x3  }
0x232: {  	s4 =	sadd.s32 $0x2D000, s4;
	s3 =	sadd.s32 s3, s5  }
0x233: {  	[hbm:s4], [sflag:s2] =	dma.local [hbm:s3], $0x3000  }
0x234: {  	_ =	swait.ge [sflag:s2], $0x3000  }
0x235: {  	[sflag:s2] =	ssyncset.done $0x0  }
0x236: {  	[sflag:s2] =	ssyncadd.s32 $0xFFFFD000;
	_ =	sdelay $0x2  }
0x237: {  	_ =	swait.ge [sflag:s2], $0x3000  }
0x238: {  	[sflag:s2] =	ssyncset.done $0x0  }
0x239: {  	[sflag:s2] =	ssyncadd.s32 $0xFFFFD000;
	_ =	sdelay $0x2  }
0x23a: {  	_ =	swait.ge [sflag:s2], $0x3000  }
0x23b: {  	[sflag:s2] =	ssyncset.done $0x0  }
0x23c: {  	[sflag:s2] =	ssyncadd.s32 $0xFFFFD000;
	_ =	sdelay $0x2  }
0x23d: {  	_ =	swait.ge [sflag:s2], $0x3000  }
0x23e: {  	[sflag:s2] =	ssyncset.done $0x0  }
0x23f: {  	[sflag:s2] =	ssyncadd.s32 $0xFFFFD000;
	_ =	sdelay $0x2  }
0x240: {  	_ =	swait.ge [sflag:s2], $0x3000  }
0x241: {  	[sflag:s2] =	ssyncset.done $0x0  }
0x242: {  	[sflag:s2] =	ssyncadd.s32 $0xFFFFD000;
	_ =	sdelay $0x2  }
0x243: {  	_ =	swait.ge [sflag:s2], $0x3000  }
0x244: {  	[sflag:s2] =	ssyncset.done $0x0  }
0x245: {  	[sflag:s2] =	ssyncadd.s32 $0xFFFFD000;
	_ =	sdelay $0x2  }
0x246: {  	_ =	swait.ge [sflag:s2], $0x3000  }
0x247: {  	[sflag:s2] =	ssyncset.done $0x0  }
0x248: {  	[sflag:s2] =	ssyncadd.s32 $0xFFFFD000;
	_ =	sdelay $0x2  }
0x249: {  	_ =	swait.ge [sflag:s2], $0x3000  }
0x24a: {  	[sflag:s2] =	ssyncset.done $0x0  }
0x24b: {  	[sflag:s2] =	ssyncadd.s32 $0xFFFFD000;
	_ =	sdelay $0x2  }
0x24c: {  	_ =	swait.ge [sflag:s2], $0x3000  }
0x24d: {  	[sflag:s2] =	ssyncset.done $0x0  }
0x24e: {  	[sflag:s2] =	ssyncadd.s32 $0xFFFFD000;
	_ =	sdelay $0x2  }
0x24f: {  	_ =	swait.ge [sflag:s2], $0x3000  }
0x250: {  	[sflag:s2] =	ssyncset.done $0x0  }
0x251: {  	[sflag:s2] =	ssyncadd.s32 $0xFFFFD000;
	_ =	sdelay $0x2  }
0x252: {  	_ =	swait.ge [sflag:s2], $0x3000  }
0x253: {  	[sflag:s2] =	ssyncset.done $0x0  }
0x254: {  	[sflag:s2] =	ssyncadd.s32 $0xFFFFD000;
	_ =	sdelay $0x2  }
0x255: {  	_ =	swait.ge [sflag:s2], $0x3000  }
0x256: {  	[sflag:s2] =	ssyncset.done $0x0  }
0x257: {  	[sflag:s2] =	ssyncadd.s32 $0xFFFFD000;
	_ =	sdelay $0x2  }
0x258: {  	_ =	swait.ge [sflag:s2], $0x3000  }
0x259: {  	[sflag:s2] =	ssyncset.done $0x0  }
0x25a: {  	[sflag:s2] =	ssyncadd.s32 $0xFFFFD000;
	_ =	sdelay $0x2  }
0x25b: {  	_ =	swait.ge [sflag:s2], $0x3000  }
0x25c: {  	[sflag:s2] =	ssyncset.done $0x0  }
0x25d: {  	[sflag:s2] =	ssyncadd.s32 $0xFFFFD000;
	_ =	sdelay $0x2  }
0x25e: {  	_ =	swait.ge [sflag:s2], $0x3000  }
0x25f: {  	[sflag:s2] =	ssyncset.done $0x0  }
0x260: {  	[sflag:s2] =	ssyncadd.s32 $0xFFFFD000;
	_ =	sdelay $0x2  }
0x261: {  	_ =	swait.ge [sflag:s2], $0x3000  }
0x262: {  	[sflag:s2] =	ssyncset.done $0x0  }
0x263: {  	[sflag:s2] =	ssyncadd.s32 $0xFFFFD000;
	_ =	sdelay $0x2  }
0x264: {  	_ =	swait.ge [sflag:s2], $0x3000  }
0x265: {  	[sflag:s2] =	ssyncset.done $0x0  }
0x266: {  	[sflag:s2] =	ssyncadd.s32 $0xFFFFD000;
	_ =	sdelay $0x2  }
0x267: {  	_ =	swait.ge [sflag:s2], $0x3000  }
0x268: {  	[sflag:s2] =	ssyncset.done $0x0  }
0x269: {  	[sflag:s2] =	ssyncadd.s32 $0xFFFFD000;
	_ =	sdelay $0x2  }
0x26a: {  	_ =	swait.ge [sflag:s2], $0x3000  }
0x26b: {  	[sflag:s2] =	ssyncset.done $0x0  }
0x26c: {  	[sflag:s2] =	ssyncadd.s32 $0xFFFFD000;
	_ =	sdelay $0x2  }
0x26d: {  	_ =	swait.ge [sflag:s2], $0x3000  }
0x26e: {  	[sflag:s2] =	ssyncset.done $0x0  }
0x26f: {  	[sflag:s2] =	ssyncadd.s32 $0xFFFFD000;
	_ =	sdelay $0x2  }
0x270: {  	_ =	swait.ge [sflag:s2], $0x3000  }
0x271: {  	[sflag:s2] =	ssyncset.done $0x0  }
0x272: {  	[sflag:s2] =	ssyncadd.s32 $0xFFFFD000;
	_ =	sdelay $0x2  }
0x273: {  	_ =	swait.ge [sflag:s2], $0x3000  }
0x274: {  	[sflag:s2] =	ssyncset.done $0x0  }
0x275: {  	[sflag:s2] =	ssyncadd.s32 $0xFFFFD000;
	_ =	sdelay $0x2  }
0x276: {  	_ =	swait.ge [sflag:s2], $0x3000  }
0x277: {  	[sflag:s2] =	ssyncset.done $0x0  }
0x278: {  	[sflag:s2] =	ssyncadd.s32 $0xFFFFD000;
	_ =	sdelay $0x2  }
0x279: {  	_ =	swait.ge [sflag:s2], $0x3000  }
0x27a: {  	[sflag:s2] =	ssyncset.done $0x0  }
0x27b: {  	[sflag:s2] =	ssyncadd.s32 $0xFFFFD000;
	_ =	sdelay $0x2  }
0x27c: {  	_ =	swait.ge [sflag:s2], $0x3000  }
0x27d: {  	[sflag:s2] =	ssyncset.done $0x0  }
0x27e: {  	[sflag:s2] =	ssyncadd.s32 $0xFFFFD000;
	_ =	sdelay $0x2  }
0x27f: {  	_ =	swait.ge [sflag:s2], $0x3000  }
0x280: {  	[sflag:s2] =	ssyncset.done $0x0  }
0x281: {  	[sflag:s2] =	ssyncadd.s32 $0xFFFFD000;
	_ =	sdelay $0x2  }
0x282: {  	_ =	swait.ge [sflag:s2], $0x3000  }
0x283: {  	[sflag:s2] =	ssyncset.done $0x0  }
0x284: {  	[sflag:s2] =	ssyncadd.s32 $0xFFFFD000;
	_ =	sdelay $0x2  }
0x285: {  	_ =	swait.ge [sflag:s2], $0x3000  }
0x286: {  	[sflag:s2] =	ssyncset.done $0x0  }
0x287: {  	[sflag:s2] =	ssyncadd.s32 $0xFFFFD000;
	_ =	sdelay $0x2  }
0x288: {  	_ =	swait.ge [sflag:s2], $0x3000  }
0x289: {  	[sflag:s2] =	ssyncset.done $0x0  }
0x28a: {  	[sflag:s2] =	ssyncadd.s32 $0xFFFFD000;
	_ =	sdelay $0x2  }
0x28b: {  	_ =	swait.ge [sflag:s2], $0x3000  }
0x28c: {  	[sflag:s2] =	ssyncset.done $0x0  }
0x28d: {  	[sflag:s2] =	ssyncadd.s32 $0xFFFFD000;
	_ =	sdelay $0x2  }
0x28e: {  	_ =	swait.ge [sflag:s2], $0x3000  }
0x28f: {  	[sflag:s2] =	ssyncset.done $0x0  }
0x290: {  	[sflag:s2] =	ssyncadd.s32 $0xFFFFD000;
	_ =	sdelay $0x2  }
0x291: {  	_ =	swait.ge [sflag:s2], $0x3000  }
0x292: {  	[sflag:s2] =	ssyncset.done $0x0  }
0x293: {  	[sflag:s2] =	ssyncadd.s32 $0xFFFFD000;
	_ =	sdelay $0x2  }
0x294: {  	_ =	swait.ge [sflag:s2], $0x3000  }
0x295: {  	[sflag:s2] =	ssyncset.done $0x0  }
0x296: {  	[sflag:s2] =	ssyncadd.s32 $0xFFFFD000;
	_ =	sdelay $0x2  }
0x297: {  	_ =	swait.ge [sflag:s2], $0x3000  }
0x298: {  	[sflag:s2] =	ssyncset.done $0x0  }
0x299: {  	[sflag:s2] =	ssyncadd.s32 $0xFFFFD000;
	_ =	sdelay $0x2  }
0x29a: {  	_ =	swait.ge [sflag:s2], $0x3000  }
0x29b: {  	[sflag:s2] =	ssyncset.done $0x0  }
0x29c: {  	[sflag:s2] =	ssyncadd.s32 $0xFFFFD000;
	_ =	sdelay $0x2  }
0x29d: {  	_ =	swait.ge [sflag:s2], $0x3000  }
0x29e: {  	[sflag:s2] =	ssyncset.done $0x0  }
0x29f: {  	[sflag:s2] =	ssyncadd.s32 $0xFFFFD000;
	_ =	sdelay $0x2  }
0x2a0: {  	_ =	swait.ge [sflag:s2], $0x3000  }
0x2a1: {  	[sflag:s2] =	ssyncset.done $0x0  }
0x2a2: {  	[sflag:s2] =	ssyncadd.s32 $0xFFFFD000;
	_ =	sdelay $0x2  }
0x2a3: {  	_ =	swait.ge [sflag:s2], $0x3000  }
0x2a4: {  	[sflag:s2] =	ssyncset.done $0x0  }
0x2a5: {  	[sflag:s2] =	ssyncadd.s32 $0xFFFFD000;
	_ =	sdelay $0x2  }
0x2a6: {  	_ =	swait.ge [sflag:s2], $0x3000  }
0x2a7: {  	[sflag:s2] =	ssyncset.done $0x0  }
0x2a8: {  	[sflag:s2] =	ssyncadd.s32 $0xFFFFD000;
	_ =	sdelay $0x2  }
0x2a9: {  	_ =	swait.ge [sflag:s2], $0x3000  }
0x2aa: {  	[sflag:s2] =	ssyncset.done $0x0  }
0x2ab: {  	[sflag:s2] =	ssyncadd.s32 $0xFFFFD000;
	_ =	sdelay $0x2  }
0x2ac: {  	_ =	swait.ge [sflag:s2], $0x3000  }
0x2ad: {  	[sflag:s2] =	ssyncset.done $0x0  }
0x2ae: {  	[sflag:s2] =	ssyncadd.s32 $0xFFFFD000;
	_ =	sdelay $0x2  }
0x2af: {  	_ =	swait.ge [sflag:s2], $0x3000  }
0x2b0: {  	[sflag:s2] =	ssyncset.done $0x0  }
0x2b1: {  	[sflag:s2] =	ssyncadd.s32 $0xFFFFD000;
	_ =	sdelay $0x2  }
0x2b2: {  	_ =	swait.ge [sflag:s2], $0x3000  }
0x2b3: {  	[sflag:s2] =	ssyncset.done $0x0  }
0x2b4: {  	[sflag:s2] =	ssyncadd.s32 $0xFFFFD000;
	_ =	sdelay $0x2  }
0x2b5: {  	_ =	swait.ge [sflag:s2], $0x3000  }
0x2b6: {  	[sflag:s2] =	ssyncset.done $0x0  }
0x2b7: {  	[sflag:s2] =	ssyncadd.s32 $0xFFFFD000;
	_ =	sdelay $0x2  }
0x2b8: {  	_ =	swait.ge [sflag:s2], $0x3000  }
0x2b9: {  	[sflag:s2] =	ssyncset.done $0x0  }
0x2ba: {  	[sflag:s2] =	ssyncadd.s32 $0xFFFFD000;
	_ =	sdelay $0x2  }
0x2bb: {  	_ =	swait.ge [sflag:s2], $0x3000  }
0x2bc: {  	[sflag:s2] =	ssyncset.done $0x0  }
0x2bd: {  	[sflag:s2] =	ssyncadd.s32 $0xFFFFD000;
	_ =	sdelay $0x2  }
0x2be: {  	_ =	swait.ge [sflag:s2], $0x3000  }
0x2bf: {  	[sflag:s2] =	ssyncset.done $0x0  }
0x2c0: {  	[sflag:s2] =	ssyncadd.s32 $0xFFFFD000;
	_ =	sdelay $0x2  }
0x2c1: {  	_ =	swait.ge [sflag:s2], $0x3000  }
0x2c2: {  	[sflag:s2] =	ssyncset.done $0x0  }
0x2c3: {  	[sflag:s2] =	ssyncadd.s32 $0xFFFFD000;
	_ =	sdelay $0x2  }
0x2c4: {  	_ =	swait.ge [sflag:s2], $0x3000  }
0x2c5: {  	[sflag:s2] =	ssyncset.done $0x0  }
0x2c6: {  	[sflag:s2] =	ssyncadd.s32 $0xFFFFD000;
	_ =	sdelay $0x2  }
0x2c7: {  	_ =	swait.ge [sflag:s2], $0x3000  }
0x2c8: {  	[sflag:s2] =	ssyncset.done $0x0  }
0x2c9: {  	[sflag:s2] =	ssyncadd.s32 $0xFFFFD000;
	_ =	sdelay $0x2  }
0x2ca: {  	_ =	swait.ge [sflag:s2], $0x3000  }
0x2cb: {  	[sflag:s2] =	ssyncset.done $0x0  }
0x2cc: {  	[sflag:s2] =	ssyncadd.s32 $0xFFFFD000;
	_ =	sdelay $0x2  }
0x2cd: {  	_ =	swait.ge [sflag:s2], $0x3000  }
0x2ce: {  	[sflag:s2] =	ssyncset.done $0x0  }
0x2cf: {  	[sflag:s2] =	ssyncadd.s32 $0xFFFFD000;
	_ =	sdelay $0x2  }
0x2d0: {  	_ =	swait.ge [sflag:s2], $0x3000  }
0x2d1: {  	[sflag:s2] =	ssyncset.done $0x0  }
0x2d2: {  	[sflag:s2] =	ssyncadd.s32 $0xFFFFD000;
	_ =	sdelay $0x2  }
0x2d3: {  	_ =	swait.ge [sflag:s2], $0x3000  }
0x2d4: {  	[sflag:s2] =	ssyncset.done $0x0  }
0x2d5: {  	[sflag:s2] =	ssyncadd.s32 $0xFFFFD000;
	_ =	sdelay $0x2  }
0x2d6: {  	_ =	swait.ge [sflag:s2], $0x3000  }
0x2d7: {  	[sflag:s2] =	ssyncset.done $0x0  }
0x2d8: {  	[sflag:s2] =	ssyncadd.s32 $0xFFFFD000;
	_ =	sdelay $0x2  }
0x2d9: {  	_ =	swait.ge [sflag:s2], $0x3000  }
0x2da: {  	[sflag:s2] =	ssyncset.done $0x0  }
0x2db: {  	[sflag:s2] =	ssyncadd.s32 $0xFFFFD000;
	_ =	sdelay $0x2  }
0x2dc: {  	_ =	swait.ge [sflag:s2], $0x3000  }
0x2dd: {  	[sflag:s2] =	ssyncset.done $0x0  }
0x2de: {  	[sflag:s2] =	ssyncadd.s32 $0xFFFFD000;
	_ =	sdelay $0x2  }
0x2df: {  	_ =	swait.ge [sflag:s2], $0x3000  }
0x2e0: {  	[sflag:s2] =	ssyncset.done $0x0  }
0x2e1: {  	[sflag:s2] =	ssyncadd.s32 $0xFFFFD000;
	_ =	sdelay $0x2  }
0x2e2: {  	_ =	swait.ge [sflag:s2], $0x3000  }
0x2e3: {  	[sflag:s2] =	ssyncset.done $0x0  }
0x2e4: {  	[sflag:s2] =	ssyncadd.s32 $0xFFFFD000;
	_ =	sdelay $0x2  }
0x2e5: {  	_ =	swait.ge [sflag:s2], $0x3000  }
0x2e6: {  	[sflag:s2] =	ssyncset.done $0x0  }
0x2e7: {  	[sflag:s2] =	ssyncadd.s32 $0xFFFFD000;
	_ =	sdelay $0x2  }
0x2e8: {  	_ =	swait.ge [sflag:s2], $0x3000  }
0x2e9: {  	[sflag:s2] =	ssyncset.done $0x0  }
0x2ea: {  	[sflag:s2] =	ssyncadd.s32 $0xFFFFD000;
	_ =	sdelay $0x2  }
0x2eb: {  	_ =	swait.ge [sflag:s2], $0x3000  }
0x2ec: {  	[sflag:s2] =	ssyncset.done $0x0  }
0x2ed: {  	[sflag:s2] =	ssyncadd.s32 $0xFFFFD000;
	_ =	sdelay $0x2  }
0x2ee: {  	_ =	swait.ge [sflag:s2], $0x3000  }
0x2ef: {  	[sflag:s2] =	ssyncset.done $0x0  }
0x2f0: {  	[sflag:s2] =	ssyncadd.s32 $0xFFFFD000;
	_ =	sdelay $0x2  }
0x2f1: {  	_ =	swait.ge [sflag:s2], $0x3000  }
0x2f2: {  	[sflag:s2] =	ssyncset.done $0x0  }
0x2f3: {  	[sflag:s2] =	ssyncadd.s32 $0xFFFFD000  }
0x2f4: {  	_ =	strace $0x90000046  }
0x2f5: {  	_ =	sfence  }
0x2f6: {  	s30 =	sld [smem:$0x0];
	_ =	sdelay $0x2  }
0x2f7: {  	s31 =	sshll.u32 s1, $0xD;
	s1 =	sshrl.u32 s1, $0x2  }
0x2f8: {  	s3 =	sand.u32 $0x4000, s31;
	s1 =	sadd.s32 s1, s30  }
0x2f9: {  	s0 =	sor.u32 s3, s0;
	s1 =	sshll.u32 s1, $0x11  }
0x2fa: {  	s0 =	sor.u32 s1, s0  }
0x2fb: {  	s0 =	sadd.s32 $0x8F2B, s0;
	(pc) =	sbr.abs _section_cstart, $3  }
0x2fc: {  	[sflag:s0] =	ssyncadd.remote.s32 $0x1  }
0x2fd: {  	_ =	strace $0x9FFFFFFF  }
0x2fe: {  	(tm) =	ssettm $0x7FFFFFFF  }
0x2ff: {  	_ =	shalt  }

</sc_bundles>
